<compile_context>
chip_gen: v7x
topology: tpu7x:2x2x1
jax: 0.10.2.dev20260603
libtpu: 0.0.44.dev20260713+nightly
codegen_flags: <defaults>
</compile_context>

<pallas_src>
import functools

import jax
import jax.numpy as jnp
from jax import lax
from jax.experimental import pallas as pl
from jax.experimental.pallas import tpu as pltpu
from jax.experimental.pallas import tpu_sc as plsc

NEG = -3.0e38
G = 128


def _sims_body(nk, kb, x_ref, k_ref, o_ref, cm_ref):
    j = pl.program_id(1)
    s = lax.dot_general(x_ref[...], k_ref[...], (((1,), (1,)), ((), ())),
                        preferred_element_type=jnp.float32)
    lane = lax.broadcasted_iota(jnp.int32, s.shape, 1)
    s = jnp.where(lane < nk - j * kb, s, NEG)
    o_ref[...] = s
    qt = s.shape[0]
    cm = jnp.max(s.reshape(qt, kb // G, G), axis=2)
    cm_ref[...] = cm.reshape(1, qt, kb // G)


def _sims_call(x, keys, nkp, qt, kb, interpret=False):
    nq, d = x.shape
    nk = keys.shape[0]
    nsec = nkp // kb
    cpb = kb // G
    return pl.pallas_call(
        functools.partial(_sims_body, nk, kb),
        grid=(nq // qt, nsec),
        in_specs=[
            pl.BlockSpec((qt, d), lambda i, j: (i, 0)),
            pl.BlockSpec((kb, d), lambda i, j: (j, 0)),
        ],
        out_specs=[
            pl.BlockSpec((qt, kb), lambda i, j: (i, j)),
            pl.BlockSpec((1, qt, cpb), lambda i, j: (j, i, 0)),
        ],
        out_shape=[
            jax.ShapeDtypeStruct((nq, nkp), jnp.float32),
            jax.ShapeDtypeStruct((nsec, nq, cpb), jnp.float32),
        ],
        compiler_params=pltpu.CompilerParams(
            dimension_semantics=("parallel", "arbitrary")),
        interpret=interpret,
    )(x, keys)


def _chunksel_body(k, cm_ref, cid_ref):
    cm = cm_ref[...]
    qb, c = cm.shape
    ci = lax.broadcasted_iota(jnp.int32, (qb, c), 1)
    ids = []
    for _ in range(k):
        m = jnp.max(cm, axis=1, keepdims=True)
        pos = jnp.min(jnp.where(cm == m, ci, c), axis=1, keepdims=True)
        ids.append(pos)
        cm = jnp.where(ci == pos, NEG, cm)
    cid_ref[...] = jnp.concatenate(ids, axis=1)


def _chunksel_call(cm2, k, qb, interpret=False):
    nq, c = cm2.shape
    return pl.pallas_call(
        functools.partial(_chunksel_body, k),
        grid=(nq // qb,),
        in_specs=[pl.BlockSpec((qb, c), lambda i: (i, 0))],
        out_specs=pl.BlockSpec((qb, k), lambda i: (i, 0)),
        out_shape=jax.ShapeDtypeStruct((nq, k), jnp.int32),
        interpret=interpret,
    )(cm2)


def _final_body(k, cand_ref, cid_ref, w_ref, idx_ref):
    v = cand_ref[...]
    cid = cid_ref[...]
    rows, nc = v.shape
    pi = lax.broadcasted_iota(jnp.int32, (rows, nc), 1)
    rk = lax.broadcasted_iota(jnp.int32, (rows, k), 1)
    vals, gidx = [], []
    for _ in range(k):
        m = jnp.max(v, axis=1, keepdims=True)
        pos = jnp.min(jnp.where(v == m, pi, nc), axis=1, keepdims=True)
        vals.append(m)
        rr = pos // G
        off = pos % G
        sel = jnp.sum(jnp.where(rk == rr, cid, 0), axis=1, keepdims=True)
        gidx.append(sel * G + off)
        v = jnp.where(pi == pos, NEG, v)
    vals = jnp.concatenate(vals, axis=1)
    e = jnp.exp(vals - vals[:, :1])
    w_ref[...] = e / jnp.sum(e, axis=1, keepdims=True)
    idx_ref[...] = jnp.concatenate(gidx, axis=1)


def _final_call(cand, cid, k, qb, interpret=False):
    nq = cand.shape[0]
    return pl.pallas_call(
        functools.partial(_final_body, k),
        grid=(nq // qb,),
        in_specs=[
            pl.BlockSpec((qb, cand.shape[1]), lambda i: (i, 0)),
            pl.BlockSpec((qb, k), lambda i: (i, 0)),
        ],
        out_specs=[
            pl.BlockSpec((qb, k), lambda i: (i, 0)),
            pl.BlockSpec((qb, k), lambda i: (i, 0)),
        ],
        out_shape=[
            jax.ShapeDtypeStruct((nq, k), jnp.float32),
            jax.ShapeDtypeStruct((nq, k), jnp.int32),
        ],
        interpret=interpret,
    )(cand, cid)


def _sc_gather(table, idx, chunk):
    b = idx.shape[0]
    d = table.shape[1]
    info = plsc.get_sparse_core_info()
    ncores, nsub = info.num_cores, info.num_subcores
    nw = ncores * nsub
    bpw = b // nw
    steps = bpw // chunk
    mesh = plsc.VectorSubcoreMesh(core_axis_name="c", subcore_axis_name="s")

    @functools.partial(
        pl.kernel, mesh=mesh,
        out_type=jax.ShapeDtypeStruct((b, d), jnp.float32),
        scratch_types=[
            pltpu.VMEM((chunk,), jnp.int32),
            pltpu.VMEM((chunk, d), jnp.float32),
            pltpu.SemaphoreType.DMA,
        ],
    )
    def k(table_hbm, idx_hbm, out_hbm, idx_v, rows_v, sem):
        wid = lax.axis_index("s") * ncores + lax.axis_index("c")

        def body(i, carry):
            base = wid * bpw + i * chunk
            pltpu.sync_copy(idx_hbm.at[pl.ds(base, chunk)], idx_v)
            pltpu.async_copy(table_hbm.at[idx_v], rows_v, sem).wait()
            pltpu.sync_copy(rows_v, out_hbm.at[pl.ds(base, chunk)])
            return carry

        lax.fori_loop(0, steps, body, 0)

    return k(table, idx)


def _row_encode_normalize(a):
    mean = a.mean(axis=-1, keepdims=True)
    std = jnp.std(a, axis=-1, keepdims=True, ddof=1) + 1e-06
    xn = (a - mean) / std
    n = jnp.linalg.norm(xn, axis=1, keepdims=True)
    return xn / jnp.maximum(n, 1e-12)


def kernel(x, X_train, Y_train):
    qt, kb, qb_sel, qb_fin, sc_chunk = 2048, 1024, 1024, 512, 640
    nq, d = x.shape
    nk = Y_train.shape[0]
    k = 20
    nkp = ((nk + kb - 1) // kb) * kb
    c = nkp // G

    qn = _row_encode_normalize(x)
    rn = _row_encode_normalize(X_train)
    sims, cm3 = _sims_call(qn, rn, nkp, qt, kb)
    cm2 = cm3.transpose(1, 0, 2).reshape(nq, c)
    cid = _chunksel_call(cm2, k, qb_sel)

    flat_cid = (jnp.arange(nq, dtype=jnp.int32)[:, None] * c + cid).reshape(-1)
    cand = _sc_gather(sims.reshape(nq * c, G), flat_cid, sc_chunk)
    cand = cand.reshape(nq, k * G)

    w, idx = _final_call(cand, cid, k, qb_fin)
    flat_idx = idx.reshape(-1)
    dy = Y_train.shape[1]
    ypad = jnp.pad(Y_train, ((0, 0), (0, 128 - dy))) if dy < 128 else Y_train
    yk = _sc_gather(ypad, flat_idx, sc_chunk)[:, :dy]
    return w, yk.reshape(nq, k, dy)

# --- scband reference (transcript-rebuilt; emitter-appended) ---
"""Pipeline reference for scband-global-retriever-5729486373216 (READ-ONLY COPY).

The authoritative reference and input builder live on the scoring server;
editing this copy changes nothing except your own understanding.
"""

import jax, jax.numpy as jnp
import numpy as np


def _enc(x):
    mean = x.mean(axis=-1, keepdims=True)
    std = jnp.std(x, axis=-1, keepdims=True, ddof=1) + 1e-06
    xn = (x - mean) / std
    return xn.reshape(x.shape[0], -1)


def _normalize(x, axis=1, eps=1e-12):
    n = jnp.linalg.norm(x, axis=axis, keepdims=True)
    return x / jnp.maximum(n, eps)


def setup_inputs(seed: int = 0) -> dict:
    key = jax.random.key(seed)
    k1, k2, k3 = jax.random.split(key, 3)
    x = jax.random.normal(k1, (4096, 512), dtype=jnp.float32)
    X_train = jax.random.normal(k2, (100000, 512), dtype=jnp.float32)
    Y_train = jax.random.normal(k3, (100000, 64), dtype=jnp.float32)
    return {"x": x, "X_train": X_train, "Y_train": Y_train}


def reference(x, X_train, Y_train):
    topk = 20
    # build(): buffers are detached encodings of the training set
    X_ref = _enc(X_train)
    Y_ref = Y_train
    # retrieve():
    q = _enc(x)
    qn = _normalize(q, axis=1)
    rn = _normalize(X_ref, axis=1)
    sims = jnp.matmul(qn, rn.T)
    k = min(topk, sims.shape[1])
    vals, idx = jax.lax.top_k(sims, k)
    Yk = Y_ref[idx]
    weights = jax.nn.softmax(vals, axis=1)
    return (weights, Yk)

if __name__ == "__main__":
    import jax
    _d = setup_inputs()
    print(jax.jit(kernel)(*tuple(_d.values())))

</pallas_src>

<mosaic_0001>
#map = affine_map<(d0, d1) -> (0, 0)>
#map1 = affine_map<(d0, d1) -> (0)>
module attributes {stable_mosaic.version = 14 : i64} {
  func.func @k(%arg0: i32, %arg1: i32, %arg2: memref<100000x128xf32, #tpu.memory_space<hbm>>, %arg3: memref<81920xi32, #tpu.memory_space<hbm>>, %arg4: memref<81920x128xf32, #tpu.memory_space<hbm>>, %arg5: memref<640xi32, #tpu.memory_space<vmem>>, %arg6: memref<640x128xf32, #tpu.memory_space<vmem>>, %arg7: memref<!tpu.dma_semaphore, #tpu.memory_space<semaphore_mem>>) attributes {dimension_semantics = [#tpu.dimension_semantics<core_parallel>, #tpu.dimension_semantics<subcore_parallel>], iteration_bounds = array<i64: 2, 16>, scalar_prefetch = 0 : i64, scratch_operands = 3 : i64, tpu.core_type = #tpu.core_type<sc_vector_subcore>, window_params = [{transform_indices = #map}, {transform_indices = #map1}, {transform_indices = #map}]} {
    %mul3A = arith.constant 2 : i32
    %mul3A_0 = arith.muli %arg1, %mul3A : i32
    %add3A = arith.addi %mul3A_0, %arg0 : i32
    %scan3A = arith.constant 0 : i32
    %scan3A_1 = arith.constant 0 : i32
    %scan3A_2 = arith.constant 4 : i32
    %scan3A_3 = arith.addi %scan3A_1, %scan3A_2 : i32
    %scan3A_4 = arith.constant 1 : i32
    scf.for %scan3A_6 = %scan3A_1 to %scan3A_3 step %scan3A_4  : i32 {
      %mul3A_7 = arith.constant 2560 : i32
      %mul3A_8 = arith.muli %add3A, %mul3A_7 : i32
      %mul3A_9 = arith.constant 640 : i32
      %mul3A_10 = arith.muli %scan3A_6, %mul3A_9 : i32
      %add3A_11 = arith.addi %mul3A_8, %mul3A_10 : i32
      "tpu.region"() ({
        %run_scoped3A = tpu.sem_alloc : memref<!tpu.dma_semaphore, #tpu.memory_space<semaphore_mem>>
        %dma_start3A_16 = tpu.memref_slice %arg3[%add3A_11] : memref<81920xi32, #tpu.memory_space<hbm>> -> memref<640xi32, #tpu.memory_space<hbm>>
        %dma_start3A_17 = tpu.memref_slice %arg3[%add3A_11] : memref<81920xi32, #tpu.memory_space<hbm>> -> memref<640xi32, #tpu.memory_space<hbm>>
        tpu.enqueue_dma source(%dma_start3A_17 : memref<640xi32, #tpu.memory_space<hbm>>) target(%arg5 : memref<640xi32, #tpu.memory_space<vmem>>) target_semaphore(%run_scoped3A : memref<!tpu.dma_semaphore, #tpu.memory_space<semaphore_mem>>)
        %dma_wait3A_18 = tpu.memref_slice %arg3[%add3A_11] : memref<81920xi32, #tpu.memory_space<hbm>> -> memref<640xi32, #tpu.memory_space<hbm>>
        %dma_wait3A_19 = tpu.memref_slice %arg3[%add3A_11] : memref<81920xi32, #tpu.memory_space<hbm>> -> memref<640xi32, #tpu.memory_space<hbm>>
        tpu.wait_dma2 semaphore(%run_scoped3A : memref<!tpu.dma_semaphore, #tpu.memory_space<semaphore_mem>>) src(%dma_wait3A_19 : memref<640xi32, #tpu.memory_space<hbm>>) dst(%arg5 : memref<640xi32, #tpu.memory_space<vmem>>)
        tpu.yield
      }) : () -> ()
      %dma_start3A = arith.constant 0 : i32
      %dma_start3A_12 = arith.constant 0 : i32
      %dma_start3A_13 = tpu.memref_slice %arg2[%dma_start3A, %dma_start3A_12] : memref<100000x128xf32, #tpu.memory_space<hbm>> -> memref<100000x128xf32, #tpu.memory_space<hbm>>
      tpu.enqueue_indirect_dma source(%dma_start3A_13 : memref<100000x128xf32, #tpu.memory_space<hbm>>) target(%arg6 : memref<640x128xf32, #tpu.memory_space<vmem>>) offsets(%arg5 : memref<640xi32, #tpu.memory_space<vmem>>) semaphore(%arg7 : memref<!tpu.dma_semaphore, #tpu.memory_space<semaphore_mem>>)
      %dma_wait3A = arith.constant 0 : i32
      %dma_wait3A_14 = arith.constant 0 : i32
      %dma_wait3A_15 = tpu.memref_slice %arg2[%dma_wait3A, %dma_wait3A_14] : memref<100000x128xf32, #tpu.memory_space<hbm>> -> memref<100000x128xf32, #tpu.memory_space<hbm>>
      tpu.wait_indirect_dma semaphore(%arg7 : memref<!tpu.dma_semaphore, #tpu.memory_space<semaphore_mem>>) src(%dma_wait3A_15 : memref<100000x128xf32, #tpu.memory_space<hbm>>) dst(%arg6 : memref<640x128xf32, #tpu.memory_space<vmem>>)
      "tpu.region"() ({
        %run_scoped3A = tpu.sem_alloc : memref<!tpu.dma_semaphore, #tpu.memory_space<semaphore_mem>>
        %dma_start3A_16 = arith.constant 0 : i32
        %dma_start3A_17 = tpu.memref_slice %arg4[%add3A_11, %dma_start3A_16] : memref<81920x128xf32, #tpu.memory_space<hbm>> -> memref<640x128xf32, #tpu.memory_space<hbm>>
        %dma_start3A_18 = arith.constant 0 : i32
        %dma_start3A_19 = tpu.memref_slice %arg4[%add3A_11, %dma_start3A_18] : memref<81920x128xf32, #tpu.memory_space<hbm>> -> memref<640x128xf32, #tpu.memory_space<hbm>>
        tpu.enqueue_dma source(%arg6 : memref<640x128xf32, #tpu.memory_space<vmem>>) target(%dma_start3A_19 : memref<640x128xf32, #tpu.memory_space<hbm>>) target_semaphore(%run_scoped3A : memref<!tpu.dma_semaphore, #tpu.memory_space<semaphore_mem>>)
        %dma_wait3A_20 = arith.constant 0 : i32
        %dma_wait3A_21 = tpu.memref_slice %arg4[%add3A_11, %dma_wait3A_20] : memref<81920x128xf32, #tpu.memory_space<hbm>> -> memref<640x128xf32, #tpu.memory_space<hbm>>
        %dma_wait3A_22 = arith.constant 0 : i32
        %dma_wait3A_23 = tpu.memref_slice %arg4[%add3A_11, %dma_wait3A_22] : memref<81920x128xf32, #tpu.memory_space<hbm>> -> memref<640x128xf32, #tpu.memory_space<hbm>>
        tpu.wait_dma2 semaphore(%run_scoped3A : memref<!tpu.dma_semaphore, #tpu.memory_space<semaphore_mem>>) src(%arg6 : memref<640x128xf32, #tpu.memory_space<vmem>>) dst(%dma_wait3A_23 : memref<640x128xf32, #tpu.memory_space<hbm>>)
        tpu.yield
      }) : () -> ()
    }
    %scan3A_5 = arith.constant 4 : i32
    return
  }
}

#map = affine_map<(d0, d1) -> (0, 0)>
#map1 = affine_map<(d0, d1) -> (0)>
module attributes {stable_mosaic.version = 14 : i64} {
  func.func @k(%arg0: i32, %arg1: i32, %arg2: memref<3211264x128xf32, #tpu.memory_space<hbm>>, %arg3: memref<81920xi32, #tpu.memory_space<hbm>>, %arg4: memref<81920x128xf32, #tpu.memory_space<hbm>>, %arg5: memref<640xi32, #tpu.memory_space<vmem>>, %arg6: memref<640x128xf32, #tpu.memory_space<vmem>>, %arg7: memref<!tpu.dma_semaphore, #tpu.memory_space<semaphore_mem>>) attributes {dimension_semantics = [#tpu.dimension_semantics<core_parallel>, #tpu.dimension_semantics<subcore_parallel>], iteration_bounds = array<i64: 2, 16>, scalar_prefetch = 0 : i64, scratch_operands = 3 : i64, tpu.core_type = #tpu.core_type<sc_vector_subcore>, window_params = [{transform_indices = #map}, {transform_indices = #map1}, {transform_indices = #map}]} {
    %mul3A = arith.constant 2 : i32
    %mul3A_0 = arith.muli %arg1, %mul3A : i32
    %add3A = arith.addi %mul3A_0, %arg0 : i32
    %scan3A = arith.constant 0 : i32
    %scan3A_1 = arith.constant 0 : i32
    %scan3A_2 = arith.constant 4 : i32
    %scan3A_3 = arith.addi %scan3A_1, %scan3A_2 : i32
    %scan3A_4 = arith.constant 1 : i32
    scf.for %scan3A_6 = %scan3A_1 to %scan3A_3 step %scan3A_4  : i32 {
      %mul3A_7 = arith.constant 2560 : i32
      %mul3A_8 = arith.muli %add3A, %mul3A_7 : i32
      %mul3A_9 = arith.constant 640 : i32
      %mul3A_10 = arith.muli %scan3A_6, %mul3A_9 : i32
      %add3A_11 = arith.addi %mul3A_8, %mul3A_10 : i32
      "tpu.region"() ({
        %run_scoped3A = tpu.sem_alloc : memref<!tpu.dma_semaphore, #tpu.memory_space<semaphore_mem>>
        %dma_start3A_16 = tpu.memref_slice %arg3[%add3A_11] : memref<81920xi32, #tpu.memory_space<hbm>> -> memref<640xi32, #tpu.memory_space<hbm>>
        %dma_start3A_17 = tpu.memref_slice %arg3[%add3A_11] : memref<81920xi32, #tpu.memory_space<hbm>> -> memref<640xi32, #tpu.memory_space<hbm>>
        tpu.enqueue_dma source(%dma_start3A_17 : memref<640xi32, #tpu.memory_space<hbm>>) target(%arg5 : memref<640xi32, #tpu.memory_space<vmem>>) target_semaphore(%run_scoped3A : memref<!tpu.dma_semaphore, #tpu.memory_space<semaphore_mem>>)
        %dma_wait3A_18 = tpu.memref_slice %arg3[%add3A_11] : memref<81920xi32, #tpu.memory_space<hbm>> -> memref<640xi32, #tpu.memory_space<hbm>>
        %dma_wait3A_19 = tpu.memref_slice %arg3[%add3A_11] : memref<81920xi32, #tpu.memory_space<hbm>> -> memref<640xi32, #tpu.memory_space<hbm>>
        tpu.wait_dma2 semaphore(%run_scoped3A : memref<!tpu.dma_semaphore, #tpu.memory_space<semaphore_mem>>) src(%dma_wait3A_19 : memref<640xi32, #tpu.memory_space<hbm>>) dst(%arg5 : memref<640xi32, #tpu.memory_space<vmem>>)
        tpu.yield
      }) : () -> ()
      %dma_start3A = arith.constant 0 : i32
      %dma_start3A_12 = arith.constant 0 : i32
      %dma_start3A_13 = tpu.memref_slice %arg2[%dma_start3A, %dma_start3A_12] : memref<3211264x128xf32, #tpu.memory_space<hbm>> -> memref<3211264x128xf32, #tpu.memory_space<hbm>>
      tpu.enqueue_indirect_dma source(%dma_start3A_13 : memref<3211264x128xf32, #tpu.memory_space<hbm>>) target(%arg6 : memref<640x128xf32, #tpu.memory_space<vmem>>) offsets(%arg5 : memref<640xi32, #tpu.memory_space<vmem>>) semaphore(%arg7 : memref<!tpu.dma_semaphore, #tpu.memory_space<semaphore_mem>>)
      %dma_wait3A = arith.constant 0 : i32
      %dma_wait3A_14 = arith.constant 0 : i32
      %dma_wait3A_15 = tpu.memref_slice %arg2[%dma_wait3A, %dma_wait3A_14] : memref<3211264x128xf32, #tpu.memory_space<hbm>> -> memref<3211264x128xf32, #tpu.memory_space<hbm>>
      tpu.wait_indirect_dma semaphore(%arg7 : memref<!tpu.dma_semaphore, #tpu.memory_space<semaphore_mem>>) src(%dma_wait3A_15 : memref<3211264x128xf32, #tpu.memory_space<hbm>>) dst(%arg6 : memref<640x128xf32, #tpu.memory_space<vmem>>)
      "tpu.region"() ({
        %run_scoped3A = tpu.sem_alloc : memref<!tpu.dma_semaphore, #tpu.memory_space<semaphore_mem>>
        %dma_start3A_16 = arith.constant 0 : i32
        %dma_start3A_17 = tpu.memref_slice %arg4[%add3A_11, %dma_start3A_16] : memref<81920x128xf32, #tpu.memory_space<hbm>> -> memref<640x128xf32, #tpu.memory_space<hbm>>
        %dma_start3A_18 = arith.constant 0 : i32
        %dma_start3A_19 = tpu.memref_slice %arg4[%add3A_11, %dma_start3A_18] : memref<81920x128xf32, #tpu.memory_space<hbm>> -> memref<640x128xf32, #tpu.memory_space<hbm>>
        tpu.enqueue_dma source(%arg6 : memref<640x128xf32, #tpu.memory_space<vmem>>) target(%dma_start3A_19 : memref<640x128xf32, #tpu.memory_space<hbm>>) target_semaphore(%run_scoped3A : memref<!tpu.dma_semaphore, #tpu.memory_space<semaphore_mem>>)
        %dma_wait3A_20 = arith.constant 0 : i32
        %dma_wait3A_21 = tpu.memref_slice %arg4[%add3A_11, %dma_wait3A_20] : memref<81920x128xf32, #tpu.memory_space<hbm>> -> memref<640x128xf32, #tpu.memory_space<hbm>>
        %dma_wait3A_22 = arith.constant 0 : i32
        %dma_wait3A_23 = tpu.memref_slice %arg4[%add3A_11, %dma_wait3A_22] : memref<81920x128xf32, #tpu.memory_space<hbm>> -> memref<640x128xf32, #tpu.memory_space<hbm>>
        tpu.wait_dma2 semaphore(%run_scoped3A : memref<!tpu.dma_semaphore, #tpu.memory_space<semaphore_mem>>) src(%arg6 : memref<640x128xf32, #tpu.memory_space<vmem>>) dst(%dma_wait3A_23 : memref<640x128xf32, #tpu.memory_space<hbm>>)
        tpu.yield
      }) : () -> ()
    }
    %scan3A_5 = arith.constant 4 : i32
    return
  }
}

module attributes {stable_mosaic.version = 14 : i64} {
  func.func @_sims_body(%arg0: i32, %arg1: i32, %arg2: memref<2048x512xf32, #tpu.memory_space<vmem>>, %arg3: memref<1024x512xf32, #tpu.memory_space<vmem>>, %arg4: memref<2048x1024xf32, #tpu.memory_space<vmem>>, %arg5: memref<1x2048x8xf32, #tpu.memory_space<vmem>>) attributes {dimension_semantics = [#tpu.dimension_semantics<parallel>, #tpu.dimension_semantics<arbitrary>], iteration_bounds = array<i64: 2, 98>, scalar_prefetch = 0 : i64, scratch_operands = 0 : i64, tpu.core_type = #tpu.core_type<tc>, window_params = [{transform_indices = @transform_0, window_bounds = array<i64: 2048, 512>}, {transform_indices = @transform_1, window_bounds = array<i64: 1024, 512>}, {transform_indices = @transform_2, window_bounds = array<i64: 2048, 1024>}, {transform_indices = @transform_3, window_bounds = array<i64: 1, 2048, 8>}]} {
    %get3A = arith.constant 0 : index
    %get3A_0 = arith.constant 0 : index
    %get3A_1 = vector.load %arg2[%get3A, %get3A_0] : memref<2048x512xf32, #tpu.memory_space<vmem>>, vector<2048x512xf32>
    %get3A_2 = arith.constant 0 : index
    %get3A_3 = arith.constant 0 : index
    %get3A_4 = vector.load %arg3[%get3A_2, %get3A_3] : memref<1024x512xf32, #tpu.memory_space<vmem>>, vector<1024x512xf32>
    %dot_general3A = arith.constant dense<0.000000e+00> : vector<2048x1024xf32>
    %dot_general3A_5 = tpu.matmul %get3A_1, %get3A_4, %dot_general3A {dimension_numbers = #tpu.dot_dimension_numbers<[1], [1], [0], [0], [0, 0, 1, 0], [], []>, transpose_lhs_hint = false} : vector<2048x512xf32>, vector<1024x512xf32>, vector<2048x1024xf32> -> vector<2048x1024xf32>
    %iota3A = tpu.iota {dimensions = array<i32: 1>} : vector<2048x1024xi32>
    %mul3A = arith.constant 1024 : i32
    %mul3A_6 = arith.muli %arg1, %mul3A : i32
    %sub3A = arith.constant 100000 : i32
    %sub3A_7 = arith.subi %sub3A, %mul3A_6 : i32
    %lt3A = vector.broadcast %sub3A_7 : i32 to vector<2048x1024xi32>
    %lt3A_8 = arith.cmpi slt, %iota3A, %lt3A : vector<2048x1024xi32>
    %jit3A = arith.constant -3.000000e+38 : f32
    %broadcast_in_dim3A = vector.broadcast %jit3A : f32 to vector<2048x1024xf32>
    %select_n3A = arith.select %lt3A_8, %dot_general3A_5, %broadcast_in_dim3A : vector<2048x1024xi1>, vector<2048x1024xf32>
    %swap3A = arith.constant 0 : index
    %swap3A_9 = arith.constant 0 : index
    %swap3A_10 = vector.load %arg4[%swap3A, %swap3A_9] : memref<2048x1024xf32, #tpu.memory_space<vmem>>, vector<2048x1024xf32>
    tpu.vector_store %arg4[%swap3A, %swap3A_9], %select_n3A {strides = array<i32>} : memref<2048x1024xf32, #tpu.memory_space<vmem>>, vector<2048x1024xf32>,
    %reshape3A = vector.shape_cast %select_n3A : vector<2048x1024xf32> to vector<2048x8x128xf32>
    %reduce_max3A = arith.constant dense<0xFF800000> : vector<2048x8xf32>
    %reduce_max3A_11 = vector.multi_reduction <maximumf>, %reshape3A, %reduce_max3A [2] : vector<2048x8x128xf32> to vector<2048x8xf32>
    %reshape3A_12 = vector.shape_cast %reduce_max3A_11 : vector<2048x8xf32> to vector<1x2048x8xf32>
    %swap3A_13 = arith.constant 0 : index
    %swap3A_14 = arith.constant 0 : index
    %swap3A_15 = arith.constant 0 : index
    %swap3A_16 = vector.load %arg5[%swap3A_13, %swap3A_14, %swap3A_15] : memref<1x2048x8xf32, #tpu.memory_space<vmem>>, vector<1x2048x8xf32>
    tpu.vector_store %arg5[%swap3A_13, %swap3A_14, %swap3A_15], %reshape3A_12 {strides = array<i32>} : memref<1x2048x8xf32, #tpu.memory_space<vmem>>, vector<1x2048x8xf32>,
    return
  }
  func.func @transform_0(%arg0: i32, %arg1: i32) -> (i32, i32) {
    %c0_i32 = arith.constant 0 : i32
    %c0_i32_0 = arith.constant 0 : i32
    return %arg0, %c0_i32 : i32, i32
  }
  func.func @transform_1(%arg0: i32, %arg1: i32) -> (i32, i32) {
    %c0_i32 = arith.constant 0 : i32
    %c0_i32_0 = arith.constant 0 : i32
    return %arg1, %c0_i32 : i32, i32
  }
  func.func @transform_2(%arg0: i32, %arg1: i32) -> (i32, i32) {
    %c0_i32 = arith.constant 0 : i32
    return %arg0, %arg1 : i32, i32
  }
  func.func @transform_3(%arg0: i32, %arg1: i32) -> (i32, i32, i32) {
    %c0_i32 = arith.constant 0 : i32
    %c0_i32_0 = arith.constant 0 : i32
    return %arg1, %arg0, %c0_i32 : i32, i32, i32
  }
}

module attributes {stable_mosaic.version = 14 : i64} {
  func.func @_chunksel_body(%arg0: i32, %arg1: memref<1024x784xf32, #tpu.memory_space<vmem>>, %arg2: memref<1024x20xi32, #tpu.memory_space<vmem>>) attributes {dimension_semantics = [#tpu.dimension_semantics<arbitrary>], iteration_bounds = array<i64: 4>, scalar_prefetch = 0 : i64, scratch_operands = 0 : i64, tpu.core_type = #tpu.core_type<tc>, window_params = [{transform_indices = @transform_0, window_bounds = array<i64: 1024, 784>}, {transform_indices = @transform_1, window_bounds = array<i64: 1024, 20>}]} {
    %get3A = arith.constant 0 : index
    %get3A_0 = arith.constant 0 : index
    %get3A_1 = vector.load %arg1[%get3A, %get3A_0] : memref<1024x784xf32, #tpu.memory_space<vmem>>, vector<1024x784xf32>
    %iota3A = tpu.iota {dimensions = array<i32: 1>} : vector<1024x784xi32>
    %reduce_max3A = arith.constant dense<0xFF800000> : vector<1024xf32>
    %reduce_max3A_2 = vector.multi_reduction <maximumf>, %get3A_1, %reduce_max3A [1] : vector<1024x784xf32> to vector<1024xf32>
    %broadcast_in_dim3A = vector.shape_cast %reduce_max3A_2 : vector<1024xf32> to vector<1024x1xf32>
    %eq3A = vector.broadcast %broadcast_in_dim3A : vector<1024x1xf32> to vector<1024x784xf32>
    %eq3A_3 = arith.cmpf oeq, %get3A_1, %eq3A : vector<1024x784xf32>
    %jit3A = arith.constant 784 : i32
    %broadcast_in_dim3A_4 = vector.broadcast %jit3A : i32 to vector<1024x784xi32>
    %select_n3A = arith.select %eq3A_3, %iota3A, %broadcast_in_dim3A_4 : vector<1024x784xi1>, vector<1024x784xi32>
    %reduce_min3A = arith.constant dense<2147483647> : vector<1024xi32>
    %reduce_min3A_5 = vector.multi_reduction <minsi>, %select_n3A, %reduce_min3A [1] : vector<1024x784xi32> to vector<1024xi32>
    %broadcast_in_dim3A_6 = vector.shape_cast %reduce_min3A_5 : vector<1024xi32> to vector<1024x1xi32>
    %eq3A_7 = vector.broadcast %broadcast_in_dim3A_6 : vector<1024x1xi32> to vector<1024x784xi32>
    %eq3A_8 = arith.cmpi eq, %iota3A, %eq3A_7 : vector<1024x784xi32>
    %jit3A_9 = arith.constant -3.000000e+38 : f32
    %broadcast_in_dim3A_10 = vector.broadcast %jit3A_9 : f32 to vector<1024x784xf32>
    %select_n3A_11 = arith.select %eq3A_8, %broadcast_in_dim3A_10, %get3A_1 : vector<1024x784xi1>, vector<1024x784xf32>
    %reduce_max3A_12 = arith.constant dense<0xFF800000> : vector<1024xf32>
    %reduce_max3A_13 = vector.multi_reduction <maximumf>, %select_n3A_11, %reduce_max3A_12 [1] : vector<1024x784xf32> to vector<1024xf32>
    %broadcast_in_dim3A_14 = vector.shape_cast %reduce_max3A_13 : vector<1024xf32> to vector<1024x1xf32>
    %eq3A_15 = vector.broadcast %broadcast_in_dim3A_14 : vector<1024x1xf32> to vector<1024x784xf32>
    %eq3A_16 = arith.cmpf oeq, %select_n3A_11, %eq3A_15 : vector<1024x784xf32>
    %jit3A_17 = arith.constant 784 : i32
    %broadcast_in_dim3A_18 = vector.broadcast %jit3A_17 : i32 to vector<1024x784xi32>
    %select_n3A_19 = arith.select %eq3A_16, %iota3A, %broadcast_in_dim3A_18 : vector<1024x784xi1>, vector<1024x784xi32>
    %reduce_min3A_20 = arith.constant dense<2147483647> : vector<1024xi32>
    %reduce_min3A_21 = vector.multi_reduction <minsi>, %select_n3A_19, %reduce_min3A_20 [1] : vector<1024x784xi32> to vector<1024xi32>
    %broadcast_in_dim3A_22 = vector.shape_cast %reduce_min3A_21 : vector<1024xi32> to vector<1024x1xi32>
    %eq3A_23 = vector.broadcast %broadcast_in_dim3A_22 : vector<1024x1xi32> to vector<1024x784xi32>
    %eq3A_24 = arith.cmpi eq, %iota3A, %eq3A_23 : vector<1024x784xi32>
    %jit3A_25 = arith.constant -3.000000e+38 : f32
    %broadcast_in_dim3A_26 = vector.broadcast %jit3A_25 : f32 to vector<1024x784xf32>
    %select_n3A_27 = arith.select %eq3A_24, %broadcast_in_dim3A_26, %select_n3A_11 : vector<1024x784xi1>, vector<1024x784xf32>
    %reduce_max3A_28 = arith.constant dense<0xFF800000> : vector<1024xf32>
    %reduce_max3A_29 = vector.multi_reduction <maximumf>, %select_n3A_27, %reduce_max3A_28 [1] : vector<1024x784xf32> to vector<1024xf32>
    %broadcast_in_dim3A_30 = vector.shape_cast %reduce_max3A_29 : vector<1024xf32> to vector<1024x1xf32>
    %eq3A_31 = vector.broadcast %broadcast_in_dim3A_30 : vector<1024x1xf32> to vector<1024x784xf32>
    %eq3A_32 = arith.cmpf oeq, %select_n3A_27, %eq3A_31 : vector<1024x784xf32>
    %jit3A_33 = arith.constant 784 : i32
    %broadcast_in_dim3A_34 = vector.broadcast %jit3A_33 : i32 to vector<1024x784xi32>
    %select_n3A_35 = arith.select %eq3A_32, %iota3A, %broadcast_in_dim3A_34 : vector<1024x784xi1>, vector<1024x784xi32>
    %reduce_min3A_36 = arith.constant dense<2147483647> : vector<1024xi32>
    %reduce_min3A_37 = vector.multi_reduction <minsi>, %select_n3A_35, %reduce_min3A_36 [1] : vector<1024x784xi32> to vector<1024xi32>
    %broadcast_in_dim3A_38 = vector.shape_cast %reduce_min3A_37 : vector<1024xi32> to vector<1024x1xi32>
    %eq3A_39 = vector.broadcast %broadcast_in_dim3A_38 : vector<1024x1xi32> to vector<1024x784xi32>
    %eq3A_40 = arith.cmpi eq, %iota3A, %eq3A_39 : vector<1024x784xi32>
    %jit3A_41 = arith.constant -3.000000e+38 : f32
    %broadcast_in_dim3A_42 = vector.broadcast %jit3A_41 : f32 to vector<1024x784xf32>
    %select_n3A_43 = arith.select %eq3A_40, %broadcast_in_dim3A_42, %select_n3A_27 : vector<1024x784xi1>, vector<1024x784xf32>
    %reduce_max3A_44 = arith.constant dense<0xFF800000> : vector<1024xf32>
    %reduce_max3A_45 = vector.multi_reduction <maximumf>, %select_n3A_43, %reduce_max3A_44 [1] : vector<1024x784xf32> to vector<1024xf32>
    %broadcast_in_dim3A_46 = vector.shape_cast %reduce_max3A_45 : vector<1024xf32> to vector<1024x1xf32>
    %eq3A_47 = vector.broadcast %broadcast_in_dim3A_46 : vector<1024x1xf32> to vector<1024x784xf32>
    %eq3A_48 = arith.cmpf oeq, %select_n3A_43, %eq3A_47 : vector<1024x784xf32>
    %jit3A_49 = arith.constant 784 : i32
    %broadcast_in_dim3A_50 = vector.broadcast %jit3A_49 : i32 to vector<1024x784xi32>
    %select_n3A_51 = arith.select %eq3A_48, %iota3A, %broadcast_in_dim3A_50 : vector<1024x784xi1>, vector<1024x784xi32>
    %reduce_min3A_52 = arith.constant dense<2147483647> : vector<1024xi32>
    %reduce_min3A_53 = vector.multi_reduction <minsi>, %select_n3A_51, %reduce_min3A_52 [1] : vector<1024x784xi32> to vector<1024xi32>
    %broadcast_in_dim3A_54 = vector.shape_cast %reduce_min3A_53 : vector<1024xi32> to vector<1024x1xi32>
    %eq3A_55 = vector.broadcast %broadcast_in_dim3A_54 : vector<1024x1xi32> to vector<1024x784xi32>
    %eq3A_56 = arith.cmpi eq, %iota3A, %eq3A_55 : vector<1024x784xi32>
    %jit3A_57 = arith.constant -3.000000e+38 : f32
    %broadcast_in_dim3A_58 = vector.broadcast %jit3A_57 : f32 to vector<1024x784xf32>
    %select_n3A_59 = arith.select %eq3A_56, %broadcast_in_dim3A_58, %select_n3A_43 : vector<1024x784xi1>, vector<1024x784xf32>
    %reduce_max3A_60 = arith.constant dense<0xFF800000> : vector<1024xf32>
    %reduce_max3A_61 = vector.multi_reduction <maximumf>, %select_n3A_59, %reduce_max3A_60 [1] : vector<1024x784xf32> to vector<1024xf32>
    %broadcast_in_dim3A_62 = vector.shape_cast %reduce_max3A_61 : vector<1024xf32> to vector<1024x1xf32>
    %eq3A_63 = vector.broadcast %broadcast_in_dim3A_62 : vector<1024x1xf32> to vector<1024x784xf32>
    %eq3A_64 = arith.cmpf oeq, %select_n3A_59, %eq3A_63 : vector<1024x784xf32>
    %jit3A_65 = arith.constant 784 : i32
    %broadcast_in_dim3A_66 = vector.broadcast %jit3A_65 : i32 to vector<1024x784xi32>
    %select_n3A_67 = arith.select %eq3A_64, %iota3A, %broadcast_in_dim3A_66 : vector<1024x784xi1>, vector<1024x784xi32>
    %reduce_min3A_68 = arith.constant dense<2147483647> : vector<1024xi32>
    %reduce_min3A_69 = vector.multi_reduction <minsi>, %select_n3A_67, %reduce_min3A_68 [1] : vector<1024x784xi32> to vector<1024xi32>
    %broadcast_in_dim3A_70 = vector.shape_cast %reduce_min3A_69 : vector<1024xi32> to vector<1024x1xi32>
    %eq3A_71 = vector.broadcast %broadcast_in_dim3A_70 : vector<1024x1xi32> to vector<1024x784xi32>
    %eq3A_72 = arith.cmpi eq, %iota3A, %eq3A_71 : vector<1024x784xi32>
    %jit3A_73 = arith.constant -3.000000e+38 : f32
    %broadcast_in_dim3A_74 = vector.broadcast %jit3A_73 : f32 to vector<1024x784xf32>
    %select_n3A_75 = arith.select %eq3A_72, %broadcast_in_dim3A_74, %select_n3A_59 : vector<1024x784xi1>, vector<1024x784xf32>
    %reduce_max3A_76 = arith.constant dense<0xFF800000> : vector<1024xf32>
    %reduce_max3A_77 = vector.multi_reduction <maximumf>, %select_n3A_75, %reduce_max3A_76 [1] : vector<1024x784xf32> to vector<1024xf32>
    %broadcast_in_dim3A_78 = vector.shape_cast %reduce_max3A_77 : vector<1024xf32> to vector<1024x1xf32>
    %eq3A_79 = vector.broadcast %broadcast_in_dim3A_78 : vector<1024x1xf32> to vector<1024x784xf32>
    %eq3A_80 = arith.cmpf oeq, %select_n3A_75, %eq3A_79 : vector<1024x784xf32>
    %jit3A_81 = arith.constant 784 : i32
    %broadcast_in_dim3A_82 = vector.broadcast %jit3A_81 : i32 to vector<1024x784xi32>
    %select_n3A_83 = arith.select %eq3A_80, %iota3A, %broadcast_in_dim3A_82 : vector<1024x784xi1>, vector<1024x784xi32>
    %reduce_min3A_84 = arith.constant dense<2147483647> : vector<1024xi32>
    %reduce_min3A_85 = vector.multi_reduction <minsi>, %select_n3A_83, %reduce_min3A_84 [1] : vector<1024x784xi32> to vector<1024xi32>
    %broadcast_in_dim3A_86 = vector.shape_cast %reduce_min3A_85 : vector<1024xi32> to vector<1024x1xi32>
    %eq3A_87 = vector.broadcast %broadcast_in_dim3A_86 : vector<1024x1xi32> to vector<1024x784xi32>
    %eq3A_88 = arith.cmpi eq, %iota3A, %eq3A_87 : vector<1024x784xi32>
    %jit3A_89 = arith.constant -3.000000e+38 : f32
    %broadcast_in_dim3A_90 = vector.broadcast %jit3A_89 : f32 to vector<1024x784xf32>
    %select_n3A_91 = arith.select %eq3A_88, %broadcast_in_dim3A_90, %select_n3A_75 : vector<1024x784xi1>, vector<1024x784xf32>
    %reduce_max3A_92 = arith.constant dense<0xFF800000> : vector<1024xf32>
    %reduce_max3A_93 = vector.multi_reduction <maximumf>, %select_n3A_91, %reduce_max3A_92 [1] : vector<1024x784xf32> to vector<1024xf32>
    %broadcast_in_dim3A_94 = vector.shape_cast %reduce_max3A_93 : vector<1024xf32> to vector<1024x1xf32>
    %eq3A_95 = vector.broadcast %broadcast_in_dim3A_94 : vector<1024x1xf32> to vector<1024x784xf32>
    %eq3A_96 = arith.cmpf oeq, %select_n3A_91, %eq3A_95 : vector<1024x784xf32>
    %jit3A_97 = arith.constant 784 : i32
    %broadcast_in_dim3A_98 = vector.broadcast %jit3A_97 : i32 to vector<1024x784xi32>
    %select_n3A_99 = arith.select %eq3A_96, %iota3A, %broadcast_in_dim3A_98 : vector<1024x784xi1>, vector<1024x784xi32>
    %reduce_min3A_100 = arith.constant dense<2147483647> : vector<1024xi32>
    %reduce_min3A_101 = vector.multi_reduction <minsi>, %select_n3A_99, %reduce_min3A_100 [1] : vector<1024x784xi32> to vector<1024xi32>
    %broadcast_in_dim3A_102 = vector.shape_cast %reduce_min3A_101 : vector<1024xi32> to vector<1024x1xi32>
    %eq3A_103 = vector.broadcast %broadcast_in_dim3A_102 : vector<1024x1xi32> to vector<1024x784xi32>
    %eq3A_104 = arith.cmpi eq, %iota3A, %eq3A_103 : vector<1024x784xi32>
    %jit3A_105 = arith.constant -3.000000e+38 : f32
    %broadcast_in_dim3A_106 = vector.broadcast %jit3A_105 : f32 to vector<1024x784xf32>
    %select_n3A_107 = arith.select %eq3A_104, %broadcast_in_dim3A_106, %select_n3A_91 : vector<1024x784xi1>, vector<1024x784xf32>
    %reduce_max3A_108 = arith.constant dense<0xFF800000> : vector<1024xf32>
    %reduce_max3A_109 = vector.multi_reduction <maximumf>, %select_n3A_107, %reduce_max3A_108 [1] : vector<1024x784xf32> to vector<1024xf32>
    %broadcast_in_dim3A_110 = vector.shape_cast %reduce_max3A_109 : vector<1024xf32> to vector<1024x1xf32>
    %eq3A_111 = vector.broadcast %broadcast_in_dim3A_110 : vector<1024x1xf32> to vector<1024x784xf32>
    %eq3A_112 = arith.cmpf oeq, %select_n3A_107, %eq3A_111 : vector<1024x784xf32>
    %jit3A_113 = arith.constant 784 : i32
    %broadcast_in_dim3A_114 = vector.broadcast %jit3A_113 : i32 to vector<1024x784xi32>
    %select_n3A_115 = arith.select %eq3A_112, %iota3A, %broadcast_in_dim3A_114 : vector<1024x784xi1>, vector<1024x784xi32>
    %reduce_min3A_116 = arith.constant dense<2147483647> : vector<1024xi32>
    %reduce_min3A_117 = vector.multi_reduction <minsi>, %select_n3A_115, %reduce_min3A_116 [1] : vector<1024x784xi32> to vector<1024xi32>
    %broadcast_in_dim3A_118 = vector.shape_cast %reduce_min3A_117 : vector<1024xi32> to vector<1024x1xi32>
    %eq3A_119 = vector.broadcast %broadcast_in_dim3A_118 : vector<1024x1xi32> to vector<1024x784xi32>
    %eq3A_120 = arith.cmpi eq, %iota3A, %eq3A_119 : vector<1024x784xi32>
    %jit3A_121 = arith.constant -3.000000e+38 : f32
    %broadcast_in_dim3A_122 = vector.broadcast %jit3A_121 : f32 to vector<1024x784xf32>
    %select_n3A_123 = arith.select %eq3A_120, %broadcast_in_dim3A_122, %select_n3A_107 : vector<1024x784xi1>, vector<1024x784xf32>
    %reduce_max3A_124 = arith.constant dense<0xFF800000> : vector<1024xf32>
    %reduce_max3A_125 = vector.multi_reduction <maximumf>, %select_n3A_123, %reduce_max3A_124 [1] : vector<1024x784xf32> to vector<1024xf32>
    %broadcast_in_dim3A_126 = vector.shape_cast %reduce_max3A_125 : vector<1024xf32> to vector<1024x1xf32>
    %eq3A_127 = vector.broadcast %broadcast_in_dim3A_126 : vector<1024x1xf32> to vector<1024x784xf32>
    %eq3A_128 = arith.cmpf oeq, %select_n3A_123, %eq3A_127 : vector<1024x784xf32>
    %jit3A_129 = arith.constant 784 : i32
    %broadcast_in_dim3A_130 = vector.broadcast %jit3A_129 : i32 to vector<1024x784xi32>
    %select_n3A_131 = arith.select %eq3A_128, %iota3A, %broadcast_in_dim3A_130 : vector<1024x784xi1>, vector<1024x784xi32>
    %reduce_min3A_132 = arith.constant dense<2147483647> : vector<1024xi32>
    %reduce_min3A_133 = vector.multi_reduction <minsi>, %select_n3A_131, %reduce_min3A_132 [1] : vector<1024x784xi32> to vector<1024xi32>
    %broadcast_in_dim3A_134 = vector.shape_cast %reduce_min3A_133 : vector<1024xi32> to vector<1024x1xi32>
    %eq3A_135 = vector.broadcast %broadcast_in_dim3A_134 : vector<1024x1xi32> to vector<1024x784xi32>
    %eq3A_136 = arith.cmpi eq, %iota3A, %eq3A_135 : vector<1024x784xi32>
    %jit3A_137 = arith.constant -3.000000e+38 : f32
    %broadcast_in_dim3A_138 = vector.broadcast %jit3A_137 : f32 to vector<1024x784xf32>
    %select_n3A_139 = arith.select %eq3A_136, %broadcast_in_dim3A_138, %select_n3A_123 : vector<1024x784xi1>, vector<1024x784xf32>
    %reduce_max3A_140 = arith.constant dense<0xFF800000> : vector<1024xf32>
    %reduce_max3A_141 = vector.multi_reduction <maximumf>, %select_n3A_139, %reduce_max3A_140 [1] : vector<1024x784xf32> to vector<1024xf32>
    %broadcast_in_dim3A_142 = vector.shape_cast %reduce_max3A_141 : vector<1024xf32> to vector<1024x1xf32>
    %eq3A_143 = vector.broadcast %broadcast_in_dim3A_142 : vector<1024x1xf32> to vector<1024x784xf32>
    %eq3A_144 = arith.cmpf oeq, %select_n3A_139, %eq3A_143 : vector<1024x784xf32>
    %jit3A_145 = arith.constant 784 : i32
    %broadcast_in_dim3A_146 = vector.broadcast %jit3A_145 : i32 to vector<1024x784xi32>
    %select_n3A_147 = arith.select %eq3A_144, %iota3A, %broadcast_in_dim3A_146 : vector<1024x784xi1>, vector<1024x784xi32>
    %reduce_min3A_148 = arith.constant dense<2147483647> : vector<1024xi32>
    %reduce_min3A_149 = vector.multi_reduction <minsi>, %select_n3A_147, %reduce_min3A_148 [1] : vector<1024x784xi32> to vector<1024xi32>
    %broadcast_in_dim3A_150 = vector.shape_cast %reduce_min3A_149 : vector<1024xi32> to vector<1024x1xi32>
    %eq3A_151 = vector.broadcast %broadcast_in_dim3A_150 : vector<1024x1xi32> to vector<1024x784xi32>
    %eq3A_152 = arith.cmpi eq, %iota3A, %eq3A_151 : vector<1024x784xi32>
    %jit3A_153 = arith.constant -3.000000e+38 : f32
    %broadcast_in_dim3A_154 = vector.broadcast %jit3A_153 : f32 to vector<1024x784xf32>
    %select_n3A_155 = arith.select %eq3A_152, %broadcast_in_dim3A_154, %select_n3A_139 : vector<1024x784xi1>, vector<1024x784xf32>
    %reduce_max3A_156 = arith.constant dense<0xFF800000> : vector<1024xf32>
    %reduce_max3A_157 = vector.multi_reduction <maximumf>, %select_n3A_155, %reduce_max3A_156 [1] : vector<1024x784xf32> to vector<1024xf32>
    %broadcast_in_dim3A_158 = vector.shape_cast %reduce_max3A_157 : vector<1024xf32> to vector<1024x1xf32>
    %eq3A_159 = vector.broadcast %broadcast_in_dim3A_158 : vector<1024x1xf32> to vector<1024x784xf32>
    %eq3A_160 = arith.cmpf oeq, %select_n3A_155, %eq3A_159 : vector<1024x784xf32>
    %jit3A_161 = arith.constant 784 : i32
    %broadcast_in_dim3A_162 = vector.broadcast %jit3A_161 : i32 to vector<1024x784xi32>
    %select_n3A_163 = arith.select %eq3A_160, %iota3A, %broadcast_in_dim3A_162 : vector<1024x784xi1>, vector<1024x784xi32>
    %reduce_min3A_164 = arith.constant dense<2147483647> : vector<1024xi32>
    %reduce_min3A_165 = vector.multi_reduction <minsi>, %select_n3A_163, %reduce_min3A_164 [1] : vector<1024x784xi32> to vector<1024xi32>
    %broadcast_in_dim3A_166 = vector.shape_cast %reduce_min3A_165 : vector<1024xi32> to vector<1024x1xi32>
    %eq3A_167 = vector.broadcast %broadcast_in_dim3A_166 : vector<1024x1xi32> to vector<1024x784xi32>
    %eq3A_168 = arith.cmpi eq, %iota3A, %eq3A_167 : vector<1024x784xi32>
    %jit3A_169 = arith.constant -3.000000e+38 : f32
    %broadcast_in_dim3A_170 = vector.broadcast %jit3A_169 : f32 to vector<1024x784xf32>
    %select_n3A_171 = arith.select %eq3A_168, %broadcast_in_dim3A_170, %select_n3A_155 : vector<1024x784xi1>, vector<1024x784xf32>
    %reduce_max3A_172 = arith.constant dense<0xFF800000> : vector<1024xf32>
    %reduce_max3A_173 = vector.multi_reduction <maximumf>, %select_n3A_171, %reduce_max3A_172 [1] : vector<1024x784xf32> to vector<1024xf32>
    %broadcast_in_dim3A_174 = vector.shape_cast %reduce_max3A_173 : vector<1024xf32> to vector<1024x1xf32>
    %eq3A_175 = vector.broadcast %broadcast_in_dim3A_174 : vector<1024x1xf32> to vector<1024x784xf32>
    %eq3A_176 = arith.cmpf oeq, %select_n3A_171, %eq3A_175 : vector<1024x784xf32>
    %jit3A_177 = arith.constant 784 : i32
    %broadcast_in_dim3A_178 = vector.broadcast %jit3A_177 : i32 to vector<1024x784xi32>
    %select_n3A_179 = arith.select %eq3A_176, %iota3A, %broadcast_in_dim3A_178 : vector<1024x784xi1>, vector<1024x784xi32>
    %reduce_min3A_180 = arith.constant dense<2147483647> : vector<1024xi32>
    %reduce_min3A_181 = vector.multi_reduction <minsi>, %select_n3A_179, %reduce_min3A_180 [1] : vector<1024x784xi32> to vector<1024xi32>
    %broadcast_in_dim3A_182 = vector.shape_cast %reduce_min3A_181 : vector<1024xi32> to vector<1024x1xi32>
    %eq3A_183 = vector.broadcast %broadcast_in_dim3A_182 : vector<1024x1xi32> to vector<1024x784xi32>
    %eq3A_184 = arith.cmpi eq, %iota3A, %eq3A_183 : vector<1024x784xi32>
    %jit3A_185 = arith.constant -3.000000e+38 : f32
    %broadcast_in_dim3A_186 = vector.broadcast %jit3A_185 : f32 to vector<1024x784xf32>
    %select_n3A_187 = arith.select %eq3A_184, %broadcast_in_dim3A_186, %select_n3A_171 : vector<1024x784xi1>, vector<1024x784xf32>
    %reduce_max3A_188 = arith.constant dense<0xFF800000> : vector<1024xf32>
    %reduce_max3A_189 = vector.multi_reduction <maximumf>, %select_n3A_187, %reduce_max3A_188 [1] : vector<1024x784xf32> to vector<1024xf32>
    %broadcast_in_dim3A_190 = vector.shape_cast %reduce_max3A_189 : vector<1024xf32> to vector<1024x1xf32>
    %eq3A_191 = vector.broadcast %broadcast_in_dim3A_190 : vector<1024x1xf32> to vector<1024x784xf32>
    %eq3A_192 = arith.cmpf oeq, %select_n3A_187, %eq3A_191 : vector<1024x784xf32>
    %jit3A_193 = arith.constant 784 : i32
    %broadcast_in_dim3A_194 = vector.broadcast %jit3A_193 : i32 to vector<1024x784xi32>
    %select_n3A_195 = arith.select %eq3A_192, %iota3A, %broadcast_in_dim3A_194 : vector<1024x784xi1>, vector<1024x784xi32>
    %reduce_min3A_196 = arith.constant dense<2147483647> : vector<1024xi32>
    %reduce_min3A_197 = vector.multi_reduction <minsi>, %select_n3A_195, %reduce_min3A_196 [1] : vector<1024x784xi32> to vector<1024xi32>
    %broadcast_in_dim3A_198 = vector.shape_cast %reduce_min3A_197 : vector<1024xi32> to vector<1024x1xi32>
    %eq3A_199 = vector.broadcast %broadcast_in_dim3A_198 : vector<1024x1xi32> to vector<1024x784xi32>
    %eq3A_200 = arith.cmpi eq, %iota3A, %eq3A_199 : vector<1024x784xi32>
    %jit3A_201 = arith.constant -3.000000e+38 : f32
    %broadcast_in_dim3A_202 = vector.broadcast %jit3A_201 : f32 to vector<1024x784xf32>
    %select_n3A_203 = arith.select %eq3A_200, %broadcast_in_dim3A_202, %select_n3A_187 : vector<1024x784xi1>, vector<1024x784xf32>
    %reduce_max3A_204 = arith.constant dense<0xFF800000> : vector<1024xf32>
    %reduce_max3A_205 = vector.multi_reduction <maximumf>, %select_n3A_203, %reduce_max3A_204 [1] : vector<1024x784xf32> to vector<1024xf32>
    %broadcast_in_dim3A_206 = vector.shape_cast %reduce_max3A_205 : vector<1024xf32> to vector<1024x1xf32>
    %eq3A_207 = vector.broadcast %broadcast_in_dim3A_206 : vector<1024x1xf32> to vector<1024x784xf32>
    %eq3A_208 = arith.cmpf oeq, %select_n3A_203, %eq3A_207 : vector<1024x784xf32>
    %jit3A_209 = arith.constant 784 : i32
    %broadcast_in_dim3A_210 = vector.broadcast %jit3A_209 : i32 to vector<1024x784xi32>
    %select_n3A_211 = arith.select %eq3A_208, %iota3A, %broadcast_in_dim3A_210 : vector<1024x784xi1>, vector<1024x784xi32>
    %reduce_min3A_212 = arith.constant dense<2147483647> : vector<1024xi32>
    %reduce_min3A_213 = vector.multi_reduction <minsi>, %select_n3A_211, %reduce_min3A_212 [1] : vector<1024x784xi32> to vector<1024xi32>
    %broadcast_in_dim3A_214 = vector.shape_cast %reduce_min3A_213 : vector<1024xi32> to vector<1024x1xi32>
    %eq3A_215 = vector.broadcast %broadcast_in_dim3A_214 : vector<1024x1xi32> to vector<1024x784xi32>
    %eq3A_216 = arith.cmpi eq, %iota3A, %eq3A_215 : vector<1024x784xi32>
    %jit3A_217 = arith.constant -3.000000e+38 : f32
    %broadcast_in_dim3A_218 = vector.broadcast %jit3A_217 : f32 to vector<1024x784xf32>
    %select_n3A_219 = arith.select %eq3A_216, %broadcast_in_dim3A_218, %select_n3A_203 : vector<1024x784xi1>, vector<1024x784xf32>
    %reduce_max3A_220 = arith.constant dense<0xFF800000> : vector<1024xf32>
    %reduce_max3A_221 = vector.multi_reduction <maximumf>, %select_n3A_219, %reduce_max3A_220 [1] : vector<1024x784xf32> to vector<1024xf32>
    %broadcast_in_dim3A_222 = vector.shape_cast %reduce_max3A_221 : vector<1024xf32> to vector<1024x1xf32>
    %eq3A_223 = vector.broadcast %broadcast_in_dim3A_222 : vector<1024x1xf32> to vector<1024x784xf32>
    %eq3A_224 = arith.cmpf oeq, %select_n3A_219, %eq3A_223 : vector<1024x784xf32>
    %jit3A_225 = arith.constant 784 : i32
    %broadcast_in_dim3A_226 = vector.broadcast %jit3A_225 : i32 to vector<1024x784xi32>
    %select_n3A_227 = arith.select %eq3A_224, %iota3A, %broadcast_in_dim3A_226 : vector<1024x784xi1>, vector<1024x784xi32>
    %reduce_min3A_228 = arith.constant dense<2147483647> : vector<1024xi32>
    %reduce_min3A_229 = vector.multi_reduction <minsi>, %select_n3A_227, %reduce_min3A_228 [1] : vector<1024x784xi32> to vector<1024xi32>
    %broadcast_in_dim3A_230 = vector.shape_cast %reduce_min3A_229 : vector<1024xi32> to vector<1024x1xi32>
    %eq3A_231 = vector.broadcast %broadcast_in_dim3A_230 : vector<1024x1xi32> to vector<1024x784xi32>
    %eq3A_232 = arith.cmpi eq, %iota3A, %eq3A_231 : vector<1024x784xi32>
    %jit3A_233 = arith.constant -3.000000e+38 : f32
    %broadcast_in_dim3A_234 = vector.broadcast %jit3A_233 : f32 to vector<1024x784xf32>
    %select_n3A_235 = arith.select %eq3A_232, %broadcast_in_dim3A_234, %select_n3A_219 : vector<1024x784xi1>, vector<1024x784xf32>
    %reduce_max3A_236 = arith.constant dense<0xFF800000> : vector<1024xf32>
    %reduce_max3A_237 = vector.multi_reduction <maximumf>, %select_n3A_235, %reduce_max3A_236 [1] : vector<1024x784xf32> to vector<1024xf32>
    %broadcast_in_dim3A_238 = vector.shape_cast %reduce_max3A_237 : vector<1024xf32> to vector<1024x1xf32>
    %eq3A_239 = vector.broadcast %broadcast_in_dim3A_238 : vector<1024x1xf32> to vector<1024x784xf32>
    %eq3A_240 = arith.cmpf oeq, %select_n3A_235, %eq3A_239 : vector<1024x784xf32>
    %jit3A_241 = arith.constant 784 : i32
    %broadcast_in_dim3A_242 = vector.broadcast %jit3A_241 : i32 to vector<1024x784xi32>
    %select_n3A_243 = arith.select %eq3A_240, %iota3A, %broadcast_in_dim3A_242 : vector<1024x784xi1>, vector<1024x784xi32>
    %reduce_min3A_244 = arith.constant dense<2147483647> : vector<1024xi32>
    %reduce_min3A_245 = vector.multi_reduction <minsi>, %select_n3A_243, %reduce_min3A_244 [1] : vector<1024x784xi32> to vector<1024xi32>
    %broadcast_in_dim3A_246 = vector.shape_cast %reduce_min3A_245 : vector<1024xi32> to vector<1024x1xi32>
    %eq3A_247 = vector.broadcast %broadcast_in_dim3A_246 : vector<1024x1xi32> to vector<1024x784xi32>
    %eq3A_248 = arith.cmpi eq, %iota3A, %eq3A_247 : vector<1024x784xi32>
    %jit3A_249 = arith.constant -3.000000e+38 : f32
    %broadcast_in_dim3A_250 = vector.broadcast %jit3A_249 : f32 to vector<1024x784xf32>
    %select_n3A_251 = arith.select %eq3A_248, %broadcast_in_dim3A_250, %select_n3A_235 : vector<1024x784xi1>, vector<1024x784xf32>
    %reduce_max3A_252 = arith.constant dense<0xFF800000> : vector<1024xf32>
    %reduce_max3A_253 = vector.multi_reduction <maximumf>, %select_n3A_251, %reduce_max3A_252 [1] : vector<1024x784xf32> to vector<1024xf32>
    %broadcast_in_dim3A_254 = vector.shape_cast %reduce_max3A_253 : vector<1024xf32> to vector<1024x1xf32>
    %eq3A_255 = vector.broadcast %broadcast_in_dim3A_254 : vector<1024x1xf32> to vector<1024x784xf32>
    %eq3A_256 = arith.cmpf oeq, %select_n3A_251, %eq3A_255 : vector<1024x784xf32>
    %jit3A_257 = arith.constant 784 : i32
    %broadcast_in_dim3A_258 = vector.broadcast %jit3A_257 : i32 to vector<1024x784xi32>
    %select_n3A_259 = arith.select %eq3A_256, %iota3A, %broadcast_in_dim3A_258 : vector<1024x784xi1>, vector<1024x784xi32>
    %reduce_min3A_260 = arith.constant dense<2147483647> : vector<1024xi32>
    %reduce_min3A_261 = vector.multi_reduction <minsi>, %select_n3A_259, %reduce_min3A_260 [1] : vector<1024x784xi32> to vector<1024xi32>
    %broadcast_in_dim3A_262 = vector.shape_cast %reduce_min3A_261 : vector<1024xi32> to vector<1024x1xi32>
    %eq3A_263 = vector.broadcast %broadcast_in_dim3A_262 : vector<1024x1xi32> to vector<1024x784xi32>
    %eq3A_264 = arith.cmpi eq, %iota3A, %eq3A_263 : vector<1024x784xi32>
    %jit3A_265 = arith.constant -3.000000e+38 : f32
    %broadcast_in_dim3A_266 = vector.broadcast %jit3A_265 : f32 to vector<1024x784xf32>
    %select_n3A_267 = arith.select %eq3A_264, %broadcast_in_dim3A_266, %select_n3A_251 : vector<1024x784xi1>, vector<1024x784xf32>
    %reduce_max3A_268 = arith.constant dense<0xFF800000> : vector<1024xf32>
    %reduce_max3A_269 = vector.multi_reduction <maximumf>, %select_n3A_267, %reduce_max3A_268 [1] : vector<1024x784xf32> to vector<1024xf32>
    %broadcast_in_dim3A_270 = vector.shape_cast %reduce_max3A_269 : vector<1024xf32> to vector<1024x1xf32>
    %eq3A_271 = vector.broadcast %broadcast_in_dim3A_270 : vector<1024x1xf32> to vector<1024x784xf32>
    %eq3A_272 = arith.cmpf oeq, %select_n3A_267, %eq3A_271 : vector<1024x784xf32>
    %jit3A_273 = arith.constant 784 : i32
    %broadcast_in_dim3A_274 = vector.broadcast %jit3A_273 : i32 to vector<1024x784xi32>
    %select_n3A_275 = arith.select %eq3A_272, %iota3A, %broadcast_in_dim3A_274 : vector<1024x784xi1>, vector<1024x784xi32>
    %reduce_min3A_276 = arith.constant dense<2147483647> : vector<1024xi32>
    %reduce_min3A_277 = vector.multi_reduction <minsi>, %select_n3A_275, %reduce_min3A_276 [1] : vector<1024x784xi32> to vector<1024xi32>
    %broadcast_in_dim3A_278 = vector.shape_cast %reduce_min3A_277 : vector<1024xi32> to vector<1024x1xi32>
    %eq3A_279 = vector.broadcast %broadcast_in_dim3A_278 : vector<1024x1xi32> to vector<1024x784xi32>
    %eq3A_280 = arith.cmpi eq, %iota3A, %eq3A_279 : vector<1024x784xi32>
    %jit3A_281 = arith.constant -3.000000e+38 : f32
    %broadcast_in_dim3A_282 = vector.broadcast %jit3A_281 : f32 to vector<1024x784xf32>
    %select_n3A_283 = arith.select %eq3A_280, %broadcast_in_dim3A_282, %select_n3A_267 : vector<1024x784xi1>, vector<1024x784xf32>
    %reduce_max3A_284 = arith.constant dense<0xFF800000> : vector<1024xf32>
    %reduce_max3A_285 = vector.multi_reduction <maximumf>, %select_n3A_283, %reduce_max3A_284 [1] : vector<1024x784xf32> to vector<1024xf32>
    %broadcast_in_dim3A_286 = vector.shape_cast %reduce_max3A_285 : vector<1024xf32> to vector<1024x1xf32>
    %eq3A_287 = vector.broadcast %broadcast_in_dim3A_286 : vector<1024x1xf32> to vector<1024x784xf32>
    %eq3A_288 = arith.cmpf oeq, %select_n3A_283, %eq3A_287 : vector<1024x784xf32>
    %jit3A_289 = arith.constant 784 : i32
    %broadcast_in_dim3A_290 = vector.broadcast %jit3A_289 : i32 to vector<1024x784xi32>
    %select_n3A_291 = arith.select %eq3A_288, %iota3A, %broadcast_in_dim3A_290 : vector<1024x784xi1>, vector<1024x784xi32>
    %reduce_min3A_292 = arith.constant dense<2147483647> : vector<1024xi32>
    %reduce_min3A_293 = vector.multi_reduction <minsi>, %select_n3A_291, %reduce_min3A_292 [1] : vector<1024x784xi32> to vector<1024xi32>
    %broadcast_in_dim3A_294 = vector.shape_cast %reduce_min3A_293 : vector<1024xi32> to vector<1024x1xi32>
    %eq3A_295 = vector.broadcast %broadcast_in_dim3A_294 : vector<1024x1xi32> to vector<1024x784xi32>
    %eq3A_296 = arith.cmpi eq, %iota3A, %eq3A_295 : vector<1024x784xi32>
    %jit3A_297 = arith.constant -3.000000e+38 : f32
    %broadcast_in_dim3A_298 = vector.broadcast %jit3A_297 : f32 to vector<1024x784xf32>
    %select_n3A_299 = arith.select %eq3A_296, %broadcast_in_dim3A_298, %select_n3A_283 : vector<1024x784xi1>, vector<1024x784xf32>
    %reduce_max3A_300 = arith.constant dense<0xFF800000> : vector<1024xf32>
    %reduce_max3A_301 = vector.multi_reduction <maximumf>, %select_n3A_299, %reduce_max3A_300 [1] : vector<1024x784xf32> to vector<1024xf32>
    %broadcast_in_dim3A_302 = vector.shape_cast %reduce_max3A_301 : vector<1024xf32> to vector<1024x1xf32>
    %eq3A_303 = vector.broadcast %broadcast_in_dim3A_302 : vector<1024x1xf32> to vector<1024x784xf32>
    %eq3A_304 = arith.cmpf oeq, %select_n3A_299, %eq3A_303 : vector<1024x784xf32>
    %jit3A_305 = arith.constant 784 : i32
    %broadcast_in_dim3A_306 = vector.broadcast %jit3A_305 : i32 to vector<1024x784xi32>
    %select_n3A_307 = arith.select %eq3A_304, %iota3A, %broadcast_in_dim3A_306 : vector<1024x784xi1>, vector<1024x784xi32>
    %reduce_min3A_308 = arith.constant dense<2147483647> : vector<1024xi32>
    %reduce_min3A_309 = vector.multi_reduction <minsi>, %select_n3A_307, %reduce_min3A_308 [1] : vector<1024x784xi32> to vector<1024xi32>
    %broadcast_in_dim3A_310 = vector.shape_cast %reduce_min3A_309 : vector<1024xi32> to vector<1024x1xi32>
    %concatenate3A = tpu.concatenate %broadcast_in_dim3A_6, %broadcast_in_dim3A_22, %broadcast_in_dim3A_38, %broadcast_in_dim3A_54, %broadcast_in_dim3A_70, %broadcast_in_dim3A_86, %broadcast_in_dim3A_102, %broadcast_in_dim3A_118, %broadcast_in_dim3A_134, %broadcast_in_dim3A_150, %broadcast_in_dim3A_166, %broadcast_in_dim3A_182, %broadcast_in_dim3A_198, %broadcast_in_dim3A_214, %broadcast_in_dim3A_230, %broadcast_in_dim3A_246, %broadcast_in_dim3A_262, %broadcast_in_dim3A_278, %broadcast_in_dim3A_294, %broadcast_in_dim3A_310 in 1 : vector<1024x1xi32>, vector<1024x1xi32>, vector<1024x1xi32>, vector<1024x1xi32>, vector<1024x1xi32>, vector<1024x1xi32>, vector<1024x1xi32>, vector<1024x1xi32>, vector<1024x1xi32>, vector<1024x1xi32>, vector<1024x1xi32>, vector<1024x1xi32>, vector<1024x1xi32>, vector<1024x1xi32>, vector<1024x1xi32>, vector<1024x1xi32>, vector<1024x1xi32>, vector<1024x1xi32>, vector<1024x1xi32>, vector<1024x1xi32> -> vector<1024x20xi32>
    %swap3A = arith.constant 0 : index
    %swap3A_311 = arith.constant 0 : index
    %swap3A_312 = vector.load %arg2[%swap3A, %swap3A_311] : memref<1024x20xi32, #tpu.memory_space<vmem>>, vector<1024x20xi32>
    tpu.vector_store %arg2[%swap3A, %swap3A_311], %concatenate3A {strides = array<i32>} : memref<1024x20xi32, #tpu.memory_space<vmem>>, vector<1024x20xi32>,
    return
  }
  func.func @transform_0(%arg0: i32) -> (i32, i32) {
    %c0_i32 = arith.constant 0 : i32
    %c0_i32_0 = arith.constant 0 : i32
    return %arg0, %c0_i32 : i32, i32
  }
  func.func @transform_1(%arg0: i32) -> (i32, i32) {
    %c0_i32 = arith.constant 0 : i32
    %c0_i32_0 = arith.constant 0 : i32
    return %arg0, %c0_i32 : i32, i32
  }
}

module attributes {stable_mosaic.version = 14 : i64} {
  func.func @_final_body(%arg0: i32, %arg1: memref<512x2560xf32, #tpu.memory_space<vmem>>, %arg2: memref<512x20xi32, #tpu.memory_space<vmem>>, %arg3: memref<512x20xf32, #tpu.memory_space<vmem>>, %arg4: memref<512x20xi32, #tpu.memory_space<vmem>>) attributes {dimension_semantics = [#tpu.dimension_semantics<arbitrary>], iteration_bounds = array<i64: 8>, scalar_prefetch = 0 : i64, scratch_operands = 0 : i64, tpu.core_type = #tpu.core_type<tc>, window_params = [{transform_indices = @transform_0, window_bounds = array<i64: 512, 2560>}, {transform_indices = @transform_1, window_bounds = array<i64: 512, 20>}, {transform_indices = @transform_2, window_bounds = array<i64: 512, 20>}, {transform_indices = @transform_3, window_bounds = array<i64: 512, 20>}]} {
    %get3A = arith.constant 0 : index
    %get3A_0 = arith.constant 0 : index
    %get3A_1 = vector.load %arg1[%get3A, %get3A_0] : memref<512x2560xf32, #tpu.memory_space<vmem>>, vector<512x2560xf32>
    %get3A_2 = arith.constant 0 : index
    %get3A_3 = arith.constant 0 : index
    %get3A_4 = vector.load %arg2[%get3A_2, %get3A_3] : memref<512x20xi32, #tpu.memory_space<vmem>>, vector<512x20xi32>
    %iota3A = tpu.iota {dimensions = array<i32: 1>} : vector<512x2560xi32>
    %iota3A_5 = tpu.iota {dimensions = array<i32: 1>} : vector<512x20xi32>
    %reduce_max3A = arith.constant dense<0xFF800000> : vector<512xf32>
    %reduce_max3A_6 = vector.multi_reduction <maximumf>, %get3A_1, %reduce_max3A [1] : vector<512x2560xf32> to vector<512xf32>
    %broadcast_in_dim3A = vector.shape_cast %reduce_max3A_6 : vector<512xf32> to vector<512x1xf32>
    %eq3A = vector.broadcast %broadcast_in_dim3A : vector<512x1xf32> to vector<512x2560xf32>
    %eq3A_7 = arith.cmpf oeq, %get3A_1, %eq3A : vector<512x2560xf32>
    %jit3A = arith.constant 2560 : i32
    %broadcast_in_dim3A_8 = vector.broadcast %jit3A : i32 to vector<512x2560xi32>
    %select_n3A = arith.select %eq3A_7, %iota3A, %broadcast_in_dim3A_8 : vector<512x2560xi1>, vector<512x2560xi32>
    %reduce_min3A = arith.constant dense<2147483647> : vector<512xi32>
    %reduce_min3A_9 = vector.multi_reduction <minsi>, %select_n3A, %reduce_min3A [1] : vector<512x2560xi32> to vector<512xi32>
    %broadcast_in_dim3A_10 = vector.shape_cast %reduce_min3A_9 : vector<512xi32> to vector<512x1xi32>
    %jit3A_11 = arith.constant 128 : i32
    %div3A = vector.broadcast %jit3A_11 : i32 to vector<512x1xi32>
    %div3A_12 = arith.divsi %broadcast_in_dim3A_10, %div3A : vector<512x1xi32>
    %sign3A = arith.constant 0 : i32
    %sign3A_13 = vector.broadcast %sign3A : i32 to vector<512x1xi32>
    %sign3A_14 = arith.cmpi sgt, %broadcast_in_dim3A_10, %sign3A_13 : vector<512x1xi32>
    %sign3A_15 = arith.extui %sign3A_14 : vector<512x1xi1> to vector<512x1xi32>
    %sign3A_16 = arith.constant 0 : i32
    %sign3A_17 = vector.broadcast %sign3A_16 : i32 to vector<512x1xi32>
    %sign3A_18 = arith.cmpi slt, %broadcast_in_dim3A_10, %sign3A_17 : vector<512x1xi32>
    %sign3A_19 = arith.extui %sign3A_18 : vector<512x1xi1> to vector<512x1xi32>
    %sign3A_20 = arith.subi %sign3A_15, %sign3A_19 : vector<512x1xi32>
    %sign3A_21 = arith.constant 0 : i32
    %sign3A_22 = arith.cmpi sgt, %jit3A_11, %sign3A_21 : i32
    %sign3A_23 = arith.extui %sign3A_22 : i1 to i32
    %sign3A_24 = arith.constant 0 : i32
    %sign3A_25 = arith.cmpi slt, %jit3A_11, %sign3A_24 : i32
    %sign3A_26 = arith.extui %sign3A_25 : i1 to i32
    %sign3A_27 = arith.subi %sign3A_23, %sign3A_26 : i32
    %ne3A = vector.broadcast %sign3A_27 : i32 to vector<512x1xi32>
    %ne3A_28 = arith.cmpi ne, %sign3A_20, %ne3A : vector<512x1xi32>
    %rem3A = vector.broadcast %jit3A_11 : i32 to vector<512x1xi32>
    %rem3A_29 = arith.remsi %broadcast_in_dim3A_10, %rem3A : vector<512x1xi32>
    %ne3A_30 = arith.constant 0 : i32
    %ne3A_31 = vector.broadcast %ne3A_30 : i32 to vector<512x1xi32>
    %ne3A_32 = arith.cmpi ne, %rem3A_29, %ne3A_31 : vector<512x1xi32>
    %and3A = arith.andi %ne3A_28, %ne3A_32 : vector<512x1xi1>
    %sub3A = arith.constant 1 : i32
    %sub3A_33 = vector.broadcast %sub3A : i32 to vector<512x1xi32>
    %sub3A_34 = arith.subi %div3A_12, %sub3A_33 : vector<512x1xi32>
    %select_n3A_35 = arith.select %and3A, %sub3A_34, %div3A_12 : vector<512x1xi1>, vector<512x1xi32>
    %jit3A_36 = arith.constant 128 : i32
    %eq3A_37 = arith.constant 0 : i32
    %eq3A_38 = arith.cmpi eq, %jit3A_36, %eq3A_37 : i32
    %jit3A_39 = arith.constant 1 : i32
    %select_n3A_40 = arith.select %eq3A_38, %jit3A_39, %jit3A_36 : i32
    %rem3A_41 = vector.broadcast %select_n3A_40 : i32 to vector<512x1xi32>
    %rem3A_42 = arith.remsi %broadcast_in_dim3A_10, %rem3A_41 : vector<512x1xi32>
    %ne3A_43 = arith.constant 0 : i32
    %ne3A_44 = vector.broadcast %ne3A_43 : i32 to vector<512x1xi32>
    %ne3A_45 = arith.cmpi ne, %rem3A_42, %ne3A_44 : vector<512x1xi32>
    %lt3A = arith.constant 0 : i32
    %lt3A_46 = vector.broadcast %lt3A : i32 to vector<512x1xi32>
    %lt3A_47 = arith.cmpi slt, %rem3A_42, %lt3A_46 : vector<512x1xi32>
    %lt3A_48 = arith.constant 0 : i32
    %lt3A_49 = arith.cmpi slt, %select_n3A_40, %lt3A_48 : i32
    %ne3A_50 = vector.broadcast %lt3A_49 : i1 to vector<512x1xi1>
    %ne3A_51 = vector.broadcast %ne3A_50 : vector<512x1xi1> to vector<512x1xi1>
    %ne3A_52 = arith.xori %lt3A_47, %ne3A_51 : vector<512x1xi1>
    %and3A_53 = arith.andi %ne3A_52, %ne3A_45 : vector<512x1xi1>
    %add3A = vector.broadcast %select_n3A_40 : i32 to vector<512x1xi32>
    %add3A_54 = arith.addi %rem3A_42, %add3A : vector<512x1xi32>
    %select_n3A_55 = arith.select %and3A_53, %add3A_54, %rem3A_42 : vector<512x1xi1>, vector<512x1xi32>
    %eq3A_56 = vector.broadcast %select_n3A_35 : vector<512x1xi32> to vector<512x20xi32>
    %eq3A_57 = arith.cmpi eq, %iota3A_5, %eq3A_56 : vector<512x20xi32>
    %jit3A_58 = arith.constant 0 : i32
    %broadcast_in_dim3A_59 = vector.broadcast %jit3A_58 : i32 to vector<512x20xi32>
    %select_n3A_60 = arith.select %eq3A_57, %get3A_4, %broadcast_in_dim3A_59 : vector<512x20xi1>, vector<512x20xi32>
    %reduce_sum3A = arith.constant dense<0> : vector<512xi32>
    %reduce_sum3A_61 = vector.multi_reduction <add>, %select_n3A_60, %reduce_sum3A [1] : vector<512x20xi32> to vector<512xi32>
    %broadcast_in_dim3A_62 = vector.shape_cast %reduce_sum3A_61 : vector<512xi32> to vector<512x1xi32>
    %mul3A = arith.constant 128 : i32
    %mul3A_63 = vector.broadcast %mul3A : i32 to vector<512x1xi32>
    %mul3A_64 = arith.muli %broadcast_in_dim3A_62, %mul3A_63 : vector<512x1xi32>
    %add3A_65 = arith.addi %mul3A_64, %select_n3A_55 : vector<512x1xi32>
    %eq3A_66 = vector.broadcast %broadcast_in_dim3A_10 : vector<512x1xi32> to vector<512x2560xi32>
    %eq3A_67 = arith.cmpi eq, %iota3A, %eq3A_66 : vector<512x2560xi32>
    %jit3A_68 = arith.constant -3.000000e+38 : f32
    %broadcast_in_dim3A_69 = vector.broadcast %jit3A_68 : f32 to vector<512x2560xf32>
    %select_n3A_70 = arith.select %eq3A_67, %broadcast_in_dim3A_69, %get3A_1 : vector<512x2560xi1>, vector<512x2560xf32>
    %reduce_max3A_71 = arith.constant dense<0xFF800000> : vector<512xf32>
    %reduce_max3A_72 = vector.multi_reduction <maximumf>, %select_n3A_70, %reduce_max3A_71 [1] : vector<512x2560xf32> to vector<512xf32>
    %broadcast_in_dim3A_73 = vector.shape_cast %reduce_max3A_72 : vector<512xf32> to vector<512x1xf32>
    %eq3A_74 = vector.broadcast %broadcast_in_dim3A_73 : vector<512x1xf32> to vector<512x2560xf32>
    %eq3A_75 = arith.cmpf oeq, %select_n3A_70, %eq3A_74 : vector<512x2560xf32>
    %jit3A_76 = arith.constant 2560 : i32
    %broadcast_in_dim3A_77 = vector.broadcast %jit3A_76 : i32 to vector<512x2560xi32>
    %select_n3A_78 = arith.select %eq3A_75, %iota3A, %broadcast_in_dim3A_77 : vector<512x2560xi1>, vector<512x2560xi32>
    %reduce_min3A_79 = arith.constant dense<2147483647> : vector<512xi32>
    %reduce_min3A_80 = vector.multi_reduction <minsi>, %select_n3A_78, %reduce_min3A_79 [1] : vector<512x2560xi32> to vector<512xi32>
    %broadcast_in_dim3A_81 = vector.shape_cast %reduce_min3A_80 : vector<512xi32> to vector<512x1xi32>
    %jit3A_82 = arith.constant 128 : i32
    %div3A_83 = vector.broadcast %jit3A_82 : i32 to vector<512x1xi32>
    %div3A_84 = arith.divsi %broadcast_in_dim3A_81, %div3A_83 : vector<512x1xi32>
    %sign3A_85 = arith.constant 0 : i32
    %sign3A_86 = vector.broadcast %sign3A_85 : i32 to vector<512x1xi32>
    %sign3A_87 = arith.cmpi sgt, %broadcast_in_dim3A_81, %sign3A_86 : vector<512x1xi32>
    %sign3A_88 = arith.extui %sign3A_87 : vector<512x1xi1> to vector<512x1xi32>
    %sign3A_89 = arith.constant 0 : i32
    %sign3A_90 = vector.broadcast %sign3A_89 : i32 to vector<512x1xi32>
    %sign3A_91 = arith.cmpi slt, %broadcast_in_dim3A_81, %sign3A_90 : vector<512x1xi32>
    %sign3A_92 = arith.extui %sign3A_91 : vector<512x1xi1> to vector<512x1xi32>
    %sign3A_93 = arith.subi %sign3A_88, %sign3A_92 : vector<512x1xi32>
    %sign3A_94 = arith.constant 0 : i32
    %sign3A_95 = arith.cmpi sgt, %jit3A_82, %sign3A_94 : i32
    %sign3A_96 = arith.extui %sign3A_95 : i1 to i32
    %sign3A_97 = arith.constant 0 : i32
    %sign3A_98 = arith.cmpi slt, %jit3A_82, %sign3A_97 : i32
    %sign3A_99 = arith.extui %sign3A_98 : i1 to i32
    %sign3A_100 = arith.subi %sign3A_96, %sign3A_99 : i32
    %ne3A_101 = vector.broadcast %sign3A_100 : i32 to vector<512x1xi32>
    %ne3A_102 = arith.cmpi ne, %sign3A_93, %ne3A_101 : vector<512x1xi32>
    %rem3A_103 = vector.broadcast %jit3A_82 : i32 to vector<512x1xi32>
    %rem3A_104 = arith.remsi %broadcast_in_dim3A_81, %rem3A_103 : vector<512x1xi32>
    %ne3A_105 = arith.constant 0 : i32
    %ne3A_106 = vector.broadcast %ne3A_105 : i32 to vector<512x1xi32>
    %ne3A_107 = arith.cmpi ne, %rem3A_104, %ne3A_106 : vector<512x1xi32>
    %and3A_108 = arith.andi %ne3A_102, %ne3A_107 : vector<512x1xi1>
    %sub3A_109 = arith.constant 1 : i32
    %sub3A_110 = vector.broadcast %sub3A_109 : i32 to vector<512x1xi32>
    %sub3A_111 = arith.subi %div3A_84, %sub3A_110 : vector<512x1xi32>
    %select_n3A_112 = arith.select %and3A_108, %sub3A_111, %div3A_84 : vector<512x1xi1>, vector<512x1xi32>
    %jit3A_113 = arith.constant 128 : i32
    %eq3A_114 = arith.constant 0 : i32
    %eq3A_115 = arith.cmpi eq, %jit3A_113, %eq3A_114 : i32
    %jit3A_116 = arith.constant 1 : i32
    %select_n3A_117 = arith.select %eq3A_115, %jit3A_116, %jit3A_113 : i32
    %rem3A_118 = vector.broadcast %select_n3A_117 : i32 to vector<512x1xi32>
    %rem3A_119 = arith.remsi %broadcast_in_dim3A_81, %rem3A_118 : vector<512x1xi32>
    %ne3A_120 = arith.constant 0 : i32
    %ne3A_121 = vector.broadcast %ne3A_120 : i32 to vector<512x1xi32>
    %ne3A_122 = arith.cmpi ne, %rem3A_119, %ne3A_121 : vector<512x1xi32>
    %lt3A_123 = arith.constant 0 : i32
    %lt3A_124 = vector.broadcast %lt3A_123 : i32 to vector<512x1xi32>
    %lt3A_125 = arith.cmpi slt, %rem3A_119, %lt3A_124 : vector<512x1xi32>
    %lt3A_126 = arith.constant 0 : i32
    %lt3A_127 = arith.cmpi slt, %select_n3A_117, %lt3A_126 : i32
    %ne3A_128 = vector.broadcast %lt3A_127 : i1 to vector<512x1xi1>
    %ne3A_129 = vector.broadcast %ne3A_128 : vector<512x1xi1> to vector<512x1xi1>
    %ne3A_130 = arith.xori %lt3A_125, %ne3A_129 : vector<512x1xi1>
    %and3A_131 = arith.andi %ne3A_130, %ne3A_122 : vector<512x1xi1>
    %add3A_132 = vector.broadcast %select_n3A_117 : i32 to vector<512x1xi32>
    %add3A_133 = arith.addi %rem3A_119, %add3A_132 : vector<512x1xi32>
    %select_n3A_134 = arith.select %and3A_131, %add3A_133, %rem3A_119 : vector<512x1xi1>, vector<512x1xi32>
    %eq3A_135 = vector.broadcast %select_n3A_112 : vector<512x1xi32> to vector<512x20xi32>
    %eq3A_136 = arith.cmpi eq, %iota3A_5, %eq3A_135 : vector<512x20xi32>
    %jit3A_137 = arith.constant 0 : i32
    %broadcast_in_dim3A_138 = vector.broadcast %jit3A_137 : i32 to vector<512x20xi32>
    %select_n3A_139 = arith.select %eq3A_136, %get3A_4, %broadcast_in_dim3A_138 : vector<512x20xi1>, vector<512x20xi32>
    %reduce_sum3A_140 = arith.constant dense<0> : vector<512xi32>
    %reduce_sum3A_141 = vector.multi_reduction <add>, %select_n3A_139, %reduce_sum3A_140 [1] : vector<512x20xi32> to vector<512xi32>
    %broadcast_in_dim3A_142 = vector.shape_cast %reduce_sum3A_141 : vector<512xi32> to vector<512x1xi32>
    %mul3A_143 = arith.constant 128 : i32
    %mul3A_144 = vector.broadcast %mul3A_143 : i32 to vector<512x1xi32>
    %mul3A_145 = arith.muli %broadcast_in_dim3A_142, %mul3A_144 : vector<512x1xi32>
    %add3A_146 = arith.addi %mul3A_145, %select_n3A_134 : vector<512x1xi32>
    %eq3A_147 = vector.broadcast %broadcast_in_dim3A_81 : vector<512x1xi32> to vector<512x2560xi32>
    %eq3A_148 = arith.cmpi eq, %iota3A, %eq3A_147 : vector<512x2560xi32>
    %jit3A_149 = arith.constant -3.000000e+38 : f32
    %broadcast_in_dim3A_150 = vector.broadcast %jit3A_149 : f32 to vector<512x2560xf32>
    %select_n3A_151 = arith.select %eq3A_148, %broadcast_in_dim3A_150, %select_n3A_70 : vector<512x2560xi1>, vector<512x2560xf32>
    %reduce_max3A_152 = arith.constant dense<0xFF800000> : vector<512xf32>
    %reduce_max3A_153 = vector.multi_reduction <maximumf>, %select_n3A_151, %reduce_max3A_152 [1] : vector<512x2560xf32> to vector<512xf32>
    %broadcast_in_dim3A_154 = vector.shape_cast %reduce_max3A_153 : vector<512xf32> to vector<512x1xf32>
    %eq3A_155 = vector.broadcast %broadcast_in_dim3A_154 : vector<512x1xf32> to vector<512x2560xf32>
    %eq3A_156 = arith.cmpf oeq, %select_n3A_151, %eq3A_155 : vector<512x2560xf32>
    %jit3A_157 = arith.constant 2560 : i32
    %broadcast_in_dim3A_158 = vector.broadcast %jit3A_157 : i32 to vector<512x2560xi32>
    %select_n3A_159 = arith.select %eq3A_156, %iota3A, %broadcast_in_dim3A_158 : vector<512x2560xi1>, vector<512x2560xi32>
    %reduce_min3A_160 = arith.constant dense<2147483647> : vector<512xi32>
    %reduce_min3A_161 = vector.multi_reduction <minsi>, %select_n3A_159, %reduce_min3A_160 [1] : vector<512x2560xi32> to vector<512xi32>
    %broadcast_in_dim3A_162 = vector.shape_cast %reduce_min3A_161 : vector<512xi32> to vector<512x1xi32>
    %jit3A_163 = arith.constant 128 : i32
    %div3A_164 = vector.broadcast %jit3A_163 : i32 to vector<512x1xi32>
    %div3A_165 = arith.divsi %broadcast_in_dim3A_162, %div3A_164 : vector<512x1xi32>
    %sign3A_166 = arith.constant 0 : i32
    %sign3A_167 = vector.broadcast %sign3A_166 : i32 to vector<512x1xi32>
    %sign3A_168 = arith.cmpi sgt, %broadcast_in_dim3A_162, %sign3A_167 : vector<512x1xi32>
    %sign3A_169 = arith.extui %sign3A_168 : vector<512x1xi1> to vector<512x1xi32>
    %sign3A_170 = arith.constant 0 : i32
    %sign3A_171 = vector.broadcast %sign3A_170 : i32 to vector<512x1xi32>
    %sign3A_172 = arith.cmpi slt, %broadcast_in_dim3A_162, %sign3A_171 : vector<512x1xi32>
    %sign3A_173 = arith.extui %sign3A_172 : vector<512x1xi1> to vector<512x1xi32>
    %sign3A_174 = arith.subi %sign3A_169, %sign3A_173 : vector<512x1xi32>
    %sign3A_175 = arith.constant 0 : i32
    %sign3A_176 = arith.cmpi sgt, %jit3A_163, %sign3A_175 : i32
    %sign3A_177 = arith.extui %sign3A_176 : i1 to i32
    %sign3A_178 = arith.constant 0 : i32
    %sign3A_179 = arith.cmpi slt, %jit3A_163, %sign3A_178 : i32
    %sign3A_180 = arith.extui %sign3A_179 : i1 to i32
    %sign3A_181 = arith.subi %sign3A_177, %sign3A_180 : i32
    %ne3A_182 = vector.broadcast %sign3A_181 : i32 to vector<512x1xi32>
    %ne3A_183 = arith.cmpi ne, %sign3A_174, %ne3A_182 : vector<512x1xi32>
    %rem3A_184 = vector.broadcast %jit3A_163 : i32 to vector<512x1xi32>
    %rem3A_185 = arith.remsi %broadcast_in_dim3A_162, %rem3A_184 : vector<512x1xi32>
    %ne3A_186 = arith.constant 0 : i32
    %ne3A_187 = vector.broadcast %ne3A_186 : i32 to vector<512x1xi32>
    %ne3A_188 = arith.cmpi ne, %rem3A_185, %ne3A_187 : vector<512x1xi32>
    %and3A_189 = arith.andi %ne3A_183, %ne3A_188 : vector<512x1xi1>
    %sub3A_190 = arith.constant 1 : i32
    %sub3A_191 = vector.broadcast %sub3A_190 : i32 to vector<512x1xi32>
    %sub3A_192 = arith.subi %div3A_165, %sub3A_191 : vector<512x1xi32>
    %select_n3A_193 = arith.select %and3A_189, %sub3A_192, %div3A_165 : vector<512x1xi1>, vector<512x1xi32>
    %jit3A_194 = arith.constant 128 : i32
    %eq3A_195 = arith.constant 0 : i32
    %eq3A_196 = arith.cmpi eq, %jit3A_194, %eq3A_195 : i32
    %jit3A_197 = arith.constant 1 : i32
    %select_n3A_198 = arith.select %eq3A_196, %jit3A_197, %jit3A_194 : i32
    %rem3A_199 = vector.broadcast %select_n3A_198 : i32 to vector<512x1xi32>
    %rem3A_200 = arith.remsi %broadcast_in_dim3A_162, %rem3A_199 : vector<512x1xi32>
    %ne3A_201 = arith.constant 0 : i32
    %ne3A_202 = vector.broadcast %ne3A_201 : i32 to vector<512x1xi32>
    %ne3A_203 = arith.cmpi ne, %rem3A_200, %ne3A_202 : vector<512x1xi32>
    %lt3A_204 = arith.constant 0 : i32
    %lt3A_205 = vector.broadcast %lt3A_204 : i32 to vector<512x1xi32>
    %lt3A_206 = arith.cmpi slt, %rem3A_200, %lt3A_205 : vector<512x1xi32>
    %lt3A_207 = arith.constant 0 : i32
    %lt3A_208 = arith.cmpi slt, %select_n3A_198, %lt3A_207 : i32
    %ne3A_209 = vector.broadcast %lt3A_208 : i1 to vector<512x1xi1>
    %ne3A_210 = vector.broadcast %ne3A_209 : vector<512x1xi1> to vector<512x1xi1>
    %ne3A_211 = arith.xori %lt3A_206, %ne3A_210 : vector<512x1xi1>
    %and3A_212 = arith.andi %ne3A_211, %ne3A_203 : vector<512x1xi1>
    %add3A_213 = vector.broadcast %select_n3A_198 : i32 to vector<512x1xi32>
    %add3A_214 = arith.addi %rem3A_200, %add3A_213 : vector<512x1xi32>
    %select_n3A_215 = arith.select %and3A_212, %add3A_214, %rem3A_200 : vector<512x1xi1>, vector<512x1xi32>
    %eq3A_216 = vector.broadcast %select_n3A_193 : vector<512x1xi32> to vector<512x20xi32>
    %eq3A_217 = arith.cmpi eq, %iota3A_5, %eq3A_216 : vector<512x20xi32>
    %jit3A_218 = arith.constant 0 : i32
    %broadcast_in_dim3A_219 = vector.broadcast %jit3A_218 : i32 to vector<512x20xi32>
    %select_n3A_220 = arith.select %eq3A_217, %get3A_4, %broadcast_in_dim3A_219 : vector<512x20xi1>, vector<512x20xi32>
    %reduce_sum3A_221 = arith.constant dense<0> : vector<512xi32>
    %reduce_sum3A_222 = vector.multi_reduction <add>, %select_n3A_220, %reduce_sum3A_221 [1] : vector<512x20xi32> to vector<512xi32>
    %broadcast_in_dim3A_223 = vector.shape_cast %reduce_sum3A_222 : vector<512xi32> to vector<512x1xi32>
    %mul3A_224 = arith.constant 128 : i32
    %mul3A_225 = vector.broadcast %mul3A_224 : i32 to vector<512x1xi32>
    %mul3A_226 = arith.muli %broadcast_in_dim3A_223, %mul3A_225 : vector<512x1xi32>
    %add3A_227 = arith.addi %mul3A_226, %select_n3A_215 : vector<512x1xi32>
    %eq3A_228 = vector.broadcast %broadcast_in_dim3A_162 : vector<512x1xi32> to vector<512x2560xi32>
    %eq3A_229 = arith.cmpi eq, %iota3A, %eq3A_228 : vector<512x2560xi32>
    %jit3A_230 = arith.constant -3.000000e+38 : f32
    %broadcast_in_dim3A_231 = vector.broadcast %jit3A_230 : f32 to vector<512x2560xf32>
    %select_n3A_232 = arith.select %eq3A_229, %broadcast_in_dim3A_231, %select_n3A_151 : vector<512x2560xi1>, vector<512x2560xf32>
    %reduce_max3A_233 = arith.constant dense<0xFF800000> : vector<512xf32>
    %reduce_max3A_234 = vector.multi_reduction <maximumf>, %select_n3A_232, %reduce_max3A_233 [1] : vector<512x2560xf32> to vector<512xf32>
    %broadcast_in_dim3A_235 = vector.shape_cast %reduce_max3A_234 : vector<512xf32> to vector<512x1xf32>
    %eq3A_236 = vector.broadcast %broadcast_in_dim3A_235 : vector<512x1xf32> to vector<512x2560xf32>
    %eq3A_237 = arith.cmpf oeq, %select_n3A_232, %eq3A_236 : vector<512x2560xf32>
    %jit3A_238 = arith.constant 2560 : i32
    %broadcast_in_dim3A_239 = vector.broadcast %jit3A_238 : i32 to vector<512x2560xi32>
    %select_n3A_240 = arith.select %eq3A_237, %iota3A, %broadcast_in_dim3A_239 : vector<512x2560xi1>, vector<512x2560xi32>
    %reduce_min3A_241 = arith.constant dense<2147483647> : vector<512xi32>
    %reduce_min3A_242 = vector.multi_reduction <minsi>, %select_n3A_240, %reduce_min3A_241 [1] : vector<512x2560xi32> to vector<512xi32>
    %broadcast_in_dim3A_243 = vector.shape_cast %reduce_min3A_242 : vector<512xi32> to vector<512x1xi32>
    %jit3A_244 = arith.constant 128 : i32
    %div3A_245 = vector.broadcast %jit3A_244 : i32 to vector<512x1xi32>
    %div3A_246 = arith.divsi %broadcast_in_dim3A_243, %div3A_245 : vector<512x1xi32>
    %sign3A_247 = arith.constant 0 : i32
    %sign3A_248 = vector.broadcast %sign3A_247 : i32 to vector<512x1xi32>
    %sign3A_249 = arith.cmpi sgt, %broadcast_in_dim3A_243, %sign3A_248 : vector<512x1xi32>
    %sign3A_250 = arith.extui %sign3A_249 : vector<512x1xi1> to vector<512x1xi32>
    %sign3A_251 = arith.constant 0 : i32
    %sign3A_252 = vector.broadcast %sign3A_251 : i32 to vector<512x1xi32>
    %sign3A_253 = arith.cmpi slt, %broadcast_in_dim3A_243, %sign3A_252 : vector<512x1xi32>
    %sign3A_254 = arith.extui %sign3A_253 : vector<512x1xi1> to vector<512x1xi32>
    %sign3A_255 = arith.subi %sign3A_250, %sign3A_254 : vector<512x1xi32>
    %sign3A_256 = arith.constant 0 : i32
    %sign3A_257 = arith.cmpi sgt, %jit3A_244, %sign3A_256 : i32
    %sign3A_258 = arith.extui %sign3A_257 : i1 to i32
    %sign3A_259 = arith.constant 0 : i32
    %sign3A_260 = arith.cmpi slt, %jit3A_244, %sign3A_259 : i32
    %sign3A_261 = arith.extui %sign3A_260 : i1 to i32
    %sign3A_262 = arith.subi %sign3A_258, %sign3A_261 : i32
    %ne3A_263 = vector.broadcast %sign3A_262 : i32 to vector<512x1xi32>
    %ne3A_264 = arith.cmpi ne, %sign3A_255, %ne3A_263 : vector<512x1xi32>
    %rem3A_265 = vector.broadcast %jit3A_244 : i32 to vector<512x1xi32>
    %rem3A_266 = arith.remsi %broadcast_in_dim3A_243, %rem3A_265 : vector<512x1xi32>
    %ne3A_267 = arith.constant 0 : i32
    %ne3A_268 = vector.broadcast %ne3A_267 : i32 to vector<512x1xi32>
    %ne3A_269 = arith.cmpi ne, %rem3A_266, %ne3A_268 : vector<512x1xi32>
    %and3A_270 = arith.andi %ne3A_264, %ne3A_269 : vector<512x1xi1>
    %sub3A_271 = arith.constant 1 : i32
    %sub3A_272 = vector.broadcast %sub3A_271 : i32 to vector<512x1xi32>
    %sub3A_273 = arith.subi %div3A_246, %sub3A_272 : vector<512x1xi32>
    %select_n3A_274 = arith.select %and3A_270, %sub3A_273, %div3A_246 : vector<512x1xi1>, vector<512x1xi32>
    %jit3A_275 = arith.constant 128 : i32
    %eq3A_276 = arith.constant 0 : i32
    %eq3A_277 = arith.cmpi eq, %jit3A_275, %eq3A_276 : i32
    %jit3A_278 = arith.constant 1 : i32
    %select_n3A_279 = arith.select %eq3A_277, %jit3A_278, %jit3A_275 : i32
    %rem3A_280 = vector.broadcast %select_n3A_279 : i32 to vector<512x1xi32>
    %rem3A_281 = arith.remsi %broadcast_in_dim3A_243, %rem3A_280 : vector<512x1xi32>
    %ne3A_282 = arith.constant 0 : i32
    %ne3A_283 = vector.broadcast %ne3A_282 : i32 to vector<512x1xi32>
    %ne3A_284 = arith.cmpi ne, %rem3A_281, %ne3A_283 : vector<512x1xi32>
    %lt3A_285 = arith.constant 0 : i32
    %lt3A_286 = vector.broadcast %lt3A_285 : i32 to vector<512x1xi32>
    %lt3A_287 = arith.cmpi slt, %rem3A_281, %lt3A_286 : vector<512x1xi32>
    %lt3A_288 = arith.constant 0 : i32
    %lt3A_289 = arith.cmpi slt, %select_n3A_279, %lt3A_288 : i32
    %ne3A_290 = vector.broadcast %lt3A_289 : i1 to vector<512x1xi1>
    %ne3A_291 = vector.broadcast %ne3A_290 : vector<512x1xi1> to vector<512x1xi1>
    %ne3A_292 = arith.xori %lt3A_287, %ne3A_291 : vector<512x1xi1>
    %and3A_293 = arith.andi %ne3A_292, %ne3A_284 : vector<512x1xi1>
    %add3A_294 = vector.broadcast %select_n3A_279 : i32 to vector<512x1xi32>
    %add3A_295 = arith.addi %rem3A_281, %add3A_294 : vector<512x1xi32>
    %select_n3A_296 = arith.select %and3A_293, %add3A_295, %rem3A_281 : vector<512x1xi1>, vector<512x1xi32>
    %eq3A_297 = vector.broadcast %select_n3A_274 : vector<512x1xi32> to vector<512x20xi32>
    %eq3A_298 = arith.cmpi eq, %iota3A_5, %eq3A_297 : vector<512x20xi32>
    %jit3A_299 = arith.constant 0 : i32
    %broadcast_in_dim3A_300 = vector.broadcast %jit3A_299 : i32 to vector<512x20xi32>
    %select_n3A_301 = arith.select %eq3A_298, %get3A_4, %broadcast_in_dim3A_300 : vector<512x20xi1>, vector<512x20xi32>
    %reduce_sum3A_302 = arith.constant dense<0> : vector<512xi32>
    %reduce_sum3A_303 = vector.multi_reduction <add>, %select_n3A_301, %reduce_sum3A_302 [1] : vector<512x20xi32> to vector<512xi32>
    %broadcast_in_dim3A_304 = vector.shape_cast %reduce_sum3A_303 : vector<512xi32> to vector<512x1xi32>
    %mul3A_305 = arith.constant 128 : i32
    %mul3A_306 = vector.broadcast %mul3A_305 : i32 to vector<512x1xi32>
    %mul3A_307 = arith.muli %broadcast_in_dim3A_304, %mul3A_306 : vector<512x1xi32>
    %add3A_308 = arith.addi %mul3A_307, %select_n3A_296 : vector<512x1xi32>
    %eq3A_309 = vector.broadcast %broadcast_in_dim3A_243 : vector<512x1xi32> to vector<512x2560xi32>
    %eq3A_310 = arith.cmpi eq, %iota3A, %eq3A_309 : vector<512x2560xi32>
    %jit3A_311 = arith.constant -3.000000e+38 : f32
    %broadcast_in_dim3A_312 = vector.broadcast %jit3A_311 : f32 to vector<512x2560xf32>
    %select_n3A_313 = arith.select %eq3A_310, %broadcast_in_dim3A_312, %select_n3A_232 : vector<512x2560xi1>, vector<512x2560xf32>
    %reduce_max3A_314 = arith.constant dense<0xFF800000> : vector<512xf32>
    %reduce_max3A_315 = vector.multi_reduction <maximumf>, %select_n3A_313, %reduce_max3A_314 [1] : vector<512x2560xf32> to vector<512xf32>
    %broadcast_in_dim3A_316 = vector.shape_cast %reduce_max3A_315 : vector<512xf32> to vector<512x1xf32>
    %eq3A_317 = vector.broadcast %broadcast_in_dim3A_316 : vector<512x1xf32> to vector<512x2560xf32>
    %eq3A_318 = arith.cmpf oeq, %select_n3A_313, %eq3A_317 : vector<512x2560xf32>
    %jit3A_319 = arith.constant 2560 : i32
    %broadcast_in_dim3A_320 = vector.broadcast %jit3A_319 : i32 to vector<512x2560xi32>
    %select_n3A_321 = arith.select %eq3A_318, %iota3A, %broadcast_in_dim3A_320 : vector<512x2560xi1>, vector<512x2560xi32>
    %reduce_min3A_322 = arith.constant dense<2147483647> : vector<512xi32>
    %reduce_min3A_323 = vector.multi_reduction <minsi>, %select_n3A_321, %reduce_min3A_322 [1] : vector<512x2560xi32> to vector<512xi32>
    %broadcast_in_dim3A_324 = vector.shape_cast %reduce_min3A_323 : vector<512xi32> to vector<512x1xi32>
    %jit3A_325 = arith.constant 128 : i32
    %div3A_326 = vector.broadcast %jit3A_325 : i32 to vector<512x1xi32>
    %div3A_327 = arith.divsi %broadcast_in_dim3A_324, %div3A_326 : vector<512x1xi32>
    %sign3A_328 = arith.constant 0 : i32
    %sign3A_329 = vector.broadcast %sign3A_328 : i32 to vector<512x1xi32>
    %sign3A_330 = arith.cmpi sgt, %broadcast_in_dim3A_324, %sign3A_329 : vector<512x1xi32>
    %sign3A_331 = arith.extui %sign3A_330 : vector<512x1xi1> to vector<512x1xi32>
    %sign3A_332 = arith.constant 0 : i32
    %sign3A_333 = vector.broadcast %sign3A_332 : i32 to vector<512x1xi32>
    %sign3A_334 = arith.cmpi slt, %broadcast_in_dim3A_324, %sign3A_333 : vector<512x1xi32>
    %sign3A_335 = arith.extui %sign3A_334 : vector<512x1xi1> to vector<512x1xi32>
    %sign3A_336 = arith.subi %sign3A_331, %sign3A_335 : vector<512x1xi32>
    %sign3A_337 = arith.constant 0 : i32
    %sign3A_338 = arith.cmpi sgt, %jit3A_325, %sign3A_337 : i32
    %sign3A_339 = arith.extui %sign3A_338 : i1 to i32
    %sign3A_340 = arith.constant 0 : i32
    %sign3A_341 = arith.cmpi slt, %jit3A_325, %sign3A_340 : i32
    %sign3A_342 = arith.extui %sign3A_341 : i1 to i32
    %sign3A_343 = arith.subi %sign3A_339, %sign3A_342 : i32
    %ne3A_344 = vector.broadcast %sign3A_343 : i32 to vector<512x1xi32>
    %ne3A_345 = arith.cmpi ne, %sign3A_336, %ne3A_344 : vector<512x1xi32>
    %rem3A_346 = vector.broadcast %jit3A_325 : i32 to vector<512x1xi32>
    %rem3A_347 = arith.remsi %broadcast_in_dim3A_324, %rem3A_346 : vector<512x1xi32>
    %ne3A_348 = arith.constant 0 : i32
    %ne3A_349 = vector.broadcast %ne3A_348 : i32 to vector<512x1xi32>
    %ne3A_350 = arith.cmpi ne, %rem3A_347, %ne3A_349 : vector<512x1xi32>
    %and3A_351 = arith.andi %ne3A_345, %ne3A_350 : vector<512x1xi1>
    %sub3A_352 = arith.constant 1 : i32
    %sub3A_353 = vector.broadcast %sub3A_352 : i32 to vector<512x1xi32>
    %sub3A_354 = arith.subi %div3A_327, %sub3A_353 : vector<512x1xi32>
    %select_n3A_355 = arith.select %and3A_351, %sub3A_354, %div3A_327 : vector<512x1xi1>, vector<512x1xi32>
    %jit3A_356 = arith.constant 128 : i32
    %eq3A_357 = arith.constant 0 : i32
    %eq3A_358 = arith.cmpi eq, %jit3A_356, %eq3A_357 : i32
    %jit3A_359 = arith.constant 1 : i32
    %select_n3A_360 = arith.select %eq3A_358, %jit3A_359, %jit3A_356 : i32
    %rem3A_361 = vector.broadcast %select_n3A_360 : i32 to vector<512x1xi32>
    %rem3A_362 = arith.remsi %broadcast_in_dim3A_324, %rem3A_361 : vector<512x1xi32>
    %ne3A_363 = arith.constant 0 : i32
    %ne3A_364 = vector.broadcast %ne3A_363 : i32 to vector<512x1xi32>
    %ne3A_365 = arith.cmpi ne, %rem3A_362, %ne3A_364 : vector<512x1xi32>
    %lt3A_366 = arith.constant 0 : i32
    %lt3A_367 = vector.broadcast %lt3A_366 : i32 to vector<512x1xi32>
    %lt3A_368 = arith.cmpi slt, %rem3A_362, %lt3A_367 : vector<512x1xi32>
    %lt3A_369 = arith.constant 0 : i32
    %lt3A_370 = arith.cmpi slt, %select_n3A_360, %lt3A_369 : i32
    %ne3A_371 = vector.broadcast %lt3A_370 : i1 to vector<512x1xi1>
    %ne3A_372 = vector.broadcast %ne3A_371 : vector<512x1xi1> to vector<512x1xi1>
    %ne3A_373 = arith.xori %lt3A_368, %ne3A_372 : vector<512x1xi1>
    %and3A_374 = arith.andi %ne3A_373, %ne3A_365 : vector<512x1xi1>
    %add3A_375 = vector.broadcast %select_n3A_360 : i32 to vector<512x1xi32>
    %add3A_376 = arith.addi %rem3A_362, %add3A_375 : vector<512x1xi32>
    %select_n3A_377 = arith.select %and3A_374, %add3A_376, %rem3A_362 : vector<512x1xi1>, vector<512x1xi32>
    %eq3A_378 = vector.broadcast %select_n3A_355 : vector<512x1xi32> to vector<512x20xi32>
    %eq3A_379 = arith.cmpi eq, %iota3A_5, %eq3A_378 : vector<512x20xi32>
    %jit3A_380 = arith.constant 0 : i32
    %broadcast_in_dim3A_381 = vector.broadcast %jit3A_380 : i32 to vector<512x20xi32>
    %select_n3A_382 = arith.select %eq3A_379, %get3A_4, %broadcast_in_dim3A_381 : vector<512x20xi1>, vector<512x20xi32>
    %reduce_sum3A_383 = arith.constant dense<0> : vector<512xi32>
    %reduce_sum3A_384 = vector.multi_reduction <add>, %select_n3A_382, %reduce_sum3A_383 [1] : vector<512x20xi32> to vector<512xi32>
    %broadcast_in_dim3A_385 = vector.shape_cast %reduce_sum3A_384 : vector<512xi32> to vector<512x1xi32>
    %mul3A_386 = arith.constant 128 : i32
    %mul3A_387 = vector.broadcast %mul3A_386 : i32 to vector<512x1xi32>
    %mul3A_388 = arith.muli %broadcast_in_dim3A_385, %mul3A_387 : vector<512x1xi32>
    %add3A_389 = arith.addi %mul3A_388, %select_n3A_377 : vector<512x1xi32>
    %eq3A_390 = vector.broadcast %broadcast_in_dim3A_324 : vector<512x1xi32> to vector<512x2560xi32>
    %eq3A_391 = arith.cmpi eq, %iota3A, %eq3A_390 : vector<512x2560xi32>
    %jit3A_392 = arith.constant -3.000000e+38 : f32
    %broadcast_in_dim3A_393 = vector.broadcast %jit3A_392 : f32 to vector<512x2560xf32>
    %select_n3A_394 = arith.select %eq3A_391, %broadcast_in_dim3A_393, %select_n3A_313 : vector<512x2560xi1>, vector<512x2560xf32>
    %reduce_max3A_395 = arith.constant dense<0xFF800000> : vector<512xf32>
    %reduce_max3A_396 = vector.multi_reduction <maximumf>, %select_n3A_394, %reduce_max3A_395 [1] : vector<512x2560xf32> to vector<512xf32>
    %broadcast_in_dim3A_397 = vector.shape_cast %reduce_max3A_396 : vector<512xf32> to vector<512x1xf32>
    %eq3A_398 = vector.broadcast %broadcast_in_dim3A_397 : vector<512x1xf32> to vector<512x2560xf32>
    %eq3A_399 = arith.cmpf oeq, %select_n3A_394, %eq3A_398 : vector<512x2560xf32>
    %jit3A_400 = arith.constant 2560 : i32
    %broadcast_in_dim3A_401 = vector.broadcast %jit3A_400 : i32 to vector<512x2560xi32>
    %select_n3A_402 = arith.select %eq3A_399, %iota3A, %broadcast_in_dim3A_401 : vector<512x2560xi1>, vector<512x2560xi32>
    %reduce_min3A_403 = arith.constant dense<2147483647> : vector<512xi32>
    %reduce_min3A_404 = vector.multi_reduction <minsi>, %select_n3A_402, %reduce_min3A_403 [1] : vector<512x2560xi32> to vector<512xi32>
    %broadcast_in_dim3A_405 = vector.shape_cast %reduce_min3A_404 : vector<512xi32> to vector<512x1xi32>
    %jit3A_406 = arith.constant 128 : i32
    %div3A_407 = vector.broadcast %jit3A_406 : i32 to vector<512x1xi32>
    %div3A_408 = arith.divsi %broadcast_in_dim3A_405, %div3A_407 : vector<512x1xi32>
    %sign3A_409 = arith.constant 0 : i32
    %sign3A_410 = vector.broadcast %sign3A_409 : i32 to vector<512x1xi32>
    %sign3A_411 = arith.cmpi sgt, %broadcast_in_dim3A_405, %sign3A_410 : vector<512x1xi32>
    %sign3A_412 = arith.extui %sign3A_411 : vector<512x1xi1> to vector<512x1xi32>
    %sign3A_413 = arith.constant 0 : i32
    %sign3A_414 = vector.broadcast %sign3A_413 : i32 to vector<512x1xi32>
    %sign3A_415 = arith.cmpi slt, %broadcast_in_dim3A_405, %sign3A_414 : vector<512x1xi32>
    %sign3A_416 = arith.extui %sign3A_415 : vector<512x1xi1> to vector<512x1xi32>
    %sign3A_417 = arith.subi %sign3A_412, %sign3A_416 : vector<512x1xi32>
    %sign3A_418 = arith.constant 0 : i32
    %sign3A_419 = arith.cmpi sgt, %jit3A_406, %sign3A_418 : i32
    %sign3A_420 = arith.extui %sign3A_419 : i1 to i32
    %sign3A_421 = arith.constant 0 : i32
    %sign3A_422 = arith.cmpi slt, %jit3A_406, %sign3A_421 : i32
    %sign3A_423 = arith.extui %sign3A_422 : i1 to i32
    %sign3A_424 = arith.subi %sign3A_420, %sign3A_423 : i32
    %ne3A_425 = vector.broadcast %sign3A_424 : i32 to vector<512x1xi32>
    %ne3A_426 = arith.cmpi ne, %sign3A_417, %ne3A_425 : vector<512x1xi32>
    %rem3A_427 = vector.broadcast %jit3A_406 : i32 to vector<512x1xi32>
    %rem3A_428 = arith.remsi %broadcast_in_dim3A_405, %rem3A_427 : vector<512x1xi32>
    %ne3A_429 = arith.constant 0 : i32
    %ne3A_430 = vector.broadcast %ne3A_429 : i32 to vector<512x1xi32>
    %ne3A_431 = arith.cmpi ne, %rem3A_428, %ne3A_430 : vector<512x1xi32>
    %and3A_432 = arith.andi %ne3A_426, %ne3A_431 : vector<512x1xi1>
    %sub3A_433 = arith.constant 1 : i32
    %sub3A_434 = vector.broadcast %sub3A_433 : i32 to vector<512x1xi32>
    %sub3A_435 = arith.subi %div3A_408, %sub3A_434 : vector<512x1xi32>
    %select_n3A_436 = arith.select %and3A_432, %sub3A_435, %div3A_408 : vector<512x1xi1>, vector<512x1xi32>
    %jit3A_437 = arith.constant 128 : i32
    %eq3A_438 = arith.constant 0 : i32
    %eq3A_439 = arith.cmpi eq, %jit3A_437, %eq3A_438 : i32
    %jit3A_440 = arith.constant 1 : i32
    %select_n3A_441 = arith.select %eq3A_439, %jit3A_440, %jit3A_437 : i32
    %rem3A_442 = vector.broadcast %select_n3A_441 : i32 to vector<512x1xi32>
    %rem3A_443 = arith.remsi %broadcast_in_dim3A_405, %rem3A_442 : vector<512x1xi32>
    %ne3A_444 = arith.constant 0 : i32
    %ne3A_445 = vector.broadcast %ne3A_444 : i32 to vector<512x1xi32>
    %ne3A_446 = arith.cmpi ne, %rem3A_443, %ne3A_445 : vector<512x1xi32>
    %lt3A_447 = arith.constant 0 : i32
    %lt3A_448 = vector.broadcast %lt3A_447 : i32 to vector<512x1xi32>
    %lt3A_449 = arith.cmpi slt, %rem3A_443, %lt3A_448 : vector<512x1xi32>
    %lt3A_450 = arith.constant 0 : i32
    %lt3A_451 = arith.cmpi slt, %select_n3A_441, %lt3A_450 : i32
    %ne3A_452 = vector.broadcast %lt3A_451 : i1 to vector<512x1xi1>
    %ne3A_453 = vector.broadcast %ne3A_452 : vector<512x1xi1> to vector<512x1xi1>
    %ne3A_454 = arith.xori %lt3A_449, %ne3A_453 : vector<512x1xi1>
    %and3A_455 = arith.andi %ne3A_454, %ne3A_446 : vector<512x1xi1>
    %add3A_456 = vector.broadcast %select_n3A_441 : i32 to vector<512x1xi32>
    %add3A_457 = arith.addi %rem3A_443, %add3A_456 : vector<512x1xi32>
    %select_n3A_458 = arith.select %and3A_455, %add3A_457, %rem3A_443 : vector<512x1xi1>, vector<512x1xi32>
    %eq3A_459 = vector.broadcast %select_n3A_436 : vector<512x1xi32> to vector<512x20xi32>
    %eq3A_460 = arith.cmpi eq, %iota3A_5, %eq3A_459 : vector<512x20xi32>
    %jit3A_461 = arith.constant 0 : i32
    %broadcast_in_dim3A_462 = vector.broadcast %jit3A_461 : i32 to vector<512x20xi32>
    %select_n3A_463 = arith.select %eq3A_460, %get3A_4, %broadcast_in_dim3A_462 : vector<512x20xi1>, vector<512x20xi32>
    %reduce_sum3A_464 = arith.constant dense<0> : vector<512xi32>
    %reduce_sum3A_465 = vector.multi_reduction <add>, %select_n3A_463, %reduce_sum3A_464 [1] : vector<512x20xi32> to vector<512xi32>
    %broadcast_in_dim3A_466 = vector.shape_cast %reduce_sum3A_465 : vector<512xi32> to vector<512x1xi32>
    %mul3A_467 = arith.constant 128 : i32
    %mul3A_468 = vector.broadcast %mul3A_467 : i32 to vector<512x1xi32>
    %mul3A_469 = arith.muli %broadcast_in_dim3A_466, %mul3A_468 : vector<512x1xi32>
    %add3A_470 = arith.addi %mul3A_469, %select_n3A_458 : vector<512x1xi32>
    %eq3A_471 = vector.broadcast %broadcast_in_dim3A_405 : vector<512x1xi32> to vector<512x2560xi32>
    %eq3A_472 = arith.cmpi eq, %iota3A, %eq3A_471 : vector<512x2560xi32>
    %jit3A_473 = arith.constant -3.000000e+38 : f32
    %broadcast_in_dim3A_474 = vector.broadcast %jit3A_473 : f32 to vector<512x2560xf32>
    %select_n3A_475 = arith.select %eq3A_472, %broadcast_in_dim3A_474, %select_n3A_394 : vector<512x2560xi1>, vector<512x2560xf32>
    %reduce_max3A_476 = arith.constant dense<0xFF800000> : vector<512xf32>
    %reduce_max3A_477 = vector.multi_reduction <maximumf>, %select_n3A_475, %reduce_max3A_476 [1] : vector<512x2560xf32> to vector<512xf32>
    %broadcast_in_dim3A_478 = vector.shape_cast %reduce_max3A_477 : vector<512xf32> to vector<512x1xf32>
    %eq3A_479 = vector.broadcast %broadcast_in_dim3A_478 : vector<512x1xf32> to vector<512x2560xf32>
    %eq3A_480 = arith.cmpf oeq, %select_n3A_475, %eq3A_479 : vector<512x2560xf32>
    %jit3A_481 = arith.constant 2560 : i32
    %broadcast_in_dim3A_482 = vector.broadcast %jit3A_481 : i32 to vector<512x2560xi32>
    %select_n3A_483 = arith.select %eq3A_480, %iota3A, %broadcast_in_dim3A_482 : vector<512x2560xi1>, vector<512x2560xi32>
    %reduce_min3A_484 = arith.constant dense<2147483647> : vector<512xi32>
    %reduce_min3A_485 = vector.multi_reduction <minsi>, %select_n3A_483, %reduce_min3A_484 [1] : vector<512x2560xi32> to vector<512xi32>
    %broadcast_in_dim3A_486 = vector.shape_cast %reduce_min3A_485 : vector<512xi32> to vector<512x1xi32>
    %jit3A_487 = arith.constant 128 : i32
    %div3A_488 = vector.broadcast %jit3A_487 : i32 to vector<512x1xi32>
    %div3A_489 = arith.divsi %broadcast_in_dim3A_486, %div3A_488 : vector<512x1xi32>
    %sign3A_490 = arith.constant 0 : i32
    %sign3A_491 = vector.broadcast %sign3A_490 : i32 to vector<512x1xi32>
    %sign3A_492 = arith.cmpi sgt, %broadcast_in_dim3A_486, %sign3A_491 : vector<512x1xi32>
    %sign3A_493 = arith.extui %sign3A_492 : vector<512x1xi1> to vector<512x1xi32>
    %sign3A_494 = arith.constant 0 : i32
    %sign3A_495 = vector.broadcast %sign3A_494 : i32 to vector<512x1xi32>
    %sign3A_496 = arith.cmpi slt, %broadcast_in_dim3A_486, %sign3A_495 : vector<512x1xi32>
    %sign3A_497 = arith.extui %sign3A_496 : vector<512x1xi1> to vector<512x1xi32>
    %sign3A_498 = arith.subi %sign3A_493, %sign3A_497 : vector<512x1xi32>
    %sign3A_499 = arith.constant 0 : i32
    %sign3A_500 = arith.cmpi sgt, %jit3A_487, %sign3A_499 : i32
    %sign3A_501 = arith.extui %sign3A_500 : i1 to i32
    %sign3A_502 = arith.constant 0 : i32
    %sign3A_503 = arith.cmpi slt, %jit3A_487, %sign3A_502 : i32
    %sign3A_504 = arith.extui %sign3A_503 : i1 to i32
    %sign3A_505 = arith.subi %sign3A_501, %sign3A_504 : i32
    %ne3A_506 = vector.broadcast %sign3A_505 : i32 to vector<512x1xi32>
    %ne3A_507 = arith.cmpi ne, %sign3A_498, %ne3A_506 : vector<512x1xi32>
    %rem3A_508 = vector.broadcast %jit3A_487 : i32 to vector<512x1xi32>
    %rem3A_509 = arith.remsi %broadcast_in_dim3A_486, %rem3A_508 : vector<512x1xi32>
    %ne3A_510 = arith.constant 0 : i32
    %ne3A_511 = vector.broadcast %ne3A_510 : i32 to vector<512x1xi32>
    %ne3A_512 = arith.cmpi ne, %rem3A_509, %ne3A_511 : vector<512x1xi32>
    %and3A_513 = arith.andi %ne3A_507, %ne3A_512 : vector<512x1xi1>
    %sub3A_514 = arith.constant 1 : i32
    %sub3A_515 = vector.broadcast %sub3A_514 : i32 to vector<512x1xi32>
    %sub3A_516 = arith.subi %div3A_489, %sub3A_515 : vector<512x1xi32>
    %select_n3A_517 = arith.select %and3A_513, %sub3A_516, %div3A_489 : vector<512x1xi1>, vector<512x1xi32>
    %jit3A_518 = arith.constant 128 : i32
    %eq3A_519 = arith.constant 0 : i32
    %eq3A_520 = arith.cmpi eq, %jit3A_518, %eq3A_519 : i32
    %jit3A_521 = arith.constant 1 : i32
    %select_n3A_522 = arith.select %eq3A_520, %jit3A_521, %jit3A_518 : i32
    %rem3A_523 = vector.broadcast %select_n3A_522 : i32 to vector<512x1xi32>
    %rem3A_524 = arith.remsi %broadcast_in_dim3A_486, %rem3A_523 : vector<512x1xi32>
    %ne3A_525 = arith.constant 0 : i32
    %ne3A_526 = vector.broadcast %ne3A_525 : i32 to vector<512x1xi32>
    %ne3A_527 = arith.cmpi ne, %rem3A_524, %ne3A_526 : vector<512x1xi32>
    %lt3A_528 = arith.constant 0 : i32
    %lt3A_529 = vector.broadcast %lt3A_528 : i32 to vector<512x1xi32>
    %lt3A_530 = arith.cmpi slt, %rem3A_524, %lt3A_529 : vector<512x1xi32>
    %lt3A_531 = arith.constant 0 : i32
    %lt3A_532 = arith.cmpi slt, %select_n3A_522, %lt3A_531 : i32
    %ne3A_533 = vector.broadcast %lt3A_532 : i1 to vector<512x1xi1>
    %ne3A_534 = vector.broadcast %ne3A_533 : vector<512x1xi1> to vector<512x1xi1>
    %ne3A_535 = arith.xori %lt3A_530, %ne3A_534 : vector<512x1xi1>
    %and3A_536 = arith.andi %ne3A_535, %ne3A_527 : vector<512x1xi1>
    %add3A_537 = vector.broadcast %select_n3A_522 : i32 to vector<512x1xi32>
    %add3A_538 = arith.addi %rem3A_524, %add3A_537 : vector<512x1xi32>
    %select_n3A_539 = arith.select %and3A_536, %add3A_538, %rem3A_524 : vector<512x1xi1>, vector<512x1xi32>
    %eq3A_540 = vector.broadcast %select_n3A_517 : vector<512x1xi32> to vector<512x20xi32>
    %eq3A_541 = arith.cmpi eq, %iota3A_5, %eq3A_540 : vector<512x20xi32>
    %jit3A_542 = arith.constant 0 : i32
    %broadcast_in_dim3A_543 = vector.broadcast %jit3A_542 : i32 to vector<512x20xi32>
    %select_n3A_544 = arith.select %eq3A_541, %get3A_4, %broadcast_in_dim3A_543 : vector<512x20xi1>, vector<512x20xi32>
    %reduce_sum3A_545 = arith.constant dense<0> : vector<512xi32>
    %reduce_sum3A_546 = vector.multi_reduction <add>, %select_n3A_544, %reduce_sum3A_545 [1] : vector<512x20xi32> to vector<512xi32>
    %broadcast_in_dim3A_547 = vector.shape_cast %reduce_sum3A_546 : vector<512xi32> to vector<512x1xi32>
    %mul3A_548 = arith.constant 128 : i32
    %mul3A_549 = vector.broadcast %mul3A_548 : i32 to vector<512x1xi32>
    %mul3A_550 = arith.muli %broadcast_in_dim3A_547, %mul3A_549 : vector<512x1xi32>
    %add3A_551 = arith.addi %mul3A_550, %select_n3A_539 : vector<512x1xi32>
    %eq3A_552 = vector.broadcast %broadcast_in_dim3A_486 : vector<512x1xi32> to vector<512x2560xi32>
    %eq3A_553 = arith.cmpi eq, %iota3A, %eq3A_552 : vector<512x2560xi32>
    %jit3A_554 = arith.constant -3.000000e+38 : f32
    %broadcast_in_dim3A_555 = vector.broadcast %jit3A_554 : f32 to vector<512x2560xf32>
    %select_n3A_556 = arith.select %eq3A_553, %broadcast_in_dim3A_555, %select_n3A_475 : vector<512x2560xi1>, vector<512x2560xf32>
    %reduce_max3A_557 = arith.constant dense<0xFF800000> : vector<512xf32>
    %reduce_max3A_558 = vector.multi_reduction <maximumf>, %select_n3A_556, %reduce_max3A_557 [1] : vector<512x2560xf32> to vector<512xf32>
    %broadcast_in_dim3A_559 = vector.shape_cast %reduce_max3A_558 : vector<512xf32> to vector<512x1xf32>
    %eq3A_560 = vector.broadcast %broadcast_in_dim3A_559 : vector<512x1xf32> to vector<512x2560xf32>
    %eq3A_561 = arith.cmpf oeq, %select_n3A_556, %eq3A_560 : vector<512x2560xf32>
    %jit3A_562 = arith.constant 2560 : i32
    %broadcast_in_dim3A_563 = vector.broadcast %jit3A_562 : i32 to vector<512x2560xi32>
    %select_n3A_564 = arith.select %eq3A_561, %iota3A, %broadcast_in_dim3A_563 : vector<512x2560xi1>, vector<512x2560xi32>
    %reduce_min3A_565 = arith.constant dense<2147483647> : vector<512xi32>
    %reduce_min3A_566 = vector.multi_reduction <minsi>, %select_n3A_564, %reduce_min3A_565 [1] : vector<512x2560xi32> to vector<512xi32>
    %broadcast_in_dim3A_567 = vector.shape_cast %reduce_min3A_566 : vector<512xi32> to vector<512x1xi32>
    %jit3A_568 = arith.constant 128 : i32
    %div3A_569 = vector.broadcast %jit3A_568 : i32 to vector<512x1xi32>
    %div3A_570 = arith.divsi %broadcast_in_dim3A_567, %div3A_569 : vector<512x1xi32>
    %sign3A_571 = arith.constant 0 : i32
    %sign3A_572 = vector.broadcast %sign3A_571 : i32 to vector<512x1xi32>
    %sign3A_573 = arith.cmpi sgt, %broadcast_in_dim3A_567, %sign3A_572 : vector<512x1xi32>
    %sign3A_574 = arith.extui %sign3A_573 : vector<512x1xi1> to vector<512x1xi32>
    %sign3A_575 = arith.constant 0 : i32
    %sign3A_576 = vector.broadcast %sign3A_575 : i32 to vector<512x1xi32>
    %sign3A_577 = arith.cmpi slt, %broadcast_in_dim3A_567, %sign3A_576 : vector<512x1xi32>
    %sign3A_578 = arith.extui %sign3A_577 : vector<512x1xi1> to vector<512x1xi32>
    %sign3A_579 = arith.subi %sign3A_574, %sign3A_578 : vector<512x1xi32>
    %sign3A_580 = arith.constant 0 : i32
    %sign3A_581 = arith.cmpi sgt, %jit3A_568, %sign3A_580 : i32
    %sign3A_582 = arith.extui %sign3A_581 : i1 to i32
    %sign3A_583 = arith.constant 0 : i32
    %sign3A_584 = arith.cmpi slt, %jit3A_568, %sign3A_583 : i32
    %sign3A_585 = arith.extui %sign3A_584 : i1 to i32
    %sign3A_586 = arith.subi %sign3A_582, %sign3A_585 : i32
    %ne3A_587 = vector.broadcast %sign3A_586 : i32 to vector<512x1xi32>
    %ne3A_588 = arith.cmpi ne, %sign3A_579, %ne3A_587 : vector<512x1xi32>
    %rem3A_589 = vector.broadcast %jit3A_568 : i32 to vector<512x1xi32>
    %rem3A_590 = arith.remsi %broadcast_in_dim3A_567, %rem3A_589 : vector<512x1xi32>
    %ne3A_591 = arith.constant 0 : i32
    %ne3A_592 = vector.broadcast %ne3A_591 : i32 to vector<512x1xi32>
    %ne3A_593 = arith.cmpi ne, %rem3A_590, %ne3A_592 : vector<512x1xi32>
    %and3A_594 = arith.andi %ne3A_588, %ne3A_593 : vector<512x1xi1>
    %sub3A_595 = arith.constant 1 : i32
    %sub3A_596 = vector.broadcast %sub3A_595 : i32 to vector<512x1xi32>
    %sub3A_597 = arith.subi %div3A_570, %sub3A_596 : vector<512x1xi32>
    %select_n3A_598 = arith.select %and3A_594, %sub3A_597, %div3A_570 : vector<512x1xi1>, vector<512x1xi32>
    %jit3A_599 = arith.constant 128 : i32
    %eq3A_600 = arith.constant 0 : i32
    %eq3A_601 = arith.cmpi eq, %jit3A_599, %eq3A_600 : i32
    %jit3A_602 = arith.constant 1 : i32
    %select_n3A_603 = arith.select %eq3A_601, %jit3A_602, %jit3A_599 : i32
    %rem3A_604 = vector.broadcast %select_n3A_603 : i32 to vector<512x1xi32>
    %rem3A_605 = arith.remsi %broadcast_in_dim3A_567, %rem3A_604 : vector<512x1xi32>
    %ne3A_606 = arith.constant 0 : i32
    %ne3A_607 = vector.broadcast %ne3A_606 : i32 to vector<512x1xi32>
    %ne3A_608 = arith.cmpi ne, %rem3A_605, %ne3A_607 : vector<512x1xi32>
    %lt3A_609 = arith.constant 0 : i32
    %lt3A_610 = vector.broadcast %lt3A_609 : i32 to vector<512x1xi32>
    %lt3A_611 = arith.cmpi slt, %rem3A_605, %lt3A_610 : vector<512x1xi32>
    %lt3A_612 = arith.constant 0 : i32
    %lt3A_613 = arith.cmpi slt, %select_n3A_603, %lt3A_612 : i32
    %ne3A_614 = vector.broadcast %lt3A_613 : i1 to vector<512x1xi1>
    %ne3A_615 = vector.broadcast %ne3A_614 : vector<512x1xi1> to vector<512x1xi1>
    %ne3A_616 = arith.xori %lt3A_611, %ne3A_615 : vector<512x1xi1>
    %and3A_617 = arith.andi %ne3A_616, %ne3A_608 : vector<512x1xi1>
    %add3A_618 = vector.broadcast %select_n3A_603 : i32 to vector<512x1xi32>
    %add3A_619 = arith.addi %rem3A_605, %add3A_618 : vector<512x1xi32>
    %select_n3A_620 = arith.select %and3A_617, %add3A_619, %rem3A_605 : vector<512x1xi1>, vector<512x1xi32>
    %eq3A_621 = vector.broadcast %select_n3A_598 : vector<512x1xi32> to vector<512x20xi32>
    %eq3A_622 = arith.cmpi eq, %iota3A_5, %eq3A_621 : vector<512x20xi32>
    %jit3A_623 = arith.constant 0 : i32
    %broadcast_in_dim3A_624 = vector.broadcast %jit3A_623 : i32 to vector<512x20xi32>
    %select_n3A_625 = arith.select %eq3A_622, %get3A_4, %broadcast_in_dim3A_624 : vector<512x20xi1>, vector<512x20xi32>
    %reduce_sum3A_626 = arith.constant dense<0> : vector<512xi32>
    %reduce_sum3A_627 = vector.multi_reduction <add>, %select_n3A_625, %reduce_sum3A_626 [1] : vector<512x20xi32> to vector<512xi32>
    %broadcast_in_dim3A_628 = vector.shape_cast %reduce_sum3A_627 : vector<512xi32> to vector<512x1xi32>
    %mul3A_629 = arith.constant 128 : i32
    %mul3A_630 = vector.broadcast %mul3A_629 : i32 to vector<512x1xi32>
    %mul3A_631 = arith.muli %broadcast_in_dim3A_628, %mul3A_630 : vector<512x1xi32>
    %add3A_632 = arith.addi %mul3A_631, %select_n3A_620 : vector<512x1xi32>
    %eq3A_633 = vector.broadcast %broadcast_in_dim3A_567 : vector<512x1xi32> to vector<512x2560xi32>
    %eq3A_634 = arith.cmpi eq, %iota3A, %eq3A_633 : vector<512x2560xi32>
    %jit3A_635 = arith.constant -3.000000e+38 : f32
    %broadcast_in_dim3A_636 = vector.broadcast %jit3A_635 : f32 to vector<512x2560xf32>
    %select_n3A_637 = arith.select %eq3A_634, %broadcast_in_dim3A_636, %select_n3A_556 : vector<512x2560xi1>, vector<512x2560xf32>
    %reduce_max3A_638 = arith.constant dense<0xFF800000> : vector<512xf32>
    %reduce_max3A_639 = vector.multi_reduction <maximumf>, %select_n3A_637, %reduce_max3A_638 [1] : vector<512x2560xf32> to vector<512xf32>
    %broadcast_in_dim3A_640 = vector.shape_cast %reduce_max3A_639 : vector<512xf32> to vector<512x1xf32>
    %eq3A_641 = vector.broadcast %broadcast_in_dim3A_640 : vector<512x1xf32> to vector<512x2560xf32>
    %eq3A_642 = arith.cmpf oeq, %select_n3A_637, %eq3A_641 : vector<512x2560xf32>
    %jit3A_643 = arith.constant 2560 : i32
    %broadcast_in_dim3A_644 = vector.broadcast %jit3A_643 : i32 to vector<512x2560xi32>
    %select_n3A_645 = arith.select %eq3A_642, %iota3A, %broadcast_in_dim3A_644 : vector<512x2560xi1>, vector<512x2560xi32>
    %reduce_min3A_646 = arith.constant dense<2147483647> : vector<512xi32>
    %reduce_min3A_647 = vector.multi_reduction <minsi>, %select_n3A_645, %reduce_min3A_646 [1] : vector<512x2560xi32> to vector<512xi32>
    %broadcast_in_dim3A_648 = vector.shape_cast %reduce_min3A_647 : vector<512xi32> to vector<512x1xi32>
    %jit3A_649 = arith.constant 128 : i32
    %div3A_650 = vector.broadcast %jit3A_649 : i32 to vector<512x1xi32>
    %div3A_651 = arith.divsi %broadcast_in_dim3A_648, %div3A_650 : vector<512x1xi32>
    %sign3A_652 = arith.constant 0 : i32
    %sign3A_653 = vector.broadcast %sign3A_652 : i32 to vector<512x1xi32>
    %sign3A_654 = arith.cmpi sgt, %broadcast_in_dim3A_648, %sign3A_653 : vector<512x1xi32>
    %sign3A_655 = arith.extui %sign3A_654 : vector<512x1xi1> to vector<512x1xi32>
    %sign3A_656 = arith.constant 0 : i32
    %sign3A_657 = vector.broadcast %sign3A_656 : i32 to vector<512x1xi32>
    %sign3A_658 = arith.cmpi slt, %broadcast_in_dim3A_648, %sign3A_657 : vector<512x1xi32>
    %sign3A_659 = arith.extui %sign3A_658 : vector<512x1xi1> to vector<512x1xi32>
    %sign3A_660 = arith.subi %sign3A_655, %sign3A_659 : vector<512x1xi32>
    %sign3A_661 = arith.constant 0 : i32
    %sign3A_662 = arith.cmpi sgt, %jit3A_649, %sign3A_661 : i32
    %sign3A_663 = arith.extui %sign3A_662 : i1 to i32
    %sign3A_664 = arith.constant 0 : i32
    %sign3A_665 = arith.cmpi slt, %jit3A_649, %sign3A_664 : i32
    %sign3A_666 = arith.extui %sign3A_665 : i1 to i32
    %sign3A_667 = arith.subi %sign3A_663, %sign3A_666 : i32
    %ne3A_668 = vector.broadcast %sign3A_667 : i32 to vector<512x1xi32>
    %ne3A_669 = arith.cmpi ne, %sign3A_660, %ne3A_668 : vector<512x1xi32>
    %rem3A_670 = vector.broadcast %jit3A_649 : i32 to vector<512x1xi32>
    %rem3A_671 = arith.remsi %broadcast_in_dim3A_648, %rem3A_670 : vector<512x1xi32>
    %ne3A_672 = arith.constant 0 : i32
    %ne3A_673 = vector.broadcast %ne3A_672 : i32 to vector<512x1xi32>
    %ne3A_674 = arith.cmpi ne, %rem3A_671, %ne3A_673 : vector<512x1xi32>
    %and3A_675 = arith.andi %ne3A_669, %ne3A_674 : vector<512x1xi1>
    %sub3A_676 = arith.constant 1 : i32
    %sub3A_677 = vector.broadcast %sub3A_676 : i32 to vector<512x1xi32>
    %sub3A_678 = arith.subi %div3A_651, %sub3A_677 : vector<512x1xi32>
    %select_n3A_679 = arith.select %and3A_675, %sub3A_678, %div3A_651 : vector<512x1xi1>, vector<512x1xi32>
    %jit3A_680 = arith.constant 128 : i32
    %eq3A_681 = arith.constant 0 : i32
    %eq3A_682 = arith.cmpi eq, %jit3A_680, %eq3A_681 : i32
    %jit3A_683 = arith.constant 1 : i32
    %select_n3A_684 = arith.select %eq3A_682, %jit3A_683, %jit3A_680 : i32
    %rem3A_685 = vector.broadcast %select_n3A_684 : i32 to vector<512x1xi32>
    %rem3A_686 = arith.remsi %broadcast_in_dim3A_648, %rem3A_685 : vector<512x1xi32>
    %ne3A_687 = arith.constant 0 : i32
    %ne3A_688 = vector.broadcast %ne3A_687 : i32 to vector<512x1xi32>
    %ne3A_689 = arith.cmpi ne, %rem3A_686, %ne3A_688 : vector<512x1xi32>
    %lt3A_690 = arith.constant 0 : i32
    %lt3A_691 = vector.broadcast %lt3A_690 : i32 to vector<512x1xi32>
    %lt3A_692 = arith.cmpi slt, %rem3A_686, %lt3A_691 : vector<512x1xi32>
    %lt3A_693 = arith.constant 0 : i32
    %lt3A_694 = arith.cmpi slt, %select_n3A_684, %lt3A_693 : i32
    %ne3A_695 = vector.broadcast %lt3A_694 : i1 to vector<512x1xi1>
    %ne3A_696 = vector.broadcast %ne3A_695 : vector<512x1xi1> to vector<512x1xi1>
    %ne3A_697 = arith.xori %lt3A_692, %ne3A_696 : vector<512x1xi1>
    %and3A_698 = arith.andi %ne3A_697, %ne3A_689 : vector<512x1xi1>
    %add3A_699 = vector.broadcast %select_n3A_684 : i32 to vector<512x1xi32>
    %add3A_700 = arith.addi %rem3A_686, %add3A_699 : vector<512x1xi32>
    %select_n3A_701 = arith.select %and3A_698, %add3A_700, %rem3A_686 : vector<512x1xi1>, vector<512x1xi32>
    %eq3A_702 = vector.broadcast %select_n3A_679 : vector<512x1xi32> to vector<512x20xi32>
    %eq3A_703 = arith.cmpi eq, %iota3A_5, %eq3A_702 : vector<512x20xi32>
    %jit3A_704 = arith.constant 0 : i32
    %broadcast_in_dim3A_705 = vector.broadcast %jit3A_704 : i32 to vector<512x20xi32>
    %select_n3A_706 = arith.select %eq3A_703, %get3A_4, %broadcast_in_dim3A_705 : vector<512x20xi1>, vector<512x20xi32>
    %reduce_sum3A_707 = arith.constant dense<0> : vector<512xi32>
    %reduce_sum3A_708 = vector.multi_reduction <add>, %select_n3A_706, %reduce_sum3A_707 [1] : vector<512x20xi32> to vector<512xi32>
    %broadcast_in_dim3A_709 = vector.shape_cast %reduce_sum3A_708 : vector<512xi32> to vector<512x1xi32>
    %mul3A_710 = arith.constant 128 : i32
    %mul3A_711 = vector.broadcast %mul3A_710 : i32 to vector<512x1xi32>
    %mul3A_712 = arith.muli %broadcast_in_dim3A_709, %mul3A_711 : vector<512x1xi32>
    %add3A_713 = arith.addi %mul3A_712, %select_n3A_701 : vector<512x1xi32>
    %eq3A_714 = vector.broadcast %broadcast_in_dim3A_648 : vector<512x1xi32> to vector<512x2560xi32>
    %eq3A_715 = arith.cmpi eq, %iota3A, %eq3A_714 : vector<512x2560xi32>
    %jit3A_716 = arith.constant -3.000000e+38 : f32
    %broadcast_in_dim3A_717 = vector.broadcast %jit3A_716 : f32 to vector<512x2560xf32>
    %select_n3A_718 = arith.select %eq3A_715, %broadcast_in_dim3A_717, %select_n3A_637 : vector<512x2560xi1>, vector<512x2560xf32>
    %reduce_max3A_719 = arith.constant dense<0xFF800000> : vector<512xf32>
    %reduce_max3A_720 = vector.multi_reduction <maximumf>, %select_n3A_718, %reduce_max3A_719 [1] : vector<512x2560xf32> to vector<512xf32>
    %broadcast_in_dim3A_721 = vector.shape_cast %reduce_max3A_720 : vector<512xf32> to vector<512x1xf32>
    %eq3A_722 = vector.broadcast %broadcast_in_dim3A_721 : vector<512x1xf32> to vector<512x2560xf32>
    %eq3A_723 = arith.cmpf oeq, %select_n3A_718, %eq3A_722 : vector<512x2560xf32>
    %jit3A_724 = arith.constant 2560 : i32
    %broadcast_in_dim3A_725 = vector.broadcast %jit3A_724 : i32 to vector<512x2560xi32>
    %select_n3A_726 = arith.select %eq3A_723, %iota3A, %broadcast_in_dim3A_725 : vector<512x2560xi1>, vector<512x2560xi32>
    %reduce_min3A_727 = arith.constant dense<2147483647> : vector<512xi32>
    %reduce_min3A_728 = vector.multi_reduction <minsi>, %select_n3A_726, %reduce_min3A_727 [1] : vector<512x2560xi32> to vector<512xi32>
    %broadcast_in_dim3A_729 = vector.shape_cast %reduce_min3A_728 : vector<512xi32> to vector<512x1xi32>
    %jit3A_730 = arith.constant 128 : i32
    %div3A_731 = vector.broadcast %jit3A_730 : i32 to vector<512x1xi32>
    %div3A_732 = arith.divsi %broadcast_in_dim3A_729, %div3A_731 : vector<512x1xi32>
    %sign3A_733 = arith.constant 0 : i32
    %sign3A_734 = vector.broadcast %sign3A_733 : i32 to vector<512x1xi32>
    %sign3A_735 = arith.cmpi sgt, %broadcast_in_dim3A_729, %sign3A_734 : vector<512x1xi32>
    %sign3A_736 = arith.extui %sign3A_735 : vector<512x1xi1> to vector<512x1xi32>
    %sign3A_737 = arith.constant 0 : i32
    %sign3A_738 = vector.broadcast %sign3A_737 : i32 to vector<512x1xi32>
    %sign3A_739 = arith.cmpi slt, %broadcast_in_dim3A_729, %sign3A_738 : vector<512x1xi32>
    %sign3A_740 = arith.extui %sign3A_739 : vector<512x1xi1> to vector<512x1xi32>
    %sign3A_741 = arith.subi %sign3A_736, %sign3A_740 : vector<512x1xi32>
    %sign3A_742 = arith.constant 0 : i32
    %sign3A_743 = arith.cmpi sgt, %jit3A_730, %sign3A_742 : i32
    %sign3A_744 = arith.extui %sign3A_743 : i1 to i32
    %sign3A_745 = arith.constant 0 : i32
    %sign3A_746 = arith.cmpi slt, %jit3A_730, %sign3A_745 : i32
    %sign3A_747 = arith.extui %sign3A_746 : i1 to i32
    %sign3A_748 = arith.subi %sign3A_744, %sign3A_747 : i32
    %ne3A_749 = vector.broadcast %sign3A_748 : i32 to vector<512x1xi32>
    %ne3A_750 = arith.cmpi ne, %sign3A_741, %ne3A_749 : vector<512x1xi32>
    %rem3A_751 = vector.broadcast %jit3A_730 : i32 to vector<512x1xi32>
    %rem3A_752 = arith.remsi %broadcast_in_dim3A_729, %rem3A_751 : vector<512x1xi32>
    %ne3A_753 = arith.constant 0 : i32
    %ne3A_754 = vector.broadcast %ne3A_753 : i32 to vector<512x1xi32>
    %ne3A_755 = arith.cmpi ne, %rem3A_752, %ne3A_754 : vector<512x1xi32>
    %and3A_756 = arith.andi %ne3A_750, %ne3A_755 : vector<512x1xi1>
    %sub3A_757 = arith.constant 1 : i32
    %sub3A_758 = vector.broadcast %sub3A_757 : i32 to vector<512x1xi32>
    %sub3A_759 = arith.subi %div3A_732, %sub3A_758 : vector<512x1xi32>
    %select_n3A_760 = arith.select %and3A_756, %sub3A_759, %div3A_732 : vector<512x1xi1>, vector<512x1xi32>
    %jit3A_761 = arith.constant 128 : i32
    %eq3A_762 = arith.constant 0 : i32
    %eq3A_763 = arith.cmpi eq, %jit3A_761, %eq3A_762 : i32
    %jit3A_764 = arith.constant 1 : i32
    %select_n3A_765 = arith.select %eq3A_763, %jit3A_764, %jit3A_761 : i32
    %rem3A_766 = vector.broadcast %select_n3A_765 : i32 to vector<512x1xi32>
    %rem3A_767 = arith.remsi %broadcast_in_dim3A_729, %rem3A_766 : vector<512x1xi32>
    %ne3A_768 = arith.constant 0 : i32
    %ne3A_769 = vector.broadcast %ne3A_768 : i32 to vector<512x1xi32>
    %ne3A_770 = arith.cmpi ne, %rem3A_767, %ne3A_769 : vector<512x1xi32>
    %lt3A_771 = arith.constant 0 : i32
    %lt3A_772 = vector.broadcast %lt3A_771 : i32 to vector<512x1xi32>
    %lt3A_773 = arith.cmpi slt, %rem3A_767, %lt3A_772 : vector<512x1xi32>
    %lt3A_774 = arith.constant 0 : i32
    %lt3A_775 = arith.cmpi slt, %select_n3A_765, %lt3A_774 : i32
    %ne3A_776 = vector.broadcast %lt3A_775 : i1 to vector<512x1xi1>
    %ne3A_777 = vector.broadcast %ne3A_776 : vector<512x1xi1> to vector<512x1xi1>
    %ne3A_778 = arith.xori %lt3A_773, %ne3A_777 : vector<512x1xi1>
    %and3A_779 = arith.andi %ne3A_778, %ne3A_770 : vector<512x1xi1>
    %add3A_780 = vector.broadcast %select_n3A_765 : i32 to vector<512x1xi32>
    %add3A_781 = arith.addi %rem3A_767, %add3A_780 : vector<512x1xi32>
    %select_n3A_782 = arith.select %and3A_779, %add3A_781, %rem3A_767 : vector<512x1xi1>, vector<512x1xi32>
    %eq3A_783 = vector.broadcast %select_n3A_760 : vector<512x1xi32> to vector<512x20xi32>
    %eq3A_784 = arith.cmpi eq, %iota3A_5, %eq3A_783 : vector<512x20xi32>
    %jit3A_785 = arith.constant 0 : i32
    %broadcast_in_dim3A_786 = vector.broadcast %jit3A_785 : i32 to vector<512x20xi32>
    %select_n3A_787 = arith.select %eq3A_784, %get3A_4, %broadcast_in_dim3A_786 : vector<512x20xi1>, vector<512x20xi32>
    %reduce_sum3A_788 = arith.constant dense<0> : vector<512xi32>
    %reduce_sum3A_789 = vector.multi_reduction <add>, %select_n3A_787, %reduce_sum3A_788 [1] : vector<512x20xi32> to vector<512xi32>
    %broadcast_in_dim3A_790 = vector.shape_cast %reduce_sum3A_789 : vector<512xi32> to vector<512x1xi32>
    %mul3A_791 = arith.constant 128 : i32
    %mul3A_792 = vector.broadcast %mul3A_791 : i32 to vector<512x1xi32>
    %mul3A_793 = arith.muli %broadcast_in_dim3A_790, %mul3A_792 : vector<512x1xi32>
    %add3A_794 = arith.addi %mul3A_793, %select_n3A_782 : vector<512x1xi32>
    %eq3A_795 = vector.broadcast %broadcast_in_dim3A_729 : vector<512x1xi32> to vector<512x2560xi32>
    %eq3A_796 = arith.cmpi eq, %iota3A, %eq3A_795 : vector<512x2560xi32>
    %jit3A_797 = arith.constant -3.000000e+38 : f32
    %broadcast_in_dim3A_798 = vector.broadcast %jit3A_797 : f32 to vector<512x2560xf32>
    %select_n3A_799 = arith.select %eq3A_796, %broadcast_in_dim3A_798, %select_n3A_718 : vector<512x2560xi1>, vector<512x2560xf32>
    %reduce_max3A_800 = arith.constant dense<0xFF800000> : vector<512xf32>
    %reduce_max3A_801 = vector.multi_reduction <maximumf>, %select_n3A_799, %reduce_max3A_800 [1] : vector<512x2560xf32> to vector<512xf32>
    %broadcast_in_dim3A_802 = vector.shape_cast %reduce_max3A_801 : vector<512xf32> to vector<512x1xf32>
    %eq3A_803 = vector.broadcast %broadcast_in_dim3A_802 : vector<512x1xf32> to vector<512x2560xf32>
    %eq3A_804 = arith.cmpf oeq, %select_n3A_799, %eq3A_803 : vector<512x2560xf32>
    %jit3A_805 = arith.constant 2560 : i32
    %broadcast_in_dim3A_806 = vector.broadcast %jit3A_805 : i32 to vector<512x2560xi32>
    %select_n3A_807 = arith.select %eq3A_804, %iota3A, %broadcast_in_dim3A_806 : vector<512x2560xi1>, vector<512x2560xi32>
    %reduce_min3A_808 = arith.constant dense<2147483647> : vector<512xi32>
    %reduce_min3A_809 = vector.multi_reduction <minsi>, %select_n3A_807, %reduce_min3A_808 [1] : vector<512x2560xi32> to vector<512xi32>
    %broadcast_in_dim3A_810 = vector.shape_cast %reduce_min3A_809 : vector<512xi32> to vector<512x1xi32>
    %jit3A_811 = arith.constant 128 : i32
    %div3A_812 = vector.broadcast %jit3A_811 : i32 to vector<512x1xi32>
    %div3A_813 = arith.divsi %broadcast_in_dim3A_810, %div3A_812 : vector<512x1xi32>
    %sign3A_814 = arith.constant 0 : i32
    %sign3A_815 = vector.broadcast %sign3A_814 : i32 to vector<512x1xi32>
    %sign3A_816 = arith.cmpi sgt, %broadcast_in_dim3A_810, %sign3A_815 : vector<512x1xi32>
    %sign3A_817 = arith.extui %sign3A_816 : vector<512x1xi1> to vector<512x1xi32>
    %sign3A_818 = arith.constant 0 : i32
    %sign3A_819 = vector.broadcast %sign3A_818 : i32 to vector<512x1xi32>
    %sign3A_820 = arith.cmpi slt, %broadcast_in_dim3A_810, %sign3A_819 : vector<512x1xi32>
    %sign3A_821 = arith.extui %sign3A_820 : vector<512x1xi1> to vector<512x1xi32>
    %sign3A_822 = arith.subi %sign3A_817, %sign3A_821 : vector<512x1xi32>
    %sign3A_823 = arith.constant 0 : i32
    %sign3A_824 = arith.cmpi sgt, %jit3A_811, %sign3A_823 : i32
    %sign3A_825 = arith.extui %sign3A_824 : i1 to i32
    %sign3A_826 = arith.constant 0 : i32
    %sign3A_827 = arith.cmpi slt, %jit3A_811, %sign3A_826 : i32
    %sign3A_828 = arith.extui %sign3A_827 : i1 to i32
    %sign3A_829 = arith.subi %sign3A_825, %sign3A_828 : i32
    %ne3A_830 = vector.broadcast %sign3A_829 : i32 to vector<512x1xi32>
    %ne3A_831 = arith.cmpi ne, %sign3A_822, %ne3A_830 : vector<512x1xi32>
    %rem3A_832 = vector.broadcast %jit3A_811 : i32 to vector<512x1xi32>
    %rem3A_833 = arith.remsi %broadcast_in_dim3A_810, %rem3A_832 : vector<512x1xi32>
    %ne3A_834 = arith.constant 0 : i32
    %ne3A_835 = vector.broadcast %ne3A_834 : i32 to vector<512x1xi32>
    %ne3A_836 = arith.cmpi ne, %rem3A_833, %ne3A_835 : vector<512x1xi32>
    %and3A_837 = arith.andi %ne3A_831, %ne3A_836 : vector<512x1xi1>
    %sub3A_838 = arith.constant 1 : i32
    %sub3A_839 = vector.broadcast %sub3A_838 : i32 to vector<512x1xi32>
    %sub3A_840 = arith.subi %div3A_813, %sub3A_839 : vector<512x1xi32>
    %select_n3A_841 = arith.select %and3A_837, %sub3A_840, %div3A_813 : vector<512x1xi1>, vector<512x1xi32>
    %jit3A_842 = arith.constant 128 : i32
    %eq3A_843 = arith.constant 0 : i32
    %eq3A_844 = arith.cmpi eq, %jit3A_842, %eq3A_843 : i32
    %jit3A_845 = arith.constant 1 : i32
    %select_n3A_846 = arith.select %eq3A_844, %jit3A_845, %jit3A_842 : i32
    %rem3A_847 = vector.broadcast %select_n3A_846 : i32 to vector<512x1xi32>
    %rem3A_848 = arith.remsi %broadcast_in_dim3A_810, %rem3A_847 : vector<512x1xi32>
    %ne3A_849 = arith.constant 0 : i32
    %ne3A_850 = vector.broadcast %ne3A_849 : i32 to vector<512x1xi32>
    %ne3A_851 = arith.cmpi ne, %rem3A_848, %ne3A_850 : vector<512x1xi32>
    %lt3A_852 = arith.constant 0 : i32
    %lt3A_853 = vector.broadcast %lt3A_852 : i32 to vector<512x1xi32>
    %lt3A_854 = arith.cmpi slt, %rem3A_848, %lt3A_853 : vector<512x1xi32>
    %lt3A_855 = arith.constant 0 : i32
    %lt3A_856 = arith.cmpi slt, %select_n3A_846, %lt3A_855 : i32
    %ne3A_857 = vector.broadcast %lt3A_856 : i1 to vector<512x1xi1>
    %ne3A_858 = vector.broadcast %ne3A_857 : vector<512x1xi1> to vector<512x1xi1>
    %ne3A_859 = arith.xori %lt3A_854, %ne3A_858 : vector<512x1xi1>
    %and3A_860 = arith.andi %ne3A_859, %ne3A_851 : vector<512x1xi1>
    %add3A_861 = vector.broadcast %select_n3A_846 : i32 to vector<512x1xi32>
    %add3A_862 = arith.addi %rem3A_848, %add3A_861 : vector<512x1xi32>
    %select_n3A_863 = arith.select %and3A_860, %add3A_862, %rem3A_848 : vector<512x1xi1>, vector<512x1xi32>
    %eq3A_864 = vector.broadcast %select_n3A_841 : vector<512x1xi32> to vector<512x20xi32>
    %eq3A_865 = arith.cmpi eq, %iota3A_5, %eq3A_864 : vector<512x20xi32>
    %jit3A_866 = arith.constant 0 : i32
    %broadcast_in_dim3A_867 = vector.broadcast %jit3A_866 : i32 to vector<512x20xi32>
    %select_n3A_868 = arith.select %eq3A_865, %get3A_4, %broadcast_in_dim3A_867 : vector<512x20xi1>, vector<512x20xi32>
    %reduce_sum3A_869 = arith.constant dense<0> : vector<512xi32>
    %reduce_sum3A_870 = vector.multi_reduction <add>, %select_n3A_868, %reduce_sum3A_869 [1] : vector<512x20xi32> to vector<512xi32>
    %broadcast_in_dim3A_871 = vector.shape_cast %reduce_sum3A_870 : vector<512xi32> to vector<512x1xi32>
    %mul3A_872 = arith.constant 128 : i32
    %mul3A_873 = vector.broadcast %mul3A_872 : i32 to vector<512x1xi32>
    %mul3A_874 = arith.muli %broadcast_in_dim3A_871, %mul3A_873 : vector<512x1xi32>
    %add3A_875 = arith.addi %mul3A_874, %select_n3A_863 : vector<512x1xi32>
    %eq3A_876 = vector.broadcast %broadcast_in_dim3A_810 : vector<512x1xi32> to vector<512x2560xi32>
    %eq3A_877 = arith.cmpi eq, %iota3A, %eq3A_876 : vector<512x2560xi32>
    %jit3A_878 = arith.constant -3.000000e+38 : f32
    %broadcast_in_dim3A_879 = vector.broadcast %jit3A_878 : f32 to vector<512x2560xf32>
    %select_n3A_880 = arith.select %eq3A_877, %broadcast_in_dim3A_879, %select_n3A_799 : vector<512x2560xi1>, vector<512x2560xf32>
    %reduce_max3A_881 = arith.constant dense<0xFF800000> : vector<512xf32>
    %reduce_max3A_882 = vector.multi_reduction <maximumf>, %select_n3A_880, %reduce_max3A_881 [1] : vector<512x2560xf32> to vector<512xf32>
    %broadcast_in_dim3A_883 = vector.shape_cast %reduce_max3A_882 : vector<512xf32> to vector<512x1xf32>
    %eq3A_884 = vector.broadcast %broadcast_in_dim3A_883 : vector<512x1xf32> to vector<512x2560xf32>
    %eq3A_885 = arith.cmpf oeq, %select_n3A_880, %eq3A_884 : vector<512x2560xf32>
    %jit3A_886 = arith.constant 2560 : i32
    %broadcast_in_dim3A_887 = vector.broadcast %jit3A_886 : i32 to vector<512x2560xi32>
    %select_n3A_888 = arith.select %eq3A_885, %iota3A, %broadcast_in_dim3A_887 : vector<512x2560xi1>, vector<512x2560xi32>
    %reduce_min3A_889 = arith.constant dense<2147483647> : vector<512xi32>
    %reduce_min3A_890 = vector.multi_reduction <minsi>, %select_n3A_888, %reduce_min3A_889 [1] : vector<512x2560xi32> to vector<512xi32>
    %broadcast_in_dim3A_891 = vector.shape_cast %reduce_min3A_890 : vector<512xi32> to vector<512x1xi32>
    %jit3A_892 = arith.constant 128 : i32
    %div3A_893 = vector.broadcast %jit3A_892 : i32 to vector<512x1xi32>
    %div3A_894 = arith.divsi %broadcast_in_dim3A_891, %div3A_893 : vector<512x1xi32>
    %sign3A_895 = arith.constant 0 : i32
    %sign3A_896 = vector.broadcast %sign3A_895 : i32 to vector<512x1xi32>
    %sign3A_897 = arith.cmpi sgt, %broadcast_in_dim3A_891, %sign3A_896 : vector<512x1xi32>
    %sign3A_898 = arith.extui %sign3A_897 : vector<512x1xi1> to vector<512x1xi32>
    %sign3A_899 = arith.constant 0 : i32
    %sign3A_900 = vector.broadcast %sign3A_899 : i32 to vector<512x1xi32>
    %sign3A_901 = arith.cmpi slt, %broadcast_in_dim3A_891, %sign3A_900 : vector<512x1xi32>
    %sign3A_902 = arith.extui %sign3A_901 : vector<512x1xi1> to vector<512x1xi32>
    %sign3A_903 = arith.subi %sign3A_898, %sign3A_902 : vector<512x1xi32>
    %sign3A_904 = arith.constant 0 : i32
    %sign3A_905 = arith.cmpi sgt, %jit3A_892, %sign3A_904 : i32
    %sign3A_906 = arith.extui %sign3A_905 : i1 to i32
    %sign3A_907 = arith.constant 0 : i32
    %sign3A_908 = arith.cmpi slt, %jit3A_892, %sign3A_907 : i32
    %sign3A_909 = arith.extui %sign3A_908 : i1 to i32
    %sign3A_910 = arith.subi %sign3A_906, %sign3A_909 : i32
    %ne3A_911 = vector.broadcast %sign3A_910 : i32 to vector<512x1xi32>
    %ne3A_912 = arith.cmpi ne, %sign3A_903, %ne3A_911 : vector<512x1xi32>
    %rem3A_913 = vector.broadcast %jit3A_892 : i32 to vector<512x1xi32>
    %rem3A_914 = arith.remsi %broadcast_in_dim3A_891, %rem3A_913 : vector<512x1xi32>
    %ne3A_915 = arith.constant 0 : i32
    %ne3A_916 = vector.broadcast %ne3A_915 : i32 to vector<512x1xi32>
    %ne3A_917 = arith.cmpi ne, %rem3A_914, %ne3A_916 : vector<512x1xi32>
    %and3A_918 = arith.andi %ne3A_912, %ne3A_917 : vector<512x1xi1>
    %sub3A_919 = arith.constant 1 : i32
    %sub3A_920 = vector.broadcast %sub3A_919 : i32 to vector<512x1xi32>
    %sub3A_921 = arith.subi %div3A_894, %sub3A_920 : vector<512x1xi32>
    %select_n3A_922 = arith.select %and3A_918, %sub3A_921, %div3A_894 : vector<512x1xi1>, vector<512x1xi32>
    %jit3A_923 = arith.constant 128 : i32
    %eq3A_924 = arith.constant 0 : i32
    %eq3A_925 = arith.cmpi eq, %jit3A_923, %eq3A_924 : i32
    %jit3A_926 = arith.constant 1 : i32
    %select_n3A_927 = arith.select %eq3A_925, %jit3A_926, %jit3A_923 : i32
    %rem3A_928 = vector.broadcast %select_n3A_927 : i32 to vector<512x1xi32>
    %rem3A_929 = arith.remsi %broadcast_in_dim3A_891, %rem3A_928 : vector<512x1xi32>
    %ne3A_930 = arith.constant 0 : i32
    %ne3A_931 = vector.broadcast %ne3A_930 : i32 to vector<512x1xi32>
    %ne3A_932 = arith.cmpi ne, %rem3A_929, %ne3A_931 : vector<512x1xi32>
    %lt3A_933 = arith.constant 0 : i32
    %lt3A_934 = vector.broadcast %lt3A_933 : i32 to vector<512x1xi32>
    %lt3A_935 = arith.cmpi slt, %rem3A_929, %lt3A_934 : vector<512x1xi32>
    %lt3A_936 = arith.constant 0 : i32
    %lt3A_937 = arith.cmpi slt, %select_n3A_927, %lt3A_936 : i32
    %ne3A_938 = vector.broadcast %lt3A_937 : i1 to vector<512x1xi1>
    %ne3A_939 = vector.broadcast %ne3A_938 : vector<512x1xi1> to vector<512x1xi1>
    %ne3A_940 = arith.xori %lt3A_935, %ne3A_939 : vector<512x1xi1>
    %and3A_941 = arith.andi %ne3A_940, %ne3A_932 : vector<512x1xi1>
    %add3A_942 = vector.broadcast %select_n3A_927 : i32 to vector<512x1xi32>
    %add3A_943 = arith.addi %rem3A_929, %add3A_942 : vector<512x1xi32>
    %select_n3A_944 = arith.select %and3A_941, %add3A_943, %rem3A_929 : vector<512x1xi1>, vector<512x1xi32>
    %eq3A_945 = vector.broadcast %select_n3A_922 : vector<512x1xi32> to vector<512x20xi32>
    %eq3A_946 = arith.cmpi eq, %iota3A_5, %eq3A_945 : vector<512x20xi32>
    %jit3A_947 = arith.constant 0 : i32
    %broadcast_in_dim3A_948 = vector.broadcast %jit3A_947 : i32 to vector<512x20xi32>
    %select_n3A_949 = arith.select %eq3A_946, %get3A_4, %broadcast_in_dim3A_948 : vector<512x20xi1>, vector<512x20xi32>
    %reduce_sum3A_950 = arith.constant dense<0> : vector<512xi32>
    %reduce_sum3A_951 = vector.multi_reduction <add>, %select_n3A_949, %reduce_sum3A_950 [1] : vector<512x20xi32> to vector<512xi32>
    %broadcast_in_dim3A_952 = vector.shape_cast %reduce_sum3A_951 : vector<512xi32> to vector<512x1xi32>
    %mul3A_953 = arith.constant 128 : i32
    %mul3A_954 = vector.broadcast %mul3A_953 : i32 to vector<512x1xi32>
    %mul3A_955 = arith.muli %broadcast_in_dim3A_952, %mul3A_954 : vector<512x1xi32>
    %add3A_956 = arith.addi %mul3A_955, %select_n3A_944 : vector<512x1xi32>
    %eq3A_957 = vector.broadcast %broadcast_in_dim3A_891 : vector<512x1xi32> to vector<512x2560xi32>
    %eq3A_958 = arith.cmpi eq, %iota3A, %eq3A_957 : vector<512x2560xi32>
    %jit3A_959 = arith.constant -3.000000e+38 : f32
    %broadcast_in_dim3A_960 = vector.broadcast %jit3A_959 : f32 to vector<512x2560xf32>
    %select_n3A_961 = arith.select %eq3A_958, %broadcast_in_dim3A_960, %select_n3A_880 : vector<512x2560xi1>, vector<512x2560xf32>
    %reduce_max3A_962 = arith.constant dense<0xFF800000> : vector<512xf32>
    %reduce_max3A_963 = vector.multi_reduction <maximumf>, %select_n3A_961, %reduce_max3A_962 [1] : vector<512x2560xf32> to vector<512xf32>
    %broadcast_in_dim3A_964 = vector.shape_cast %reduce_max3A_963 : vector<512xf32> to vector<512x1xf32>
    %eq3A_965 = vector.broadcast %broadcast_in_dim3A_964 : vector<512x1xf32> to vector<512x2560xf32>
    %eq3A_966 = arith.cmpf oeq, %select_n3A_961, %eq3A_965 : vector<512x2560xf32>
    %jit3A_967 = arith.constant 2560 : i32
    %broadcast_in_dim3A_968 = vector.broadcast %jit3A_967 : i32 to vector<512x2560xi32>
    %select_n3A_969 = arith.select %eq3A_966, %iota3A, %broadcast_in_dim3A_968 : vector<512x2560xi1>, vector<512x2560xi32>
    %reduce_min3A_970 = arith.constant dense<2147483647> : vector<512xi32>
    %reduce_min3A_971 = vector.multi_reduction <minsi>, %select_n3A_969, %reduce_min3A_970 [1] : vector<512x2560xi32> to vector<512xi32>
    %broadcast_in_dim3A_972 = vector.shape_cast %reduce_min3A_971 : vector<512xi32> to vector<512x1xi32>
    %jit3A_973 = arith.constant 128 : i32
    %div3A_974 = vector.broadcast %jit3A_973 : i32 to vector<512x1xi32>
    %div3A_975 = arith.divsi %broadcast_in_dim3A_972, %div3A_974 : vector<512x1xi32>
    %sign3A_976 = arith.constant 0 : i32
    %sign3A_977 = vector.broadcast %sign3A_976 : i32 to vector<512x1xi32>
    %sign3A_978 = arith.cmpi sgt, %broadcast_in_dim3A_972, %sign3A_977 : vector<512x1xi32>
    %sign3A_979 = arith.extui %sign3A_978 : vector<512x1xi1> to vector<512x1xi32>
    %sign3A_980 = arith.constant 0 : i32
    %sign3A_981 = vector.broadcast %sign3A_980 : i32 to vector<512x1xi32>
    %sign3A_982 = arith.cmpi slt, %broadcast_in_dim3A_972, %sign3A_981 : vector<512x1xi32>
    %sign3A_983 = arith.extui %sign3A_982 : vector<512x1xi1> to vector<512x1xi32>
    %sign3A_984 = arith.subi %sign3A_979, %sign3A_983 : vector<512x1xi32>
    %sign3A_985 = arith.constant 0 : i32
    %sign3A_986 = arith.cmpi sgt, %jit3A_973, %sign3A_985 : i32
    %sign3A_987 = arith.extui %sign3A_986 : i1 to i32
    %sign3A_988 = arith.constant 0 : i32
    %sign3A_989 = arith.cmpi slt, %jit3A_973, %sign3A_988 : i32
    %sign3A_990 = arith.extui %sign3A_989 : i1 to i32
    %sign3A_991 = arith.subi %sign3A_987, %sign3A_990 : i32
    %ne3A_992 = vector.broadcast %sign3A_991 : i32 to vector<512x1xi32>
    %ne3A_993 = arith.cmpi ne, %sign3A_984, %ne3A_992 : vector<512x1xi32>
    %rem3A_994 = vector.broadcast %jit3A_973 : i32 to vector<512x1xi32>
    %rem3A_995 = arith.remsi %broadcast_in_dim3A_972, %rem3A_994 : vector<512x1xi32>
    %ne3A_996 = arith.constant 0 : i32
    %ne3A_997 = vector.broadcast %ne3A_996 : i32 to vector<512x1xi32>
    %ne3A_998 = arith.cmpi ne, %rem3A_995, %ne3A_997 : vector<512x1xi32>
    %and3A_999 = arith.andi %ne3A_993, %ne3A_998 : vector<512x1xi1>
    %sub3A_1000 = arith.constant 1 : i32
    %sub3A_1001 = vector.broadcast %sub3A_1000 : i32 to vector<512x1xi32>
    %sub3A_1002 = arith.subi %div3A_975, %sub3A_1001 : vector<512x1xi32>
    %select_n3A_1003 = arith.select %and3A_999, %sub3A_1002, %div3A_975 : vector<512x1xi1>, vector<512x1xi32>
    %jit3A_1004 = arith.constant 128 : i32
    %eq3A_1005 = arith.constant 0 : i32
    %eq3A_1006 = arith.cmpi eq, %jit3A_1004, %eq3A_1005 : i32
    %jit3A_1007 = arith.constant 1 : i32
    %select_n3A_1008 = arith.select %eq3A_1006, %jit3A_1007, %jit3A_1004 : i32
    %rem3A_1009 = vector.broadcast %select_n3A_1008 : i32 to vector<512x1xi32>
    %rem3A_1010 = arith.remsi %broadcast_in_dim3A_972, %rem3A_1009 : vector<512x1xi32>
    %ne3A_1011 = arith.constant 0 : i32
    %ne3A_1012 = vector.broadcast %ne3A_1011 : i32 to vector<512x1xi32>
    %ne3A_1013 = arith.cmpi ne, %rem3A_1010, %ne3A_1012 : vector<512x1xi32>
    %lt3A_1014 = arith.constant 0 : i32
    %lt3A_1015 = vector.broadcast %lt3A_1014 : i32 to vector<512x1xi32>
    %lt3A_1016 = arith.cmpi slt, %rem3A_1010, %lt3A_1015 : vector<512x1xi32>
    %lt3A_1017 = arith.constant 0 : i32
    %lt3A_1018 = arith.cmpi slt, %select_n3A_1008, %lt3A_1017 : i32
    %ne3A_1019 = vector.broadcast %lt3A_1018 : i1 to vector<512x1xi1>
    %ne3A_1020 = vector.broadcast %ne3A_1019 : vector<512x1xi1> to vector<512x1xi1>
    %ne3A_1021 = arith.xori %lt3A_1016, %ne3A_1020 : vector<512x1xi1>
    %and3A_1022 = arith.andi %ne3A_1021, %ne3A_1013 : vector<512x1xi1>
    %add3A_1023 = vector.broadcast %select_n3A_1008 : i32 to vector<512x1xi32>
    %add3A_1024 = arith.addi %rem3A_1010, %add3A_1023 : vector<512x1xi32>
    %select_n3A_1025 = arith.select %and3A_1022, %add3A_1024, %rem3A_1010 : vector<512x1xi1>, vector<512x1xi32>
    %eq3A_1026 = vector.broadcast %select_n3A_1003 : vector<512x1xi32> to vector<512x20xi32>
    %eq3A_1027 = arith.cmpi eq, %iota3A_5, %eq3A_1026 : vector<512x20xi32>
    %jit3A_1028 = arith.constant 0 : i32
    %broadcast_in_dim3A_1029 = vector.broadcast %jit3A_1028 : i32 to vector<512x20xi32>
    %select_n3A_1030 = arith.select %eq3A_1027, %get3A_4, %broadcast_in_dim3A_1029 : vector<512x20xi1>, vector<512x20xi32>
    %reduce_sum3A_1031 = arith.constant dense<0> : vector<512xi32>
    %reduce_sum3A_1032 = vector.multi_reduction <add>, %select_n3A_1030, %reduce_sum3A_1031 [1] : vector<512x20xi32> to vector<512xi32>
    %broadcast_in_dim3A_1033 = vector.shape_cast %reduce_sum3A_1032 : vector<512xi32> to vector<512x1xi32>
    %mul3A_1034 = arith.constant 128 : i32
    %mul3A_1035 = vector.broadcast %mul3A_1034 : i32 to vector<512x1xi32>
    %mul3A_1036 = arith.muli %broadcast_in_dim3A_1033, %mul3A_1035 : vector<512x1xi32>
    %add3A_1037 = arith.addi %mul3A_1036, %select_n3A_1025 : vector<512x1xi32>
    %eq3A_1038 = vector.broadcast %broadcast_in_dim3A_972 : vector<512x1xi32> to vector<512x2560xi32>
    %eq3A_1039 = arith.cmpi eq, %iota3A, %eq3A_1038 : vector<512x2560xi32>
    %jit3A_1040 = arith.constant -3.000000e+38 : f32
    %broadcast_in_dim3A_1041 = vector.broadcast %jit3A_1040 : f32 to vector<512x2560xf32>
    %select_n3A_1042 = arith.select %eq3A_1039, %broadcast_in_dim3A_1041, %select_n3A_961 : vector<512x2560xi1>, vector<512x2560xf32>
    %reduce_max3A_1043 = arith.constant dense<0xFF800000> : vector<512xf32>
    %reduce_max3A_1044 = vector.multi_reduction <maximumf>, %select_n3A_1042, %reduce_max3A_1043 [1] : vector<512x2560xf32> to vector<512xf32>
    %broadcast_in_dim3A_1045 = vector.shape_cast %reduce_max3A_1044 : vector<512xf32> to vector<512x1xf32>
    %eq3A_1046 = vector.broadcast %broadcast_in_dim3A_1045 : vector<512x1xf32> to vector<512x2560xf32>
    %eq3A_1047 = arith.cmpf oeq, %select_n3A_1042, %eq3A_1046 : vector<512x2560xf32>
    %jit3A_1048 = arith.constant 2560 : i32
    %broadcast_in_dim3A_1049 = vector.broadcast %jit3A_1048 : i32 to vector<512x2560xi32>
    %select_n3A_1050 = arith.select %eq3A_1047, %iota3A, %broadcast_in_dim3A_1049 : vector<512x2560xi1>, vector<512x2560xi32>
    %reduce_min3A_1051 = arith.constant dense<2147483647> : vector<512xi32>
    %reduce_min3A_1052 = vector.multi_reduction <minsi>, %select_n3A_1050, %reduce_min3A_1051 [1] : vector<512x2560xi32> to vector<512xi32>
    %broadcast_in_dim3A_1053 = vector.shape_cast %reduce_min3A_1052 : vector<512xi32> to vector<512x1xi32>
    %jit3A_1054 = arith.constant 128 : i32
    %div3A_1055 = vector.broadcast %jit3A_1054 : i32 to vector<512x1xi32>
    %div3A_1056 = arith.divsi %broadcast_in_dim3A_1053, %div3A_1055 : vector<512x1xi32>
    %sign3A_1057 = arith.constant 0 : i32
    %sign3A_1058 = vector.broadcast %sign3A_1057 : i32 to vector<512x1xi32>
    %sign3A_1059 = arith.cmpi sgt, %broadcast_in_dim3A_1053, %sign3A_1058 : vector<512x1xi32>
    %sign3A_1060 = arith.extui %sign3A_1059 : vector<512x1xi1> to vector<512x1xi32>
    %sign3A_1061 = arith.constant 0 : i32
    %sign3A_1062 = vector.broadcast %sign3A_1061 : i32 to vector<512x1xi32>
    %sign3A_1063 = arith.cmpi slt, %broadcast_in_dim3A_1053, %sign3A_1062 : vector<512x1xi32>
    %sign3A_1064 = arith.extui %sign3A_1063 : vector<512x1xi1> to vector<512x1xi32>
    %sign3A_1065 = arith.subi %sign3A_1060, %sign3A_1064 : vector<512x1xi32>
    %sign3A_1066 = arith.constant 0 : i32
    %sign3A_1067 = arith.cmpi sgt, %jit3A_1054, %sign3A_1066 : i32
    %sign3A_1068 = arith.extui %sign3A_1067 : i1 to i32
    %sign3A_1069 = arith.constant 0 : i32
    %sign3A_1070 = arith.cmpi slt, %jit3A_1054, %sign3A_1069 : i32
    %sign3A_1071 = arith.extui %sign3A_1070 : i1 to i32
    %sign3A_1072 = arith.subi %sign3A_1068, %sign3A_1071 : i32
    %ne3A_1073 = vector.broadcast %sign3A_1072 : i32 to vector<512x1xi32>
    %ne3A_1074 = arith.cmpi ne, %sign3A_1065, %ne3A_1073 : vector<512x1xi32>
    %rem3A_1075 = vector.broadcast %jit3A_1054 : i32 to vector<512x1xi32>
    %rem3A_1076 = arith.remsi %broadcast_in_dim3A_1053, %rem3A_1075 : vector<512x1xi32>
    %ne3A_1077 = arith.constant 0 : i32
    %ne3A_1078 = vector.broadcast %ne3A_1077 : i32 to vector<512x1xi32>
    %ne3A_1079 = arith.cmpi ne, %rem3A_1076, %ne3A_1078 : vector<512x1xi32>
    %and3A_1080 = arith.andi %ne3A_1074, %ne3A_1079 : vector<512x1xi1>
    %sub3A_1081 = arith.constant 1 : i32
    %sub3A_1082 = vector.broadcast %sub3A_1081 : i32 to vector<512x1xi32>
    %sub3A_1083 = arith.subi %div3A_1056, %sub3A_1082 : vector<512x1xi32>
    %select_n3A_1084 = arith.select %and3A_1080, %sub3A_1083, %div3A_1056 : vector<512x1xi1>, vector<512x1xi32>
    %jit3A_1085 = arith.constant 128 : i32
    %eq3A_1086 = arith.constant 0 : i32
    %eq3A_1087 = arith.cmpi eq, %jit3A_1085, %eq3A_1086 : i32
    %jit3A_1088 = arith.constant 1 : i32
    %select_n3A_1089 = arith.select %eq3A_1087, %jit3A_1088, %jit3A_1085 : i32
    %rem3A_1090 = vector.broadcast %select_n3A_1089 : i32 to vector<512x1xi32>
    %rem3A_1091 = arith.remsi %broadcast_in_dim3A_1053, %rem3A_1090 : vector<512x1xi32>
    %ne3A_1092 = arith.constant 0 : i32
    %ne3A_1093 = vector.broadcast %ne3A_1092 : i32 to vector<512x1xi32>
    %ne3A_1094 = arith.cmpi ne, %rem3A_1091, %ne3A_1093 : vector<512x1xi32>
    %lt3A_1095 = arith.constant 0 : i32
    %lt3A_1096 = vector.broadcast %lt3A_1095 : i32 to vector<512x1xi32>
    %lt3A_1097 = arith.cmpi slt, %rem3A_1091, %lt3A_1096 : vector<512x1xi32>
    %lt3A_1098 = arith.constant 0 : i32
    %lt3A_1099 = arith.cmpi slt, %select_n3A_1089, %lt3A_1098 : i32
    %ne3A_1100 = vector.broadcast %lt3A_1099 : i1 to vector<512x1xi1>
    %ne3A_1101 = vector.broadcast %ne3A_1100 : vector<512x1xi1> to vector<512x1xi1>
    %ne3A_1102 = arith.xori %lt3A_1097, %ne3A_1101 : vector<512x1xi1>
    %and3A_1103 = arith.andi %ne3A_1102, %ne3A_1094 : vector<512x1xi1>
    %add3A_1104 = vector.broadcast %select_n3A_1089 : i32 to vector<512x1xi32>
    %add3A_1105 = arith.addi %rem3A_1091, %add3A_1104 : vector<512x1xi32>
    %select_n3A_1106 = arith.select %and3A_1103, %add3A_1105, %rem3A_1091 : vector<512x1xi1>, vector<512x1xi32>
    %eq3A_1107 = vector.broadcast %select_n3A_1084 : vector<512x1xi32> to vector<512x20xi32>
    %eq3A_1108 = arith.cmpi eq, %iota3A_5, %eq3A_1107 : vector<512x20xi32>
    %jit3A_1109 = arith.constant 0 : i32
    %broadcast_in_dim3A_1110 = vector.broadcast %jit3A_1109 : i32 to vector<512x20xi32>
    %select_n3A_1111 = arith.select %eq3A_1108, %get3A_4, %broadcast_in_dim3A_1110 : vector<512x20xi1>, vector<512x20xi32>
    %reduce_sum3A_1112 = arith.constant dense<0> : vector<512xi32>
    %reduce_sum3A_1113 = vector.multi_reduction <add>, %select_n3A_1111, %reduce_sum3A_1112 [1] : vector<512x20xi32> to vector<512xi32>
    %broadcast_in_dim3A_1114 = vector.shape_cast %reduce_sum3A_1113 : vector<512xi32> to vector<512x1xi32>
    %mul3A_1115 = arith.constant 128 : i32
    %mul3A_1116 = vector.broadcast %mul3A_1115 : i32 to vector<512x1xi32>
    %mul3A_1117 = arith.muli %broadcast_in_dim3A_1114, %mul3A_1116 : vector<512x1xi32>
    %add3A_1118 = arith.addi %mul3A_1117, %select_n3A_1106 : vector<512x1xi32>
    %eq3A_1119 = vector.broadcast %broadcast_in_dim3A_1053 : vector<512x1xi32> to vector<512x2560xi32>
    %eq3A_1120 = arith.cmpi eq, %iota3A, %eq3A_1119 : vector<512x2560xi32>
    %jit3A_1121 = arith.constant -3.000000e+38 : f32
    %broadcast_in_dim3A_1122 = vector.broadcast %jit3A_1121 : f32 to vector<512x2560xf32>
    %select_n3A_1123 = arith.select %eq3A_1120, %broadcast_in_dim3A_1122, %select_n3A_1042 : vector<512x2560xi1>, vector<512x2560xf32>
    %reduce_max3A_1124 = arith.constant dense<0xFF800000> : vector<512xf32>
    %reduce_max3A_1125 = vector.multi_reduction <maximumf>, %select_n3A_1123, %reduce_max3A_1124 [1] : vector<512x2560xf32> to vector<512xf32>
    %broadcast_in_dim3A_1126 = vector.shape_cast %reduce_max3A_1125 : vector<512xf32> to vector<512x1xf32>
    %eq3A_1127 = vector.broadcast %broadcast_in_dim3A_1126 : vector<512x1xf32> to vector<512x2560xf32>
    %eq3A_1128 = arith.cmpf oeq, %select_n3A_1123, %eq3A_1127 : vector<512x2560xf32>
    %jit3A_1129 = arith.constant 2560 : i32
    %broadcast_in_dim3A_1130 = vector.broadcast %jit3A_1129 : i32 to vector<512x2560xi32>
    %select_n3A_1131 = arith.select %eq3A_1128, %iota3A, %broadcast_in_dim3A_1130 : vector<512x2560xi1>, vector<512x2560xi32>
    %reduce_min3A_1132 = arith.constant dense<2147483647> : vector<512xi32>
    %reduce_min3A_1133 = vector.multi_reduction <minsi>, %select_n3A_1131, %reduce_min3A_1132 [1] : vector<512x2560xi32> to vector<512xi32>
    %broadcast_in_dim3A_1134 = vector.shape_cast %reduce_min3A_1133 : vector<512xi32> to vector<512x1xi32>
    %jit3A_1135 = arith.constant 128 : i32
    %div3A_1136 = vector.broadcast %jit3A_1135 : i32 to vector<512x1xi32>
    %div3A_1137 = arith.divsi %broadcast_in_dim3A_1134, %div3A_1136 : vector<512x1xi32>
    %sign3A_1138 = arith.constant 0 : i32
    %sign3A_1139 = vector.broadcast %sign3A_1138 : i32 to vector<512x1xi32>
    %sign3A_1140 = arith.cmpi sgt, %broadcast_in_dim3A_1134, %sign3A_1139 : vector<512x1xi32>
    %sign3A_1141 = arith.extui %sign3A_1140 : vector<512x1xi1> to vector<512x1xi32>
    %sign3A_1142 = arith.constant 0 : i32
    %sign3A_1143 = vector.broadcast %sign3A_1142 : i32 to vector<512x1xi32>
    %sign3A_1144 = arith.cmpi slt, %broadcast_in_dim3A_1134, %sign3A_1143 : vector<512x1xi32>
    %sign3A_1145 = arith.extui %sign3A_1144 : vector<512x1xi1> to vector<512x1xi32>
    %sign3A_1146 = arith.subi %sign3A_1141, %sign3A_1145 : vector<512x1xi32>
    %sign3A_1147 = arith.constant 0 : i32
    %sign3A_1148 = arith.cmpi sgt, %jit3A_1135, %sign3A_1147 : i32
    %sign3A_1149 = arith.extui %sign3A_1148 : i1 to i32
    %sign3A_1150 = arith.constant 0 : i32
    %sign3A_1151 = arith.cmpi slt, %jit3A_1135, %sign3A_1150 : i32
    %sign3A_1152 = arith.extui %sign3A_1151 : i1 to i32
    %sign3A_1153 = arith.subi %sign3A_1149, %sign3A_1152 : i32
    %ne3A_1154 = vector.broadcast %sign3A_1153 : i32 to vector<512x1xi32>
    %ne3A_1155 = arith.cmpi ne, %sign3A_1146, %ne3A_1154 : vector<512x1xi32>
    %rem3A_1156 = vector.broadcast %jit3A_1135 : i32 to vector<512x1xi32>
    %rem3A_1157 = arith.remsi %broadcast_in_dim3A_1134, %rem3A_1156 : vector<512x1xi32>
    %ne3A_1158 = arith.constant 0 : i32
    %ne3A_1159 = vector.broadcast %ne3A_1158 : i32 to vector<512x1xi32>
    %ne3A_1160 = arith.cmpi ne, %rem3A_1157, %ne3A_1159 : vector<512x1xi32>
    %and3A_1161 = arith.andi %ne3A_1155, %ne3A_1160 : vector<512x1xi1>
    %sub3A_1162 = arith.constant 1 : i32
    %sub3A_1163 = vector.broadcast %sub3A_1162 : i32 to vector<512x1xi32>
    %sub3A_1164 = arith.subi %div3A_1137, %sub3A_1163 : vector<512x1xi32>
    %select_n3A_1165 = arith.select %and3A_1161, %sub3A_1164, %div3A_1137 : vector<512x1xi1>, vector<512x1xi32>
    %jit3A_1166 = arith.constant 128 : i32
    %eq3A_1167 = arith.constant 0 : i32
    %eq3A_1168 = arith.cmpi eq, %jit3A_1166, %eq3A_1167 : i32
    %jit3A_1169 = arith.constant 1 : i32
    %select_n3A_1170 = arith.select %eq3A_1168, %jit3A_1169, %jit3A_1166 : i32
    %rem3A_1171 = vector.broadcast %select_n3A_1170 : i32 to vector<512x1xi32>
    %rem3A_1172 = arith.remsi %broadcast_in_dim3A_1134, %rem3A_1171 : vector<512x1xi32>
    %ne3A_1173 = arith.constant 0 : i32
    %ne3A_1174 = vector.broadcast %ne3A_1173 : i32 to vector<512x1xi32>
    %ne3A_1175 = arith.cmpi ne, %rem3A_1172, %ne3A_1174 : vector<512x1xi32>
    %lt3A_1176 = arith.constant 0 : i32
    %lt3A_1177 = vector.broadcast %lt3A_1176 : i32 to vector<512x1xi32>
    %lt3A_1178 = arith.cmpi slt, %rem3A_1172, %lt3A_1177 : vector<512x1xi32>
    %lt3A_1179 = arith.constant 0 : i32
    %lt3A_1180 = arith.cmpi slt, %select_n3A_1170, %lt3A_1179 : i32
    %ne3A_1181 = vector.broadcast %lt3A_1180 : i1 to vector<512x1xi1>
    %ne3A_1182 = vector.broadcast %ne3A_1181 : vector<512x1xi1> to vector<512x1xi1>
    %ne3A_1183 = arith.xori %lt3A_1178, %ne3A_1182 : vector<512x1xi1>
    %and3A_1184 = arith.andi %ne3A_1183, %ne3A_1175 : vector<512x1xi1>
    %add3A_1185 = vector.broadcast %select_n3A_1170 : i32 to vector<512x1xi32>
    %add3A_1186 = arith.addi %rem3A_1172, %add3A_1185 : vector<512x1xi32>
    %select_n3A_1187 = arith.select %and3A_1184, %add3A_1186, %rem3A_1172 : vector<512x1xi1>, vector<512x1xi32>
    %eq3A_1188 = vector.broadcast %select_n3A_1165 : vector<512x1xi32> to vector<512x20xi32>
    %eq3A_1189 = arith.cmpi eq, %iota3A_5, %eq3A_1188 : vector<512x20xi32>
    %jit3A_1190 = arith.constant 0 : i32
    %broadcast_in_dim3A_1191 = vector.broadcast %jit3A_1190 : i32 to vector<512x20xi32>
    %select_n3A_1192 = arith.select %eq3A_1189, %get3A_4, %broadcast_in_dim3A_1191 : vector<512x20xi1>, vector<512x20xi32>
    %reduce_sum3A_1193 = arith.constant dense<0> : vector<512xi32>
    %reduce_sum3A_1194 = vector.multi_reduction <add>, %select_n3A_1192, %reduce_sum3A_1193 [1] : vector<512x20xi32> to vector<512xi32>
    %broadcast_in_dim3A_1195 = vector.shape_cast %reduce_sum3A_1194 : vector<512xi32> to vector<512x1xi32>
    %mul3A_1196 = arith.constant 128 : i32
    %mul3A_1197 = vector.broadcast %mul3A_1196 : i32 to vector<512x1xi32>
    %mul3A_1198 = arith.muli %broadcast_in_dim3A_1195, %mul3A_1197 : vector<512x1xi32>
    %add3A_1199 = arith.addi %mul3A_1198, %select_n3A_1187 : vector<512x1xi32>
    %eq3A_1200 = vector.broadcast %broadcast_in_dim3A_1134 : vector<512x1xi32> to vector<512x2560xi32>
    %eq3A_1201 = arith.cmpi eq, %iota3A, %eq3A_1200 : vector<512x2560xi32>
    %jit3A_1202 = arith.constant -3.000000e+38 : f32
    %broadcast_in_dim3A_1203 = vector.broadcast %jit3A_1202 : f32 to vector<512x2560xf32>
    %select_n3A_1204 = arith.select %eq3A_1201, %broadcast_in_dim3A_1203, %select_n3A_1123 : vector<512x2560xi1>, vector<512x2560xf32>
    %reduce_max3A_1205 = arith.constant dense<0xFF800000> : vector<512xf32>
    %reduce_max3A_1206 = vector.multi_reduction <maximumf>, %select_n3A_1204, %reduce_max3A_1205 [1] : vector<512x2560xf32> to vector<512xf32>
    %broadcast_in_dim3A_1207 = vector.shape_cast %reduce_max3A_1206 : vector<512xf32> to vector<512x1xf32>
    %eq3A_1208 = vector.broadcast %broadcast_in_dim3A_1207 : vector<512x1xf32> to vector<512x2560xf32>
    %eq3A_1209 = arith.cmpf oeq, %select_n3A_1204, %eq3A_1208 : vector<512x2560xf32>
    %jit3A_1210 = arith.constant 2560 : i32
    %broadcast_in_dim3A_1211 = vector.broadcast %jit3A_1210 : i32 to vector<512x2560xi32>
    %select_n3A_1212 = arith.select %eq3A_1209, %iota3A, %broadcast_in_dim3A_1211 : vector<512x2560xi1>, vector<512x2560xi32>
    %reduce_min3A_1213 = arith.constant dense<2147483647> : vector<512xi32>
    %reduce_min3A_1214 = vector.multi_reduction <minsi>, %select_n3A_1212, %reduce_min3A_1213 [1] : vector<512x2560xi32> to vector<512xi32>
    %broadcast_in_dim3A_1215 = vector.shape_cast %reduce_min3A_1214 : vector<512xi32> to vector<512x1xi32>
    %jit3A_1216 = arith.constant 128 : i32
    %div3A_1217 = vector.broadcast %jit3A_1216 : i32 to vector<512x1xi32>
    %div3A_1218 = arith.divsi %broadcast_in_dim3A_1215, %div3A_1217 : vector<512x1xi32>
    %sign3A_1219 = arith.constant 0 : i32
    %sign3A_1220 = vector.broadcast %sign3A_1219 : i32 to vector<512x1xi32>
    %sign3A_1221 = arith.cmpi sgt, %broadcast_in_dim3A_1215, %sign3A_1220 : vector<512x1xi32>
    %sign3A_1222 = arith.extui %sign3A_1221 : vector<512x1xi1> to vector<512x1xi32>
    %sign3A_1223 = arith.constant 0 : i32
    %sign3A_1224 = vector.broadcast %sign3A_1223 : i32 to vector<512x1xi32>
    %sign3A_1225 = arith.cmpi slt, %broadcast_in_dim3A_1215, %sign3A_1224 : vector<512x1xi32>
    %sign3A_1226 = arith.extui %sign3A_1225 : vector<512x1xi1> to vector<512x1xi32>
    %sign3A_1227 = arith.subi %sign3A_1222, %sign3A_1226 : vector<512x1xi32>
    %sign3A_1228 = arith.constant 0 : i32
    %sign3A_1229 = arith.cmpi sgt, %jit3A_1216, %sign3A_1228 : i32
    %sign3A_1230 = arith.extui %sign3A_1229 : i1 to i32
    %sign3A_1231 = arith.constant 0 : i32
    %sign3A_1232 = arith.cmpi slt, %jit3A_1216, %sign3A_1231 : i32
    %sign3A_1233 = arith.extui %sign3A_1232 : i1 to i32
    %sign3A_1234 = arith.subi %sign3A_1230, %sign3A_1233 : i32
    %ne3A_1235 = vector.broadcast %sign3A_1234 : i32 to vector<512x1xi32>
    %ne3A_1236 = arith.cmpi ne, %sign3A_1227, %ne3A_1235 : vector<512x1xi32>
    %rem3A_1237 = vector.broadcast %jit3A_1216 : i32 to vector<512x1xi32>
    %rem3A_1238 = arith.remsi %broadcast_in_dim3A_1215, %rem3A_1237 : vector<512x1xi32>
    %ne3A_1239 = arith.constant 0 : i32
    %ne3A_1240 = vector.broadcast %ne3A_1239 : i32 to vector<512x1xi32>
    %ne3A_1241 = arith.cmpi ne, %rem3A_1238, %ne3A_1240 : vector<512x1xi32>
    %and3A_1242 = arith.andi %ne3A_1236, %ne3A_1241 : vector<512x1xi1>
    %sub3A_1243 = arith.constant 1 : i32
    %sub3A_1244 = vector.broadcast %sub3A_1243 : i32 to vector<512x1xi32>
    %sub3A_1245 = arith.subi %div3A_1218, %sub3A_1244 : vector<512x1xi32>
    %select_n3A_1246 = arith.select %and3A_1242, %sub3A_1245, %div3A_1218 : vector<512x1xi1>, vector<512x1xi32>
    %jit3A_1247 = arith.constant 128 : i32
    %eq3A_1248 = arith.constant 0 : i32
    %eq3A_1249 = arith.cmpi eq, %jit3A_1247, %eq3A_1248 : i32
    %jit3A_1250 = arith.constant 1 : i32
    %select_n3A_1251 = arith.select %eq3A_1249, %jit3A_1250, %jit3A_1247 : i32
    %rem3A_1252 = vector.broadcast %select_n3A_1251 : i32 to vector<512x1xi32>
    %rem3A_1253 = arith.remsi %broadcast_in_dim3A_1215, %rem3A_1252 : vector<512x1xi32>
    %ne3A_1254 = arith.constant 0 : i32
    %ne3A_1255 = vector.broadcast %ne3A_1254 : i32 to vector<512x1xi32>
    %ne3A_1256 = arith.cmpi ne, %rem3A_1253, %ne3A_1255 : vector<512x1xi32>
    %lt3A_1257 = arith.constant 0 : i32
    %lt3A_1258 = vector.broadcast %lt3A_1257 : i32 to vector<512x1xi32>
    %lt3A_1259 = arith.cmpi slt, %rem3A_1253, %lt3A_1258 : vector<512x1xi32>
    %lt3A_1260 = arith.constant 0 : i32
    %lt3A_1261 = arith.cmpi slt, %select_n3A_1251, %lt3A_1260 : i32
    %ne3A_1262 = vector.broadcast %lt3A_1261 : i1 to vector<512x1xi1>
    %ne3A_1263 = vector.broadcast %ne3A_1262 : vector<512x1xi1> to vector<512x1xi1>
    %ne3A_1264 = arith.xori %lt3A_1259, %ne3A_1263 : vector<512x1xi1>
    %and3A_1265 = arith.andi %ne3A_1264, %ne3A_1256 : vector<512x1xi1>
    %add3A_1266 = vector.broadcast %select_n3A_1251 : i32 to vector<512x1xi32>
    %add3A_1267 = arith.addi %rem3A_1253, %add3A_1266 : vector<512x1xi32>
    %select_n3A_1268 = arith.select %and3A_1265, %add3A_1267, %rem3A_1253 : vector<512x1xi1>, vector<512x1xi32>
    %eq3A_1269 = vector.broadcast %select_n3A_1246 : vector<512x1xi32> to vector<512x20xi32>
    %eq3A_1270 = arith.cmpi eq, %iota3A_5, %eq3A_1269 : vector<512x20xi32>
    %jit3A_1271 = arith.constant 0 : i32
    %broadcast_in_dim3A_1272 = vector.broadcast %jit3A_1271 : i32 to vector<512x20xi32>
    %select_n3A_1273 = arith.select %eq3A_1270, %get3A_4, %broadcast_in_dim3A_1272 : vector<512x20xi1>, vector<512x20xi32>
    %reduce_sum3A_1274 = arith.constant dense<0> : vector<512xi32>
    %reduce_sum3A_1275 = vector.multi_reduction <add>, %select_n3A_1273, %reduce_sum3A_1274 [1] : vector<512x20xi32> to vector<512xi32>
    %broadcast_in_dim3A_1276 = vector.shape_cast %reduce_sum3A_1275 : vector<512xi32> to vector<512x1xi32>
    %mul3A_1277 = arith.constant 128 : i32
    %mul3A_1278 = vector.broadcast %mul3A_1277 : i32 to vector<512x1xi32>
    %mul3A_1279 = arith.muli %broadcast_in_dim3A_1276, %mul3A_1278 : vector<512x1xi32>
    %add3A_1280 = arith.addi %mul3A_1279, %select_n3A_1268 : vector<512x1xi32>
    %eq3A_1281 = vector.broadcast %broadcast_in_dim3A_1215 : vector<512x1xi32> to vector<512x2560xi32>
    %eq3A_1282 = arith.cmpi eq, %iota3A, %eq3A_1281 : vector<512x2560xi32>
    %jit3A_1283 = arith.constant -3.000000e+38 : f32
    %broadcast_in_dim3A_1284 = vector.broadcast %jit3A_1283 : f32 to vector<512x2560xf32>
    %select_n3A_1285 = arith.select %eq3A_1282, %broadcast_in_dim3A_1284, %select_n3A_1204 : vector<512x2560xi1>, vector<512x2560xf32>
    %reduce_max3A_1286 = arith.constant dense<0xFF800000> : vector<512xf32>
    %reduce_max3A_1287 = vector.multi_reduction <maximumf>, %select_n3A_1285, %reduce_max3A_1286 [1] : vector<512x2560xf32> to vector<512xf32>
    %broadcast_in_dim3A_1288 = vector.shape_cast %reduce_max3A_1287 : vector<512xf32> to vector<512x1xf32>
    %eq3A_1289 = vector.broadcast %broadcast_in_dim3A_1288 : vector<512x1xf32> to vector<512x2560xf32>
    %eq3A_1290 = arith.cmpf oeq, %select_n3A_1285, %eq3A_1289 : vector<512x2560xf32>
    %jit3A_1291 = arith.constant 2560 : i32
    %broadcast_in_dim3A_1292 = vector.broadcast %jit3A_1291 : i32 to vector<512x2560xi32>
    %select_n3A_1293 = arith.select %eq3A_1290, %iota3A, %broadcast_in_dim3A_1292 : vector<512x2560xi1>, vector<512x2560xi32>
    %reduce_min3A_1294 = arith.constant dense<2147483647> : vector<512xi32>
    %reduce_min3A_1295 = vector.multi_reduction <minsi>, %select_n3A_1293, %reduce_min3A_1294 [1] : vector<512x2560xi32> to vector<512xi32>
    %broadcast_in_dim3A_1296 = vector.shape_cast %reduce_min3A_1295 : vector<512xi32> to vector<512x1xi32>
    %jit3A_1297 = arith.constant 128 : i32
    %div3A_1298 = vector.broadcast %jit3A_1297 : i32 to vector<512x1xi32>
    %div3A_1299 = arith.divsi %broadcast_in_dim3A_1296, %div3A_1298 : vector<512x1xi32>
    %sign3A_1300 = arith.constant 0 : i32
    %sign3A_1301 = vector.broadcast %sign3A_1300 : i32 to vector<512x1xi32>
    %sign3A_1302 = arith.cmpi sgt, %broadcast_in_dim3A_1296, %sign3A_1301 : vector<512x1xi32>
    %sign3A_1303 = arith.extui %sign3A_1302 : vector<512x1xi1> to vector<512x1xi32>
    %sign3A_1304 = arith.constant 0 : i32
    %sign3A_1305 = vector.broadcast %sign3A_1304 : i32 to vector<512x1xi32>
    %sign3A_1306 = arith.cmpi slt, %broadcast_in_dim3A_1296, %sign3A_1305 : vector<512x1xi32>
    %sign3A_1307 = arith.extui %sign3A_1306 : vector<512x1xi1> to vector<512x1xi32>
    %sign3A_1308 = arith.subi %sign3A_1303, %sign3A_1307 : vector<512x1xi32>
    %sign3A_1309 = arith.constant 0 : i32
    %sign3A_1310 = arith.cmpi sgt, %jit3A_1297, %sign3A_1309 : i32
    %sign3A_1311 = arith.extui %sign3A_1310 : i1 to i32
    %sign3A_1312 = arith.constant 0 : i32
    %sign3A_1313 = arith.cmpi slt, %jit3A_1297, %sign3A_1312 : i32
    %sign3A_1314 = arith.extui %sign3A_1313 : i1 to i32
    %sign3A_1315 = arith.subi %sign3A_1311, %sign3A_1314 : i32
    %ne3A_1316 = vector.broadcast %sign3A_1315 : i32 to vector<512x1xi32>
    %ne3A_1317 = arith.cmpi ne, %sign3A_1308, %ne3A_1316 : vector<512x1xi32>
    %rem3A_1318 = vector.broadcast %jit3A_1297 : i32 to vector<512x1xi32>
    %rem3A_1319 = arith.remsi %broadcast_in_dim3A_1296, %rem3A_1318 : vector<512x1xi32>
    %ne3A_1320 = arith.constant 0 : i32
    %ne3A_1321 = vector.broadcast %ne3A_1320 : i32 to vector<512x1xi32>
    %ne3A_1322 = arith.cmpi ne, %rem3A_1319, %ne3A_1321 : vector<512x1xi32>
    %and3A_1323 = arith.andi %ne3A_1317, %ne3A_1322 : vector<512x1xi1>
    %sub3A_1324 = arith.constant 1 : i32
    %sub3A_1325 = vector.broadcast %sub3A_1324 : i32 to vector<512x1xi32>
    %sub3A_1326 = arith.subi %div3A_1299, %sub3A_1325 : vector<512x1xi32>
    %select_n3A_1327 = arith.select %and3A_1323, %sub3A_1326, %div3A_1299 : vector<512x1xi1>, vector<512x1xi32>
    %jit3A_1328 = arith.constant 128 : i32
    %eq3A_1329 = arith.constant 0 : i32
    %eq3A_1330 = arith.cmpi eq, %jit3A_1328, %eq3A_1329 : i32
    %jit3A_1331 = arith.constant 1 : i32
    %select_n3A_1332 = arith.select %eq3A_1330, %jit3A_1331, %jit3A_1328 : i32
    %rem3A_1333 = vector.broadcast %select_n3A_1332 : i32 to vector<512x1xi32>
    %rem3A_1334 = arith.remsi %broadcast_in_dim3A_1296, %rem3A_1333 : vector<512x1xi32>
    %ne3A_1335 = arith.constant 0 : i32
    %ne3A_1336 = vector.broadcast %ne3A_1335 : i32 to vector<512x1xi32>
    %ne3A_1337 = arith.cmpi ne, %rem3A_1334, %ne3A_1336 : vector<512x1xi32>
    %lt3A_1338 = arith.constant 0 : i32
    %lt3A_1339 = vector.broadcast %lt3A_1338 : i32 to vector<512x1xi32>
    %lt3A_1340 = arith.cmpi slt, %rem3A_1334, %lt3A_1339 : vector<512x1xi32>
    %lt3A_1341 = arith.constant 0 : i32
    %lt3A_1342 = arith.cmpi slt, %select_n3A_1332, %lt3A_1341 : i32
    %ne3A_1343 = vector.broadcast %lt3A_1342 : i1 to vector<512x1xi1>
    %ne3A_1344 = vector.broadcast %ne3A_1343 : vector<512x1xi1> to vector<512x1xi1>
    %ne3A_1345 = arith.xori %lt3A_1340, %ne3A_1344 : vector<512x1xi1>
    %and3A_1346 = arith.andi %ne3A_1345, %ne3A_1337 : vector<512x1xi1>
    %add3A_1347 = vector.broadcast %select_n3A_1332 : i32 to vector<512x1xi32>
    %add3A_1348 = arith.addi %rem3A_1334, %add3A_1347 : vector<512x1xi32>
    %select_n3A_1349 = arith.select %and3A_1346, %add3A_1348, %rem3A_1334 : vector<512x1xi1>, vector<512x1xi32>
    %eq3A_1350 = vector.broadcast %select_n3A_1327 : vector<512x1xi32> to vector<512x20xi32>
    %eq3A_1351 = arith.cmpi eq, %iota3A_5, %eq3A_1350 : vector<512x20xi32>
    %jit3A_1352 = arith.constant 0 : i32
    %broadcast_in_dim3A_1353 = vector.broadcast %jit3A_1352 : i32 to vector<512x20xi32>
    %select_n3A_1354 = arith.select %eq3A_1351, %get3A_4, %broadcast_in_dim3A_1353 : vector<512x20xi1>, vector<512x20xi32>
    %reduce_sum3A_1355 = arith.constant dense<0> : vector<512xi32>
    %reduce_sum3A_1356 = vector.multi_reduction <add>, %select_n3A_1354, %reduce_sum3A_1355 [1] : vector<512x20xi32> to vector<512xi32>
    %broadcast_in_dim3A_1357 = vector.shape_cast %reduce_sum3A_1356 : vector<512xi32> to vector<512x1xi32>
    %mul3A_1358 = arith.constant 128 : i32
    %mul3A_1359 = vector.broadcast %mul3A_1358 : i32 to vector<512x1xi32>
    %mul3A_1360 = arith.muli %broadcast_in_dim3A_1357, %mul3A_1359 : vector<512x1xi32>
    %add3A_1361 = arith.addi %mul3A_1360, %select_n3A_1349 : vector<512x1xi32>
    %eq3A_1362 = vector.broadcast %broadcast_in_dim3A_1296 : vector<512x1xi32> to vector<512x2560xi32>
    %eq3A_1363 = arith.cmpi eq, %iota3A, %eq3A_1362 : vector<512x2560xi32>
    %jit3A_1364 = arith.constant -3.000000e+38 : f32
    %broadcast_in_dim3A_1365 = vector.broadcast %jit3A_1364 : f32 to vector<512x2560xf32>
    %select_n3A_1366 = arith.select %eq3A_1363, %broadcast_in_dim3A_1365, %select_n3A_1285 : vector<512x2560xi1>, vector<512x2560xf32>
    %reduce_max3A_1367 = arith.constant dense<0xFF800000> : vector<512xf32>
    %reduce_max3A_1368 = vector.multi_reduction <maximumf>, %select_n3A_1366, %reduce_max3A_1367 [1] : vector<512x2560xf32> to vector<512xf32>
    %broadcast_in_dim3A_1369 = vector.shape_cast %reduce_max3A_1368 : vector<512xf32> to vector<512x1xf32>
    %eq3A_1370 = vector.broadcast %broadcast_in_dim3A_1369 : vector<512x1xf32> to vector<512x2560xf32>
    %eq3A_1371 = arith.cmpf oeq, %select_n3A_1366, %eq3A_1370 : vector<512x2560xf32>
    %jit3A_1372 = arith.constant 2560 : i32
    %broadcast_in_dim3A_1373 = vector.broadcast %jit3A_1372 : i32 to vector<512x2560xi32>
    %select_n3A_1374 = arith.select %eq3A_1371, %iota3A, %broadcast_in_dim3A_1373 : vector<512x2560xi1>, vector<512x2560xi32>
    %reduce_min3A_1375 = arith.constant dense<2147483647> : vector<512xi32>
    %reduce_min3A_1376 = vector.multi_reduction <minsi>, %select_n3A_1374, %reduce_min3A_1375 [1] : vector<512x2560xi32> to vector<512xi32>
    %broadcast_in_dim3A_1377 = vector.shape_cast %reduce_min3A_1376 : vector<512xi32> to vector<512x1xi32>
    %jit3A_1378 = arith.constant 128 : i32
    %div3A_1379 = vector.broadcast %jit3A_1378 : i32 to vector<512x1xi32>
    %div3A_1380 = arith.divsi %broadcast_in_dim3A_1377, %div3A_1379 : vector<512x1xi32>
    %sign3A_1381 = arith.constant 0 : i32
    %sign3A_1382 = vector.broadcast %sign3A_1381 : i32 to vector<512x1xi32>
    %sign3A_1383 = arith.cmpi sgt, %broadcast_in_dim3A_1377, %sign3A_1382 : vector<512x1xi32>
    %sign3A_1384 = arith.extui %sign3A_1383 : vector<512x1xi1> to vector<512x1xi32>
    %sign3A_1385 = arith.constant 0 : i32
    %sign3A_1386 = vector.broadcast %sign3A_1385 : i32 to vector<512x1xi32>
    %sign3A_1387 = arith.cmpi slt, %broadcast_in_dim3A_1377, %sign3A_1386 : vector<512x1xi32>
    %sign3A_1388 = arith.extui %sign3A_1387 : vector<512x1xi1> to vector<512x1xi32>
    %sign3A_1389 = arith.subi %sign3A_1384, %sign3A_1388 : vector<512x1xi32>
    %sign3A_1390 = arith.constant 0 : i32
    %sign3A_1391 = arith.cmpi sgt, %jit3A_1378, %sign3A_1390 : i32
    %sign3A_1392 = arith.extui %sign3A_1391 : i1 to i32
    %sign3A_1393 = arith.constant 0 : i32
    %sign3A_1394 = arith.cmpi slt, %jit3A_1378, %sign3A_1393 : i32
    %sign3A_1395 = arith.extui %sign3A_1394 : i1 to i32
    %sign3A_1396 = arith.subi %sign3A_1392, %sign3A_1395 : i32
    %ne3A_1397 = vector.broadcast %sign3A_1396 : i32 to vector<512x1xi32>
    %ne3A_1398 = arith.cmpi ne, %sign3A_1389, %ne3A_1397 : vector<512x1xi32>
    %rem3A_1399 = vector.broadcast %jit3A_1378 : i32 to vector<512x1xi32>
    %rem3A_1400 = arith.remsi %broadcast_in_dim3A_1377, %rem3A_1399 : vector<512x1xi32>
    %ne3A_1401 = arith.constant 0 : i32
    %ne3A_1402 = vector.broadcast %ne3A_1401 : i32 to vector<512x1xi32>
    %ne3A_1403 = arith.cmpi ne, %rem3A_1400, %ne3A_1402 : vector<512x1xi32>
    %and3A_1404 = arith.andi %ne3A_1398, %ne3A_1403 : vector<512x1xi1>
    %sub3A_1405 = arith.constant 1 : i32
    %sub3A_1406 = vector.broadcast %sub3A_1405 : i32 to vector<512x1xi32>
    %sub3A_1407 = arith.subi %div3A_1380, %sub3A_1406 : vector<512x1xi32>
    %select_n3A_1408 = arith.select %and3A_1404, %sub3A_1407, %div3A_1380 : vector<512x1xi1>, vector<512x1xi32>
    %jit3A_1409 = arith.constant 128 : i32
    %eq3A_1410 = arith.constant 0 : i32
    %eq3A_1411 = arith.cmpi eq, %jit3A_1409, %eq3A_1410 : i32
    %jit3A_1412 = arith.constant 1 : i32
    %select_n3A_1413 = arith.select %eq3A_1411, %jit3A_1412, %jit3A_1409 : i32
    %rem3A_1414 = vector.broadcast %select_n3A_1413 : i32 to vector<512x1xi32>
    %rem3A_1415 = arith.remsi %broadcast_in_dim3A_1377, %rem3A_1414 : vector<512x1xi32>
    %ne3A_1416 = arith.constant 0 : i32
    %ne3A_1417 = vector.broadcast %ne3A_1416 : i32 to vector<512x1xi32>
    %ne3A_1418 = arith.cmpi ne, %rem3A_1415, %ne3A_1417 : vector<512x1xi32>
    %lt3A_1419 = arith.constant 0 : i32
    %lt3A_1420 = vector.broadcast %lt3A_1419 : i32 to vector<512x1xi32>
    %lt3A_1421 = arith.cmpi slt, %rem3A_1415, %lt3A_1420 : vector<512x1xi32>
    %lt3A_1422 = arith.constant 0 : i32
    %lt3A_1423 = arith.cmpi slt, %select_n3A_1413, %lt3A_1422 : i32
    %ne3A_1424 = vector.broadcast %lt3A_1423 : i1 to vector<512x1xi1>
    %ne3A_1425 = vector.broadcast %ne3A_1424 : vector<512x1xi1> to vector<512x1xi1>
    %ne3A_1426 = arith.xori %lt3A_1421, %ne3A_1425 : vector<512x1xi1>
    %and3A_1427 = arith.andi %ne3A_1426, %ne3A_1418 : vector<512x1xi1>
    %add3A_1428 = vector.broadcast %select_n3A_1413 : i32 to vector<512x1xi32>
    %add3A_1429 = arith.addi %rem3A_1415, %add3A_1428 : vector<512x1xi32>
    %select_n3A_1430 = arith.select %and3A_1427, %add3A_1429, %rem3A_1415 : vector<512x1xi1>, vector<512x1xi32>
    %eq3A_1431 = vector.broadcast %select_n3A_1408 : vector<512x1xi32> to vector<512x20xi32>
    %eq3A_1432 = arith.cmpi eq, %iota3A_5, %eq3A_1431 : vector<512x20xi32>
    %jit3A_1433 = arith.constant 0 : i32
    %broadcast_in_dim3A_1434 = vector.broadcast %jit3A_1433 : i32 to vector<512x20xi32>
    %select_n3A_1435 = arith.select %eq3A_1432, %get3A_4, %broadcast_in_dim3A_1434 : vector<512x20xi1>, vector<512x20xi32>
    %reduce_sum3A_1436 = arith.constant dense<0> : vector<512xi32>
    %reduce_sum3A_1437 = vector.multi_reduction <add>, %select_n3A_1435, %reduce_sum3A_1436 [1] : vector<512x20xi32> to vector<512xi32>
    %broadcast_in_dim3A_1438 = vector.shape_cast %reduce_sum3A_1437 : vector<512xi32> to vector<512x1xi32>
    %mul3A_1439 = arith.constant 128 : i32
    %mul3A_1440 = vector.broadcast %mul3A_1439 : i32 to vector<512x1xi32>
    %mul3A_1441 = arith.muli %broadcast_in_dim3A_1438, %mul3A_1440 : vector<512x1xi32>
    %add3A_1442 = arith.addi %mul3A_1441, %select_n3A_1430 : vector<512x1xi32>
    %eq3A_1443 = vector.broadcast %broadcast_in_dim3A_1377 : vector<512x1xi32> to vector<512x2560xi32>
    %eq3A_1444 = arith.cmpi eq, %iota3A, %eq3A_1443 : vector<512x2560xi32>
    %jit3A_1445 = arith.constant -3.000000e+38 : f32
    %broadcast_in_dim3A_1446 = vector.broadcast %jit3A_1445 : f32 to vector<512x2560xf32>
    %select_n3A_1447 = arith.select %eq3A_1444, %broadcast_in_dim3A_1446, %select_n3A_1366 : vector<512x2560xi1>, vector<512x2560xf32>
    %reduce_max3A_1448 = arith.constant dense<0xFF800000> : vector<512xf32>
    %reduce_max3A_1449 = vector.multi_reduction <maximumf>, %select_n3A_1447, %reduce_max3A_1448 [1] : vector<512x2560xf32> to vector<512xf32>
    %broadcast_in_dim3A_1450 = vector.shape_cast %reduce_max3A_1449 : vector<512xf32> to vector<512x1xf32>
    %eq3A_1451 = vector.broadcast %broadcast_in_dim3A_1450 : vector<512x1xf32> to vector<512x2560xf32>
    %eq3A_1452 = arith.cmpf oeq, %select_n3A_1447, %eq3A_1451 : vector<512x2560xf32>
    %jit3A_1453 = arith.constant 2560 : i32
    %broadcast_in_dim3A_1454 = vector.broadcast %jit3A_1453 : i32 to vector<512x2560xi32>
    %select_n3A_1455 = arith.select %eq3A_1452, %iota3A, %broadcast_in_dim3A_1454 : vector<512x2560xi1>, vector<512x2560xi32>
    %reduce_min3A_1456 = arith.constant dense<2147483647> : vector<512xi32>
    %reduce_min3A_1457 = vector.multi_reduction <minsi>, %select_n3A_1455, %reduce_min3A_1456 [1] : vector<512x2560xi32> to vector<512xi32>
    %broadcast_in_dim3A_1458 = vector.shape_cast %reduce_min3A_1457 : vector<512xi32> to vector<512x1xi32>
    %jit3A_1459 = arith.constant 128 : i32
    %div3A_1460 = vector.broadcast %jit3A_1459 : i32 to vector<512x1xi32>
    %div3A_1461 = arith.divsi %broadcast_in_dim3A_1458, %div3A_1460 : vector<512x1xi32>
    %sign3A_1462 = arith.constant 0 : i32
    %sign3A_1463 = vector.broadcast %sign3A_1462 : i32 to vector<512x1xi32>
    %sign3A_1464 = arith.cmpi sgt, %broadcast_in_dim3A_1458, %sign3A_1463 : vector<512x1xi32>
    %sign3A_1465 = arith.extui %sign3A_1464 : vector<512x1xi1> to vector<512x1xi32>
    %sign3A_1466 = arith.constant 0 : i32
    %sign3A_1467 = vector.broadcast %sign3A_1466 : i32 to vector<512x1xi32>
    %sign3A_1468 = arith.cmpi slt, %broadcast_in_dim3A_1458, %sign3A_1467 : vector<512x1xi32>
    %sign3A_1469 = arith.extui %sign3A_1468 : vector<512x1xi1> to vector<512x1xi32>
    %sign3A_1470 = arith.subi %sign3A_1465, %sign3A_1469 : vector<512x1xi32>
    %sign3A_1471 = arith.constant 0 : i32
    %sign3A_1472 = arith.cmpi sgt, %jit3A_1459, %sign3A_1471 : i32
    %sign3A_1473 = arith.extui %sign3A_1472 : i1 to i32
    %sign3A_1474 = arith.constant 0 : i32
    %sign3A_1475 = arith.cmpi slt, %jit3A_1459, %sign3A_1474 : i32
    %sign3A_1476 = arith.extui %sign3A_1475 : i1 to i32
    %sign3A_1477 = arith.subi %sign3A_1473, %sign3A_1476 : i32
    %ne3A_1478 = vector.broadcast %sign3A_1477 : i32 to vector<512x1xi32>
    %ne3A_1479 = arith.cmpi ne, %sign3A_1470, %ne3A_1478 : vector<512x1xi32>
    %rem3A_1480 = vector.broadcast %jit3A_1459 : i32 to vector<512x1xi32>
    %rem3A_1481 = arith.remsi %broadcast_in_dim3A_1458, %rem3A_1480 : vector<512x1xi32>
    %ne3A_1482 = arith.constant 0 : i32
    %ne3A_1483 = vector.broadcast %ne3A_1482 : i32 to vector<512x1xi32>
    %ne3A_1484 = arith.cmpi ne, %rem3A_1481, %ne3A_1483 : vector<512x1xi32>
    %and3A_1485 = arith.andi %ne3A_1479, %ne3A_1484 : vector<512x1xi1>
    %sub3A_1486 = arith.constant 1 : i32
    %sub3A_1487 = vector.broadcast %sub3A_1486 : i32 to vector<512x1xi32>
    %sub3A_1488 = arith.subi %div3A_1461, %sub3A_1487 : vector<512x1xi32>
    %select_n3A_1489 = arith.select %and3A_1485, %sub3A_1488, %div3A_1461 : vector<512x1xi1>, vector<512x1xi32>
    %jit3A_1490 = arith.constant 128 : i32
    %eq3A_1491 = arith.constant 0 : i32
    %eq3A_1492 = arith.cmpi eq, %jit3A_1490, %eq3A_1491 : i32
    %jit3A_1493 = arith.constant 1 : i32
    %select_n3A_1494 = arith.select %eq3A_1492, %jit3A_1493, %jit3A_1490 : i32
    %rem3A_1495 = vector.broadcast %select_n3A_1494 : i32 to vector<512x1xi32>
    %rem3A_1496 = arith.remsi %broadcast_in_dim3A_1458, %rem3A_1495 : vector<512x1xi32>
    %ne3A_1497 = arith.constant 0 : i32
    %ne3A_1498 = vector.broadcast %ne3A_1497 : i32 to vector<512x1xi32>
    %ne3A_1499 = arith.cmpi ne, %rem3A_1496, %ne3A_1498 : vector<512x1xi32>
    %lt3A_1500 = arith.constant 0 : i32
    %lt3A_1501 = vector.broadcast %lt3A_1500 : i32 to vector<512x1xi32>
    %lt3A_1502 = arith.cmpi slt, %rem3A_1496, %lt3A_1501 : vector<512x1xi32>
    %lt3A_1503 = arith.constant 0 : i32
    %lt3A_1504 = arith.cmpi slt, %select_n3A_1494, %lt3A_1503 : i32
    %ne3A_1505 = vector.broadcast %lt3A_1504 : i1 to vector<512x1xi1>
    %ne3A_1506 = vector.broadcast %ne3A_1505 : vector<512x1xi1> to vector<512x1xi1>
    %ne3A_1507 = arith.xori %lt3A_1502, %ne3A_1506 : vector<512x1xi1>
    %and3A_1508 = arith.andi %ne3A_1507, %ne3A_1499 : vector<512x1xi1>
    %add3A_1509 = vector.broadcast %select_n3A_1494 : i32 to vector<512x1xi32>
    %add3A_1510 = arith.addi %rem3A_1496, %add3A_1509 : vector<512x1xi32>
    %select_n3A_1511 = arith.select %and3A_1508, %add3A_1510, %rem3A_1496 : vector<512x1xi1>, vector<512x1xi32>
    %eq3A_1512 = vector.broadcast %select_n3A_1489 : vector<512x1xi32> to vector<512x20xi32>
    %eq3A_1513 = arith.cmpi eq, %iota3A_5, %eq3A_1512 : vector<512x20xi32>
    %jit3A_1514 = arith.constant 0 : i32
    %broadcast_in_dim3A_1515 = vector.broadcast %jit3A_1514 : i32 to vector<512x20xi32>
    %select_n3A_1516 = arith.select %eq3A_1513, %get3A_4, %broadcast_in_dim3A_1515 : vector<512x20xi1>, vector<512x20xi32>
    %reduce_sum3A_1517 = arith.constant dense<0> : vector<512xi32>
    %reduce_sum3A_1518 = vector.multi_reduction <add>, %select_n3A_1516, %reduce_sum3A_1517 [1] : vector<512x20xi32> to vector<512xi32>
    %broadcast_in_dim3A_1519 = vector.shape_cast %reduce_sum3A_1518 : vector<512xi32> to vector<512x1xi32>
    %mul3A_1520 = arith.constant 128 : i32
    %mul3A_1521 = vector.broadcast %mul3A_1520 : i32 to vector<512x1xi32>
    %mul3A_1522 = arith.muli %broadcast_in_dim3A_1519, %mul3A_1521 : vector<512x1xi32>
    %add3A_1523 = arith.addi %mul3A_1522, %select_n3A_1511 : vector<512x1xi32>
    %eq3A_1524 = vector.broadcast %broadcast_in_dim3A_1458 : vector<512x1xi32> to vector<512x2560xi32>
    %eq3A_1525 = arith.cmpi eq, %iota3A, %eq3A_1524 : vector<512x2560xi32>
    %jit3A_1526 = arith.constant -3.000000e+38 : f32
    %broadcast_in_dim3A_1527 = vector.broadcast %jit3A_1526 : f32 to vector<512x2560xf32>
    %select_n3A_1528 = arith.select %eq3A_1525, %broadcast_in_dim3A_1527, %select_n3A_1447 : vector<512x2560xi1>, vector<512x2560xf32>
    %reduce_max3A_1529 = arith.constant dense<0xFF800000> : vector<512xf32>
    %reduce_max3A_1530 = vector.multi_reduction <maximumf>, %select_n3A_1528, %reduce_max3A_1529 [1] : vector<512x2560xf32> to vector<512xf32>
    %broadcast_in_dim3A_1531 = vector.shape_cast %reduce_max3A_1530 : vector<512xf32> to vector<512x1xf32>
    %eq3A_1532 = vector.broadcast %broadcast_in_dim3A_1531 : vector<512x1xf32> to vector<512x2560xf32>
    %eq3A_1533 = arith.cmpf oeq, %select_n3A_1528, %eq3A_1532 : vector<512x2560xf32>
    %jit3A_1534 = arith.constant 2560 : i32
    %broadcast_in_dim3A_1535 = vector.broadcast %jit3A_1534 : i32 to vector<512x2560xi32>
    %select_n3A_1536 = arith.select %eq3A_1533, %iota3A, %broadcast_in_dim3A_1535 : vector<512x2560xi1>, vector<512x2560xi32>
    %reduce_min3A_1537 = arith.constant dense<2147483647> : vector<512xi32>
    %reduce_min3A_1538 = vector.multi_reduction <minsi>, %select_n3A_1536, %reduce_min3A_1537 [1] : vector<512x2560xi32> to vector<512xi32>
    %broadcast_in_dim3A_1539 = vector.shape_cast %reduce_min3A_1538 : vector<512xi32> to vector<512x1xi32>
    %jit3A_1540 = arith.constant 128 : i32
    %div3A_1541 = vector.broadcast %jit3A_1540 : i32 to vector<512x1xi32>
    %div3A_1542 = arith.divsi %broadcast_in_dim3A_1539, %div3A_1541 : vector<512x1xi32>
    %sign3A_1543 = arith.constant 0 : i32
    %sign3A_1544 = vector.broadcast %sign3A_1543 : i32 to vector<512x1xi32>
    %sign3A_1545 = arith.cmpi sgt, %broadcast_in_dim3A_1539, %sign3A_1544 : vector<512x1xi32>
    %sign3A_1546 = arith.extui %sign3A_1545 : vector<512x1xi1> to vector<512x1xi32>
    %sign3A_1547 = arith.constant 0 : i32
    %sign3A_1548 = vector.broadcast %sign3A_1547 : i32 to vector<512x1xi32>
    %sign3A_1549 = arith.cmpi slt, %broadcast_in_dim3A_1539, %sign3A_1548 : vector<512x1xi32>
    %sign3A_1550 = arith.extui %sign3A_1549 : vector<512x1xi1> to vector<512x1xi32>
    %sign3A_1551 = arith.subi %sign3A_1546, %sign3A_1550 : vector<512x1xi32>
    %sign3A_1552 = arith.constant 0 : i32
    %sign3A_1553 = arith.cmpi sgt, %jit3A_1540, %sign3A_1552 : i32
    %sign3A_1554 = arith.extui %sign3A_1553 : i1 to i32
    %sign3A_1555 = arith.constant 0 : i32
    %sign3A_1556 = arith.cmpi slt, %jit3A_1540, %sign3A_1555 : i32
    %sign3A_1557 = arith.extui %sign3A_1556 : i1 to i32
    %sign3A_1558 = arith.subi %sign3A_1554, %sign3A_1557 : i32
    %ne3A_1559 = vector.broadcast %sign3A_1558 : i32 to vector<512x1xi32>
    %ne3A_1560 = arith.cmpi ne, %sign3A_1551, %ne3A_1559 : vector<512x1xi32>
    %rem3A_1561 = vector.broadcast %jit3A_1540 : i32 to vector<512x1xi32>
    %rem3A_1562 = arith.remsi %broadcast_in_dim3A_1539, %rem3A_1561 : vector<512x1xi32>
    %ne3A_1563 = arith.constant 0 : i32
    %ne3A_1564 = vector.broadcast %ne3A_1563 : i32 to vector<512x1xi32>
    %ne3A_1565 = arith.cmpi ne, %rem3A_1562, %ne3A_1564 : vector<512x1xi32>
    %and3A_1566 = arith.andi %ne3A_1560, %ne3A_1565 : vector<512x1xi1>
    %sub3A_1567 = arith.constant 1 : i32
    %sub3A_1568 = vector.broadcast %sub3A_1567 : i32 to vector<512x1xi32>
    %sub3A_1569 = arith.subi %div3A_1542, %sub3A_1568 : vector<512x1xi32>
    %select_n3A_1570 = arith.select %and3A_1566, %sub3A_1569, %div3A_1542 : vector<512x1xi1>, vector<512x1xi32>
    %jit3A_1571 = arith.constant 128 : i32
    %eq3A_1572 = arith.constant 0 : i32
    %eq3A_1573 = arith.cmpi eq, %jit3A_1571, %eq3A_1572 : i32
    %jit3A_1574 = arith.constant 1 : i32
    %select_n3A_1575 = arith.select %eq3A_1573, %jit3A_1574, %jit3A_1571 : i32
    %rem3A_1576 = vector.broadcast %select_n3A_1575 : i32 to vector<512x1xi32>
    %rem3A_1577 = arith.remsi %broadcast_in_dim3A_1539, %rem3A_1576 : vector<512x1xi32>
    %ne3A_1578 = arith.constant 0 : i32
    %ne3A_1579 = vector.broadcast %ne3A_1578 : i32 to vector<512x1xi32>
    %ne3A_1580 = arith.cmpi ne, %rem3A_1577, %ne3A_1579 : vector<512x1xi32>
    %lt3A_1581 = arith.constant 0 : i32
    %lt3A_1582 = vector.broadcast %lt3A_1581 : i32 to vector<512x1xi32>
    %lt3A_1583 = arith.cmpi slt, %rem3A_1577, %lt3A_1582 : vector<512x1xi32>
    %lt3A_1584 = arith.constant 0 : i32
    %lt3A_1585 = arith.cmpi slt, %select_n3A_1575, %lt3A_1584 : i32
    %ne3A_1586 = vector.broadcast %lt3A_1585 : i1 to vector<512x1xi1>
    %ne3A_1587 = vector.broadcast %ne3A_1586 : vector<512x1xi1> to vector<512x1xi1>
    %ne3A_1588 = arith.xori %lt3A_1583, %ne3A_1587 : vector<512x1xi1>
    %and3A_1589 = arith.andi %ne3A_1588, %ne3A_1580 : vector<512x1xi1>
    %add3A_1590 = vector.broadcast %select_n3A_1575 : i32 to vector<512x1xi32>
    %add3A_1591 = arith.addi %rem3A_1577, %add3A_1590 : vector<512x1xi32>
    %select_n3A_1592 = arith.select %and3A_1589, %add3A_1591, %rem3A_1577 : vector<512x1xi1>, vector<512x1xi32>
    %eq3A_1593 = vector.broadcast %select_n3A_1570 : vector<512x1xi32> to vector<512x20xi32>
    %eq3A_1594 = arith.cmpi eq, %iota3A_5, %eq3A_1593 : vector<512x20xi32>
    %jit3A_1595 = arith.constant 0 : i32
    %broadcast_in_dim3A_1596 = vector.broadcast %jit3A_1595 : i32 to vector<512x20xi32>
    %select_n3A_1597 = arith.select %eq3A_1594, %get3A_4, %broadcast_in_dim3A_1596 : vector<512x20xi1>, vector<512x20xi32>
    %reduce_sum3A_1598 = arith.constant dense<0> : vector<512xi32>
    %reduce_sum3A_1599 = vector.multi_reduction <add>, %select_n3A_1597, %reduce_sum3A_1598 [1] : vector<512x20xi32> to vector<512xi32>
    %broadcast_in_dim3A_1600 = vector.shape_cast %reduce_sum3A_1599 : vector<512xi32> to vector<512x1xi32>
    %mul3A_1601 = arith.constant 128 : i32
    %mul3A_1602 = vector.broadcast %mul3A_1601 : i32 to vector<512x1xi32>
    %mul3A_1603 = arith.muli %broadcast_in_dim3A_1600, %mul3A_1602 : vector<512x1xi32>
    %add3A_1604 = arith.addi %mul3A_1603, %select_n3A_1592 : vector<512x1xi32>
    %concatenate3A = tpu.concatenate %broadcast_in_dim3A, %broadcast_in_dim3A_73, %broadcast_in_dim3A_154, %broadcast_in_dim3A_235, %broadcast_in_dim3A_316, %broadcast_in_dim3A_397, %broadcast_in_dim3A_478, %broadcast_in_dim3A_559, %broadcast_in_dim3A_640, %broadcast_in_dim3A_721, %broadcast_in_dim3A_802, %broadcast_in_dim3A_883, %broadcast_in_dim3A_964, %broadcast_in_dim3A_1045, %broadcast_in_dim3A_1126, %broadcast_in_dim3A_1207, %broadcast_in_dim3A_1288, %broadcast_in_dim3A_1369, %broadcast_in_dim3A_1450, %broadcast_in_dim3A_1531 in 1 : vector<512x1xf32>, vector<512x1xf32>, vector<512x1xf32>, vector<512x1xf32>, vector<512x1xf32>, vector<512x1xf32>, vector<512x1xf32>, vector<512x1xf32>, vector<512x1xf32>, vector<512x1xf32>, vector<512x1xf32>, vector<512x1xf32>, vector<512x1xf32>, vector<512x1xf32>, vector<512x1xf32>, vector<512x1xf32>, vector<512x1xf32>, vector<512x1xf32>, vector<512x1xf32>, vector<512x1xf32> -> vector<512x20xf32>
    %slice3A = vector.extract_strided_slice %concatenate3A {offsets = [0, 0], sizes = [512, 1], strides = [1, 1]} : vector<512x20xf32> to vector<512x1xf32>
    %sub3A_1605 = vector.broadcast %slice3A : vector<512x1xf32> to vector<512x20xf32>
    %sub3A_1606 = arith.subf %concatenate3A, %sub3A_1605 : vector<512x20xf32>
    %exp3A = math.exp %sub3A_1606 : vector<512x20xf32>
    %reduce_sum3A_1607 = arith.constant dense<0.000000e+00> : vector<512xf32>
    %reduce_sum3A_1608 = vector.multi_reduction <add>, %exp3A, %reduce_sum3A_1607 [1] : vector<512x20xf32> to vector<512xf32>
    %broadcast_in_dim3A_1609 = vector.shape_cast %reduce_sum3A_1608 : vector<512xf32> to vector<512x1xf32>
    %div3A_1610 = vector.broadcast %broadcast_in_dim3A_1609 : vector<512x1xf32> to vector<512x20xf32>
    %div3A_1611 = arith.divf %exp3A, %div3A_1610 : vector<512x20xf32>
    %swap3A = arith.constant 0 : index
    %swap3A_1612 = arith.constant 0 : index
    %swap3A_1613 = vector.load %arg3[%swap3A, %swap3A_1612] : memref<512x20xf32, #tpu.memory_space<vmem>>, vector<512x20xf32>
    tpu.vector_store %arg3[%swap3A, %swap3A_1612], %div3A_1611 {strides = array<i32>} : memref<512x20xf32, #tpu.memory_space<vmem>>, vector<512x20xf32>,
    %concatenate3A_1614 = tpu.concatenate %add3A_65, %add3A_146, %add3A_227, %add3A_308, %add3A_389, %add3A_470, %add3A_551, %add3A_632, %add3A_713, %add3A_794, %add3A_875, %add3A_956, %add3A_1037, %add3A_1118, %add3A_1199, %add3A_1280, %add3A_1361, %add3A_1442, %add3A_1523, %add3A_1604 in 1 : vector<512x1xi32>, vector<512x1xi32>, vector<512x1xi32>, vector<512x1xi32>, vector<512x1xi32>, vector<512x1xi32>, vector<512x1xi32>, vector<512x1xi32>, vector<512x1xi32>, vector<512x1xi32>, vector<512x1xi32>, vector<512x1xi32>, vector<512x1xi32>, vector<512x1xi32>, vector<512x1xi32>, vector<512x1xi32>, vector<512x1xi32>, vector<512x1xi32>, vector<512x1xi32>, vector<512x1xi32> -> vector<512x20xi32>
    %swap3A_1615 = arith.constant 0 : index
    %swap3A_1616 = arith.constant 0 : index
    %swap3A_1617 = vector.load %arg4[%swap3A_1615, %swap3A_1616] : memref<512x20xi32, #tpu.memory_space<vmem>>, vector<512x20xi32>
    tpu.vector_store %arg4[%swap3A_1615, %swap3A_1616], %concatenate3A_1614 {strides = array<i32>} : memref<512x20xi32, #tpu.memory_space<vmem>>, vector<512x20xi32>,
    return
  }
  func.func @transform_0(%arg0: i32) -> (i32, i32) {
    %c0_i32 = arith.constant 0 : i32
    %c0_i32_0 = arith.constant 0 : i32
    return %arg0, %c0_i32 : i32, i32
  }
  func.func @transform_1(%arg0: i32) -> (i32, i32) {
    %c0_i32 = arith.constant 0 : i32
    %c0_i32_0 = arith.constant 0 : i32
    return %arg0, %c0_i32 : i32, i32
  }
  func.func @transform_2(%arg0: i32) -> (i32, i32) {
    %c0_i32 = arith.constant 0 : i32
    %c0_i32_0 = arith.constant 0 : i32
    return %arg0, %c0_i32 : i32, i32
  }
  func.func @transform_3(%arg0: i32) -> (i32, i32) {
    %c0_i32 = arith.constant 0 : i32
    %c0_i32_0 = arith.constant 0 : i32
    return %arg0, %c0_i32 : i32, i32
  }
}

</mosaic_0001>

<sc_bundles>
// kernel: kernel.10.cloned.1.call-start
scs
__scs_entry_jumppad:
0x0: {  	(pc) =	sbr.rel $0x88, $3  }
0x1: {  	(tag) =	ssettag $0x0;
	lr =	simm.s32 $0x1  }
0x2: {  	[smem:$0x3F9E] =	sst lr;
	_ =	strace $0xD0000000  }
0x3: {  	_ = 	snop  }
0x4: {  	_ = 	snop  }
0x5: {  	_ = 	snop  }
0x6: {  	_ = 	snop  }
0x7: {  	_ = 	snop  }
__scs_overlays_trampoline_lowered:
0x8: {  	[smem:$0x3FAD] =	sst s0  }
0x9: {  	[smem:$0x3FAE] =	sst s1  }
0xa: {  	[smem:$0x3FAF] =	sst s2  }
0xb: {  	[smem:$0x3FB0] =	sst s3  }
0xc: {  	[smem:$0x3FB1] =	sst s4  }
0xd: {  	[smem:$0x3FB2] =	sst s5  }
0xe: {  	[smem:$0x3FB3] =	sst s6  }
0xf: {  	[smem:$0x3FB4] =	sst s7  }
0x10: {  	[smem:$0x3FB5] =	sst s8  }
0x11: {  	[smem:$0x3FB6] =	sst s9;
	s0 =	simm.s32 @!p0 $0x0  }
0x12: {  	s1 =	sld [smem:$0x3F9C];
	s0 =	simm.s32 @p0 $0x1  }
0x13: {  	[smem:$0x3FB7] =	sst s0;
	s0 =	simm.s32 @!p1 $0x0  }
0x14: {  	s2 =	sld [smem:$0x3F9B];
	s0 =	simm.s32 @p1 $0x1  }
0x15: {  	[smem:$0x3FB8] =	sst s0;
	s0 =	simm.s32 @!p2 $0x0  }
0x16: {  	s3 =	sld [smem:$0x3FDB];
	s0 =	simm.s32 @p2 $0x1  }
0x17: {  	s4 =	simm.s32 $0x1BF5;
	[smem:$0x3FBA] =	sst s0  }
0x18: {  	s0 =	sld [smem:$0x3F9D];
	_ =	swait.ge [sflag:s4], $0x0  }
0x19: {  	s7 =	sld [smem:$0x3F9E]  }
0x1a: {  	s8 =	sadd.s32 $0xFFFFE003, lr  }
0x1b: {  	s9 =	sadd.s32 $0xFFFFFEF7, lr;
	s5 =	simm.s32 $0xFFFFFFFF;
	p2 =	slt.u32 s8, $0xFFFFF086  }
0x1c: {  	p1 =	slt.u32 s9, $0xF7A;
	s5 =	simm.s32 @!p2 $0x0  }
0x1d: {  	s5 =	simm.s32 @p1 $0x1;
	p0 =	seq.s32 s7, s2  }
0x1e: {  	s7 =	smul.u32 @!p0 $0xF7A, s2;
	p2 =	seq.s32 @!p0 s5, $0x0  }
0x1f: {  	s9 =	smul.u32 $0xF7A, s1;
	s8 =	simm.s32 @!p0 $0x1BF5;
	p2 =	por !p2, p0  }
0x20: {  	[sflag:s8] =	ssyncset.s32 @!p0 $0xFFFFF086;
	s6 =	sadd.s32 @!p0 s3, s7;
	s7 =	simm.s32 @!p0 $0x108  }
0x21: {  	s3 =	sadd.s32 s3, s9;
	s6 =	sadd.s32 @!p0 $0x88, s6;
	s7 =	simm.s32 @p2 $0x1082  }
0x22: {  	[simem:s7], [sflag:s8] =	dma.local @!p0 [hbm:s6], $0xF7A  }
0x23: {  	s9 =	sor.u32 $0xD0000000, s2;
	s6 =	simm.s32 $0x108;
	_ =	swait.ge @!p0 [sflag:s8], $0x0  }
0x24: {  	s3 =	sadd.s32 $0x88, s3;
	s6 =	simm.s32 @!p1 $0x1082;
	[sflag:s4] =	ssyncset.s32 $0xFFFFF086  }
0x25: {  	[simem:s6], [sflag:s4] =	dma.local [hbm:s3], $0xF7A  }
0x26: {  	[smem:$0x3F9E] =	sst s1;
	(tag) =	ssettag s2;
	_ =	strace s9  }
0x27: {  	s1 =	sld [smem:$0x3FAE]  }
0x28: {  	s2 =	sld [smem:$0x3FAF]  }
0x29: {  	s4 =	sld [smem:$0x3FB1]  }
0x2a: {  	p0 =	seq.s32 s5, $0x0;
	s5 =	sld [smem:$0x3FB2]  }
0x2b: {  	s6 =	sld [smem:$0x3FB3]  }
0x2c: {  	s7 =	sld [smem:$0x3FB4]  }
0x2d: {  	s3 =	simm.s32 $0x108;
	s8 =	sld [smem:$0x3FB5]  }
0x2e: {  	s3 =	simm.s32 @!p0 $0x1082;
	s9 =	sld [smem:$0x3FB6]  }
0x2f: {  	lr =	sadd.s32 s0, s3;
	s0 =	sld [smem:$0x3FAD]  }
0x30: {  	s3 =	sld [smem:$0x3FB0]  }
0x31: {  	[smem:$0x3FB9] =	sst s10  }
0x32: {  	s10 =	sld [smem:$0x3FB7];
	_ =	sdelay $0x3  }
0x33: {  	p0 =	seq.s32 s10, $0x1;
	s10 =	sld [smem:$0x3FB9];
	_ =	sdelay $0x3  }
0x34: {  	[smem:$0x3FB9] =	sst s10  }
0x35: {  	s10 =	sld [smem:$0x3FB8];
	_ =	sdelay $0x3  }
0x36: {  	p1 =	seq.s32 s10, $0x1;
	s10 =	sld [smem:$0x3FB9];
	_ =	sdelay $0x3  }
0x37: {  	[smem:$0x3FB9] =	sst s10  }
0x38: {  	s10 =	sld [smem:$0x3FBA]  }
0x39: {  	_ = 	snop;
	(pc) =	sbr.ind lr, $3  }
0x3a: {  	_ = 	snop  }
0x3b: {  	_ = 	snop  }
0x3c: {  	p2 =	seq.s32 s10, $0x1;
	s10 =	sld [smem:$0x3FB9]  }
0x3d: {  	_ =	shalt  }
0x3e: {  	_ =	shalt  }
0x3f: {  	_ =	shalt  }
0x40: {  	_ =	shalt  }
0x41: {  	_ =	shalt  }
0x42: {  	_ =	shalt  }
0x43: {  	_ =	shalt  }
0x44: {  	_ =	shalt  }
0x45: {  	_ =	shalt  }
0x46: {  	_ =	shalt  }
0x47: {  	_ =	shalt  }
0x48: {  	_ =	shalt  }
0x49: {  	_ =	shalt  }
0x4a: {  	_ =	shalt  }
0x4b: {  	_ =	shalt  }
0x4c: {  	_ =	shalt  }
0x4d: {  	_ =	shalt  }
0x4e: {  	_ =	shalt  }
0x4f: {  	_ =	shalt  }
0x50: {  	_ =	shalt  }
0x51: {  	_ =	shalt  }
0x52: {  	_ =	shalt  }
0x53: {  	_ =	shalt  }
0x54: {  	_ =	shalt  }
0x55: {  	_ =	shalt  }
0x56: {  	_ =	shalt  }
0x57: {  	_ =	shalt  }
0x58: {  	_ =	shalt  }
0x59: {  	_ =	shalt  }
0x5a: {  	_ =	shalt  }
0x5b: {  	_ =	shalt  }
0x5c: {  	_ =	shalt  }
0x5d: {  	_ =	shalt  }
0x5e: {  	_ =	shalt  }
0x5f: {  	_ =	shalt  }
0x60: {  	_ =	shalt  }
0x61: {  	_ =	shalt  }
0x62: {  	_ =	shalt  }
0x63: {  	_ =	shalt  }
0x64: {  	_ =	shalt  }
0x65: {  	_ =	shalt  }
0x66: {  	_ =	shalt  }
0x67: {  	_ =	shalt  }
0x68: {  	_ =	shalt  }
0x69: {  	_ =	shalt  }
0x6a: {  	_ =	shalt  }
0x6b: {  	_ =	shalt  }
0x6c: {  	_ =	shalt  }
0x6d: {  	_ =	shalt  }
0x6e: {  	_ =	shalt  }
0x6f: {  	_ =	shalt  }
0x70: {  	_ =	shalt  }
0x71: {  	_ =	shalt  }
0x72: {  	_ =	shalt  }
0x73: {  	_ =	shalt  }
0x74: {  	_ =	shalt  }
0x75: {  	_ =	shalt  }
0x76: {  	_ =	shalt  }
0x77: {  	_ =	shalt  }
0x78: {  	_ =	shalt  }
0x79: {  	_ =	shalt  }
0x7a: {  	_ =	shalt  }
0x7b: {  	_ =	shalt  }
0x7c: {  	_ =	shalt  }
0x7d: {  	_ =	shalt  }
0x7e: {  	_ =	shalt  }
0x7f: {  	_ =	shalt  }
0x80: {  	_ =	shalt  }
0x81: {  	_ =	shalt  }
0x82: {  	_ =	shalt  }
0x83: {  	_ =	shalt  }
0x84: {  	_ =	shalt  }
0x85: {  	_ =	shalt  }
0x86: {  	_ =	shalt  }
0x87: {  	_ =	shalt  }
.Lfunc_end0:
.L_simem_size_0:
called_computation.1_lowered:
.L_overlay_start_0:
0x88: {  	s2 =	sld [smem:$0x3FD9]  }
0x89: {  	s3 =	sld [smem:$0x3FFE];
	_ =	sdelay $0x1  }
0x8a: {  	s1 =	srdreg.scid  }
0x8b: {  	s0 =	sand.u32 $0x1, s1  }
0x8c: {  	s14 =	sshll.u32 s0, $0xA;
	s2 =	sadd.s32 s3, s2  }
0x8d: {  	s2 =	sadd.s32 s2, s14  }
0x8e: {  	[smem:$0x3FC5] =	sst s2  }
0x8f: {  	_ = 	snop  }
0x90: {  	s2 =	sld [smem:$0x3FD0];
	_ =	sdelay $0x2  }
0x91: {  	s15 =	simm.s32 $0xA;
	s4 =	simm.s32 $0x10  }
0x92: {  	[smem:s4], [sflag:s15] =	dma.local [hbm:s2], $0x1  }
0x93: {  	_ =	swait.eq [sflag:s15], $0x1  }
0x94: {  	[sflag:s15] =	ssyncset.done $0x0  }
0x95: {  	[sflag:s15] =	ssyncadd.s32 $0xFFFFFFFF  }
0x96: {  	s16 =	sld [smem:$0x11];
	(tm) =	ssettm $0x1  }
0x97: {  	s17 =	sld [smem:$0x3FFB];
	_ =	sdelay $0x3  }
0x98: {  	_ =	strace s17  }
0x99: {  	s3 =	sld [smem:$0x3FFC];
	_ =	sdelay $0x3  }
0x9a: {  	_ =	strace s3  }
0x9b: {  	s3 =	sld [smem:$0x3FFD];
	_ =	sdelay $0x3  }
0x9c: {  	_ =	strace s3  }
0x9d: {  	_ =	strace $0x8FFFFFFF  }
0x9e: {  	s18 =	sld [smem:$0x3FDB];
	_ =	sdelay $0x1  }
0x9f: {  	s19 =	simm.s32 $_scs_section_size  }
0xa0: {  	s5 =	simm.s32 $_size__tile_overlayer_lowered;
	s6 =	simm.s32 $_tile_overlayer_lowered  }
0xa1: {  	s22 =	simm.s32 $0x1BFF;
	s21 =	sshll.u32 s6, $0x1;
	s3 =	sadd.s32 s19, s18  }
0xa2: {  	s7 =	simm.s32 $0x0;
	s20 =	sshll.u32 s5, $0x1;
	s5 =	sadd.s32 s21, s3  }
0xa3: {  	[timem:s7], [sflag:s22] =	dma.local [hbm:s5], s20  }
0xa4: {  	_ =	swait.ge [sflag:s22], s20  }
0xa5: {  	s4 =	ssub.s32 $0x0, s20;
	[sflag:s22] =	ssyncset.done $0x0  }
0xa6: {  	[sflag:s22] =	ssyncadd.s32 s4;
	_ =	sdelay $0x1  }
0xa7: {  	s23 =	simm.s32 $0x1B8B  }
0xa8: {  	_ =	swait.ge [sflag:s23], $0x1  }
0xa9: {  	[sflag:s23] =	ssyncset.done $0x0  }
0xaa: {  	s25 =	simm.s32 $0x1B8E;
	s24 =	sld [smem:$0x3FFE];
	[sflag:s23] =	ssyncadd.s32 $0xFFFFFFFF  }
0xab: {  	s26 =	simm.s32 $execute0_lowered;
	[smem:$0x3FD2] =	sst s25  }
0xac: {  	s5 =	sshll.u32 s26, $0x1;
	_ =	strace $0x80000049;
	[dreg:$0x1] =	wrdreg $0xFFFFFFFF  }
0xad: {  	s28 =	simm.s32 $_size_execute0_lowered;
	s3 =	sadd.s32 s3, s5;
	[dreg:$0x0] =	wrdreg $0x0  }
0xae: {  	s5 =	sshll.u32 s28, $0x1;
	[dreg:$0x2] =	wrdreg s3  }
0xaf: {  	[dreg:$0x3] =	wrdreg s5  }
0xb0: {  	[dreg:$0x4] =	wrdreg $0xC0  }
0xb1: {  	_ =	task [dreg:s7], $0x5FFFF  }
0xb2: {  	[dreg:$0x1] =	wrdreg $0xFFFFFFFF  }
0xb3: {  	[dreg:$0x0] =	wrdreg $0x60  }
0xb4: {  	[dreg:$0x2] =	wrdreg s24  }
0xb5: {  	[dreg:$0x3] =	wrdreg s16  }
0xb6: {  	[dreg:$0x4] =	wrdreg $0x9  }
0xb7: {  	_ =	task.clear_ibuf [dreg:s7], $0x5FFFF;
	_ =	strace $0x90000049  }
0xb8: {  	s29 =	simm.s32 $0x9;
	_ =	strace $0x8000004B  }
0xb9: {  	_ =	swait.ge [sflag:s29], $0x1  }
0xba: {  	[sflag:s29] =	ssyncadd.s32 $0xFFFFFFFF  }
0xbb: {  	_ =	strace $0x9000004B  }
0xbc: {  	_ =	sfence  }
0xbd: {  	s30 =	sld [smem:$0x0];
	_ =	sdelay $0x2  }
0xbe: {  	s31 =	sshll.u32 s1, $0xD;
	s1 =	sshrl.u32 s1, $0x2  }
0xbf: {  	s3 =	sand.u32 $0x4000, s31;
	s1 =	sadd.s32 s1, s30  }
0xc0: {  	s0 =	sor.u32 s3, s0;
	s1 =	sshll.u32 s1, $0x11  }
0xc1: {  	s0 =	sor.u32 s1, s0  }
0xc2: {  	s0 =	sadd.s32 $0x8F2B, s0  }
0xc3: {  	[sflag:s0] =	ssyncadd.remote.s32 $0x1  }
0xc4: {  	_ =	sfence.sel $0xFFFF  }
0xc5: {  	[dreg:$0x0] =	wrdreg $0xFFFFFFFF;
	(pc) =	sbr.abs _section_cstart, $3  }
0xc6: {  	[dreg:$0x1] =	wrdreg $0xFFFFFFFF  }
0xc7: {  	_ =	task.clear_ibuf [dreg:s7], $0x2FFFF;
	_ =	strace $0x9FFFFFFF  }
0xc8: {  	(tm) =	ssettm $0x7FFFFFFF  }
0xc9: {  	_ =	shalt  }
tec
execute0_lowered:
.L_overlay_start_1:
0x0: {  	(tag) =	ssettag $0x1  }
0x1: {  	s1 =	srdreg.scid;
	s0 =	stileid.u32  }
0x2: {  	s15 =	sand.u32 $0x1, s1;
	s30 =	sshll.u32 s0, $0x1  }
0x3: {  	s14 =	rddreg [dreg:$0x0];
	s8 =	sor.u32 s15, s30  }
0x4: {  	s13 =	rddreg [dreg:$0x1];
	s16 =	smul.u32 $0xA00, s8  }
0x5: {  	s2 =	simm.s32 $0x0;
	s1 =	rddreg [dreg:$0x2]  }
0x6: {  	[smem:$0x7FF] =	sst s2;
	s3 =	sshrl.u32 s16, $0x3  }
0x7: {  	_ =	strace $0x8000004A;
	s4 =	sadd.s32 s13, s3;
	s3 =	simm.s32 $0x2  }
0x8: {  	[tilespmem:s2], [sflag:$0x2] =	stream.linear.gather [hbm4b:s4+s2], $0x280, $0x38;
	[tilespmem:$0x14280] =	vst v63  }
0x9: {  	_ =	swait.ge [sflag:s3], $0x280  }
0xa: {  	s6 =	simm.s32 $0x280;
	[sflag:s3] =	ssyncset.done $0x0  }
0xb: {  	s7 =	simm.s32 $0x1;
	s5 =	sadd.s32 $0x2C6A00, s14;
	[sflag:s3] =	ssyncadd.s32 $0xFFFFFD80  }
0xc: {  	[tilespmem:s6], [sflag:$0x1] =	stream.indirect.gather [hbm4b:s5+s6], $0x80, s2, s6, $0xb8;
	[tilespmem:$0x14280] =	vst v63  }
0xd: {  	s8 =	smul.u32 $0xA000, s8;
	_ =	swait.ge [sflag:s7], $0x14000  }
0xe: {  	[sflag:s7] =	ssyncset.done $0x0  }
0xf: {  	s8 =	sadd.s32 s14, s8;
	[sflag:s7] =	ssyncadd.s32 $0xFFFEC000  }
0x10: {  	[hbm4b:s8+s2] =	stream.linear.scatter [tilespmem:s6], [sflag:$0x2], $0x14000, $0x38;
	[tilespmem:$0x14280] =	vst v63  }
0x11: {  	s10 =	sadd.s32 $0x280, s16;
	_ =	swait.ge [sflag:s3], $0x14000  }
0x12: {  	s9 =	sshrl.u32 s10, $0x3;
	[sflag:s3] =	ssyncset.done $0x0  }
0x13: {  	s9 =	sadd.s32 s13, s9;
	[sflag:s3] =	ssyncadd.s32 $0xFFFEC000  }
0x14: {  	[tilespmem:s2], [sflag:$0x2] =	stream.linear.gather [hbm4b:s9+s2], $0x280, $0x38;
	[tilespmem:$0x14280] =	vst v63  }
0x15: {  	_ =	swait.ge [sflag:s3], $0x280  }
0x16: {  	[sflag:s3] =	ssyncset.done $0x0  }
0x17: {  	[sflag:s3] =	ssyncadd.s32 $0xFFFFFD80  }
0x18: {  	[tilespmem:s6], [sflag:$0x1] =	stream.indirect.gather [hbm4b:s5+s6], $0x80, s2, s6, $0xb8;
	[tilespmem:$0x14280] =	vst v63  }
0x19: {  	_ =	swait.ge [sflag:s7], $0x14000  }
0x1a: {  	s10 =	sshll.u32 s10, $0x4;
	[sflag:s7] =	ssyncset.done $0x0  }
0x1b: {  	s10 =	sadd.s32 s14, s10;
	[sflag:s7] =	ssyncadd.s32 $0xFFFEC000  }
0x1c: {  	[hbm4b:s10+s2] =	stream.linear.scatter [tilespmem:s6], [sflag:$0x2], $0x14000, $0x38;
	[tilespmem:$0x14280] =	vst v63  }
0x1d: {  	s12 =	sadd.s32 $0x500, s16;
	_ =	swait.ge [sflag:s3], $0x14000  }
0x1e: {  	s11 =	sshrl.u32 s12, $0x3;
	[sflag:s3] =	ssyncset.done $0x0  }
0x1f: {  	s11 =	sadd.s32 s13, s11;
	[sflag:s3] =	ssyncadd.s32 $0xFFFEC000  }
0x20: {  	[tilespmem:s2], [sflag:$0x2] =	stream.linear.gather [hbm4b:s11+s2], $0x280, $0x38;
	[tilespmem:$0x14280] =	vst v63  }
0x21: {  	_ =	swait.ge [sflag:s3], $0x280  }
0x22: {  	[sflag:s3] =	ssyncset.done $0x0  }
0x23: {  	[sflag:s3] =	ssyncadd.s32 $0xFFFFFD80  }
0x24: {  	[tilespmem:s6], [sflag:$0x1] =	stream.indirect.gather [hbm4b:s5+s6], $0x80, s2, s6, $0xb8;
	[tilespmem:$0x14280] =	vst v63  }
0x25: {  	_ =	swait.ge [sflag:s7], $0x14000  }
0x26: {  	s12 =	sshll.u32 s12, $0x4;
	[sflag:s7] =	ssyncset.done $0x0  }
0x27: {  	s12 =	sadd.s32 s14, s12;
	[sflag:s7] =	ssyncadd.s32 $0xFFFEC000  }
0x28: {  	[hbm4b:s12+s2] =	stream.linear.scatter [tilespmem:s6], [sflag:$0x2], $0x14000, $0x38;
	[tilespmem:$0x14280] =	vst v63  }
0x29: {  	s16 =	sadd.s32 $0x780, s16;
	_ =	swait.ge [sflag:s3], $0x14000  }
0x2a: {  	s17 =	sshrl.u32 s16, $0x3;
	[sflag:s3] =	ssyncset.done $0x0  }
0x2b: {  	s15 =	ssub.s32 $0x2, s15;
	s13 =	sadd.s32 s13, s17;
	[sflag:s3] =	ssyncadd.s32 $0xFFFEC000  }
0x2c: {  	[tilespmem:s2], [sflag:$0x2] =	stream.linear.gather [hbm4b:s13+s2], $0x280, $0x38;
	[tilespmem:$0x14280] =	vst v63  }
0x2d: {  	s31 =	sshrl.u32 s15, $0x1;
	_ =	swait.ge [sflag:s3], $0x280  }
0x2e: {  	s15 =	ssub.s32 s15, s31;
	[sflag:s3] =	ssyncset.done $0x0  }
0x2f: {  	s15 =	smax.u32 s15, $0x1;
	[sflag:s3] =	ssyncadd.s32 $0xFFFFFD80  }
0x30: {  	[tilespmem:s6], [sflag:$0x1] =	stream.indirect.gather [hbm4b:s5+s6], $0x80, s2, s6, $0xb8;
	[tilespmem:$0x14280] =	vst v63  }
0x31: {  	p0 =	sne.s32 s15, $0x1;
	_ =	swait.ge [sflag:s7], $0x14000  }
.Ltmp0:
0x32: {  	s16 =	sshll.u32 s16, $0x4;
	[sflag:s7] =	ssyncset.done $0x0;
	(pc) =	sbr.rel @!p0 .LBB2_2-.Ltmp0, $4  }
0x33: {  	s14 =	sadd.s32 s14, s16;
	[sflag:s7] =	ssyncadd.s32 $0xFFFEC000  }
0x34: {  	[hbm4b:s14+s2] =	stream.linear.scatter [tilespmem:s6], [sflag:$0x2], $0x14000, $0x38;
	[tilespmem:$0x14280] =	vst v63  }
0x35: {  	_ =	swait.ge [sflag:s3], $0x14000  }
0x36: {  	s15 =	sadd.s32 $0xFFFFFFFF, s15;
	[sflag:s3] =	ssyncset.done $0x0  }
.LBB2_1:
0x37: {  	p0 =	sne.s32 s15, $0x1;
	s15 =	sadd.s32 $0xFFFFFFFF, s15;
	[sflag:s3] =	ssyncadd.s32 $0xFFFEC000  }
0x38: {  	[tilespmem:s2], [sflag:$0x2] =	stream.linear.gather [hbm4b:s4+s2], $0x280, $0x38;
	[tilespmem:$0x14280] =	vst v63  }
0x39: {  	_ =	swait.ge [sflag:s3], $0x280  }
0x3a: {  	[sflag:s3] =	ssyncset.done $0x0  }
0x3b: {  	[sflag:s3] =	ssyncadd.s32 $0xFFFFFD80  }
0x3c: {  	[tilespmem:s6], [sflag:$0x1] =	stream.indirect.gather [hbm4b:s5+s6], $0x80, s2, s6, $0xb8;
	[tilespmem:$0x14280] =	vst v63  }
0x3d: {  	_ =	swait.ge [sflag:s7], $0x14000  }
0x3e: {  	[sflag:s7] =	ssyncset.done $0x0  }
0x3f: {  	[sflag:s7] =	ssyncadd.s32 $0xFFFEC000  }
0x40: {  	[hbm4b:s8+s2] =	stream.linear.scatter [tilespmem:s6], [sflag:$0x2], $0x14000, $0x38;
	[tilespmem:$0x14280] =	vst v63  }
0x41: {  	_ =	swait.ge [sflag:s3], $0x14000  }
0x42: {  	[sflag:s3] =	ssyncset.done $0x0  }
0x43: {  	[sflag:s3] =	ssyncadd.s32 $0xFFFEC000  }
0x44: {  	[tilespmem:s2], [sflag:$0x2] =	stream.linear.gather [hbm4b:s9+s2], $0x280, $0x38;
	[tilespmem:$0x14280] =	vst v63  }
0x45: {  	_ =	swait.ge [sflag:s3], $0x280  }
0x46: {  	[sflag:s3] =	ssyncset.done $0x0  }
0x47: {  	[sflag:s3] =	ssyncadd.s32 $0xFFFFFD80  }
0x48: {  	[tilespmem:s6], [sflag:$0x1] =	stream.indirect.gather [hbm4b:s5+s6], $0x80, s2, s6, $0xb8;
	[tilespmem:$0x14280] =	vst v63  }
0x49: {  	_ =	swait.ge [sflag:s7], $0x14000  }
0x4a: {  	[sflag:s7] =	ssyncset.done $0x0  }
0x4b: {  	[sflag:s7] =	ssyncadd.s32 $0xFFFEC000  }
0x4c: {  	[hbm4b:s10+s2] =	stream.linear.scatter [tilespmem:s6], [sflag:$0x2], $0x14000, $0x38;
	[tilespmem:$0x14280] =	vst v63  }
0x4d: {  	_ =	swait.ge [sflag:s3], $0x14000  }
0x4e: {  	[sflag:s3] =	ssyncset.done $0x0  }
0x4f: {  	[sflag:s3] =	ssyncadd.s32 $0xFFFEC000  }
0x50: {  	[tilespmem:s2], [sflag:$0x2] =	stream.linear.gather [hbm4b:s11+s2], $0x280, $0x38;
	[tilespmem:$0x14280] =	vst v63  }
0x51: {  	_ =	swait.ge [sflag:s3], $0x280  }
0x52: {  	[sflag:s3] =	ssyncset.done $0x0  }
0x53: {  	[sflag:s3] =	ssyncadd.s32 $0xFFFFFD80  }
0x54: {  	[tilespmem:s6], [sflag:$0x1] =	stream.indirect.gather [hbm4b:s5+s6], $0x80, s2, s6, $0xb8;
	[tilespmem:$0x14280] =	vst v63  }
0x55: {  	_ =	swait.ge [sflag:s7], $0x14000  }
0x56: {  	[sflag:s7] =	ssyncset.done $0x0  }
0x57: {  	[sflag:s7] =	ssyncadd.s32 $0xFFFEC000  }
0x58: {  	[hbm4b:s12+s2] =	stream.linear.scatter [tilespmem:s6], [sflag:$0x2], $0x14000, $0x38;
	[tilespmem:$0x14280] =	vst v63  }
0x59: {  	_ =	swait.ge [sflag:s3], $0x14000  }
0x5a: {  	[sflag:s3] =	ssyncset.done $0x0  }
0x5b: {  	[sflag:s3] =	ssyncadd.s32 $0xFFFEC000  }
0x5c: {  	[tilespmem:s2], [sflag:$0x2] =	stream.linear.gather [hbm4b:s13+s2], $0x280, $0x38;
	[tilespmem:$0x14280] =	vst v63  }
0x5d: {  	_ =	swait.ge [sflag:s3], $0x280  }
0x5e: {  	[sflag:s3] =	ssyncset.done $0x0  }
0x5f: {  	[sflag:s3] =	ssyncadd.s32 $0xFFFFFD80  }
0x60: {  	[tilespmem:s6], [sflag:$0x1] =	stream.indirect.gather [hbm4b:s5+s6], $0x80, s2, s6, $0xb8;
	[tilespmem:$0x14280] =	vst v63  }
0x61: {  	_ =	swait.ge [sflag:s7], $0x14000  }
.Ltmp1:
0x62: {  	[sflag:s7] =	ssyncset.done $0x0;
	(pc) =	sbr.rel @p0 .LBB2_1-.Ltmp1, $4  }
0x63: {  	[sflag:s7] =	ssyncadd.s32 $0xFFFEC000  }
0x64: {  	[hbm4b:s14+s2] =	stream.linear.scatter [tilespmem:s6], [sflag:$0x2], $0x14000, $0x38;
	[tilespmem:$0x14280] =	vst v63  }
0x65: {  	_ =	swait.ge [sflag:s3], $0x14000  }
0x66: {  	[sflag:s3] =	ssyncset.done $0x0  }
.LBB2_2:
0x67: {  	[sflag:s3] =	ssyncadd.s32 $0xFFFEC000  }
0x68: {  	_ =	sfence.sel $0x180000  }
0x69: {  	[bflag:$0x0] =	sbarrier.arrive $0xFFFF  }
0x6a: {  	p0 =	sne.s32 s0, $0x0;
	_ =	strace $0x9000004A  }
0x6b: {  	s0 =	sadd.s32 @!p0 $0x100000, s1;
	[bflag:$0x2] =	sbarrier.arrive $0xFFFF  }
0x6c: {  	[sflag:s0] =	ssyncadd.tile.s32 @!p0 $0x1;
	_ =	shalt  }
.Lfunc_end2:
_tile_overlayer_lowered:
.L_overlay_start_2:
0x6d: {  	(tag) =	ssettag $0x2  }
0x6e: {  	s0 =	rddreg [dreg:$0x0];
	s2 =	stileid.u32  }
0x6f: {  	s1 =	rddreg [dreg:$0x1];
	p0 =	sne.s32 s2, $0x0  }
0x70: {  	s3 =	rddreg [dreg:$0x2];
	[bflag:$0x3] =	sbarrier.arrive $0xFFFF;
	s2 =	simm.s32 @!p0 $0x1C02  }
0x71: {  	[timem:s3], [sflag:s2] =	dma.local @!p0 [hbm:s0], s1  }
0x72: {  	s0 =	simm.s32 @!p0 $0x2  }
0x73: {  	_ =	swait.ge @!p0 [sflag:s0], s1  }
0x74: {  	s1 =	ssub.s32 @!p0 $0x0, s1;
	[sflag:s0] =	ssyncset.done @!p0 $0x0  }
0x75: {  	[sflag:s0] =	ssyncadd.s32 @!p0 s1  }
0x76: {  	[bflag:$0x3] =	sbarrier.arrive $0xFFFF  }
0x77: {  	_ =	shalt  }

// kernel: kernel.7.cloned.1.call-start
scs
__scs_entry_jumppad:
0x0: {  	(pc) =	sbr.rel $0x88, $3  }
0x1: {  	(tag) =	ssettag $0x0;
	lr =	simm.s32 $0x1  }
0x2: {  	[smem:$0x3F9E] =	sst lr;
	_ =	strace $0xD0000000  }
0x3: {  	_ = 	snop  }
0x4: {  	_ = 	snop  }
0x5: {  	_ = 	snop  }
0x6: {  	_ = 	snop  }
0x7: {  	_ = 	snop  }
__scs_overlays_trampoline_lowered:
0x8: {  	[smem:$0x3FAD] =	sst s0  }
0x9: {  	[smem:$0x3FAE] =	sst s1  }
0xa: {  	[smem:$0x3FAF] =	sst s2  }
0xb: {  	[smem:$0x3FB0] =	sst s3  }
0xc: {  	[smem:$0x3FB1] =	sst s4  }
0xd: {  	[smem:$0x3FB2] =	sst s5  }
0xe: {  	[smem:$0x3FB3] =	sst s6  }
0xf: {  	[smem:$0x3FB4] =	sst s7  }
0x10: {  	[smem:$0x3FB5] =	sst s8  }
0x11: {  	[smem:$0x3FB6] =	sst s9;
	s0 =	simm.s32 @!p0 $0x0  }
0x12: {  	s1 =	sld [smem:$0x3F9C];
	s0 =	simm.s32 @p0 $0x1  }
0x13: {  	[smem:$0x3FB7] =	sst s0;
	s0 =	simm.s32 @!p1 $0x0  }
0x14: {  	s2 =	sld [smem:$0x3F9B];
	s0 =	simm.s32 @p1 $0x1  }
0x15: {  	[smem:$0x3FB8] =	sst s0;
	s0 =	simm.s32 @!p2 $0x0  }
0x16: {  	s3 =	sld [smem:$0x3FDB];
	s0 =	simm.s32 @p2 $0x1  }
0x17: {  	s4 =	simm.s32 $0x1BF5;
	[smem:$0x3FBA] =	sst s0  }
0x18: {  	s0 =	sld [smem:$0x3F9D];
	_ =	swait.ge [sflag:s4], $0x0  }
0x19: {  	s7 =	sld [smem:$0x3F9E]  }
0x1a: {  	s8 =	sadd.s32 $0xFFFFE003, lr  }
0x1b: {  	s9 =	sadd.s32 $0xFFFFFEF7, lr;
	s5 =	simm.s32 $0xFFFFFFFF;
	p2 =	slt.u32 s8, $0xFFFFF086  }
0x1c: {  	p1 =	slt.u32 s9, $0xF7A;
	s5 =	simm.s32 @!p2 $0x0  }
0x1d: {  	s5 =	simm.s32 @p1 $0x1;
	p0 =	seq.s32 s7, s2  }
0x1e: {  	s7 =	smul.u32 @!p0 $0xF7A, s2;
	p2 =	seq.s32 @!p0 s5, $0x0  }
0x1f: {  	s9 =	smul.u32 $0xF7A, s1;
	s8 =	simm.s32 @!p0 $0x1BF5;
	p2 =	por !p2, p0  }
0x20: {  	[sflag:s8] =	ssyncset.s32 @!p0 $0xFFFFF086;
	s6 =	sadd.s32 @!p0 s3, s7;
	s7 =	simm.s32 @!p0 $0x108  }
0x21: {  	s3 =	sadd.s32 s3, s9;
	s6 =	sadd.s32 @!p0 $0x88, s6;
	s7 =	simm.s32 @p2 $0x1082  }
0x22: {  	[simem:s7], [sflag:s8] =	dma.local @!p0 [hbm:s6], $0xF7A  }
0x23: {  	s9 =	sor.u32 $0xD0000000, s2;
	s6 =	simm.s32 $0x108;
	_ =	swait.ge @!p0 [sflag:s8], $0x0  }
0x24: {  	s3 =	sadd.s32 $0x88, s3;
	s6 =	simm.s32 @!p1 $0x1082;
	[sflag:s4] =	ssyncset.s32 $0xFFFFF086  }
0x25: {  	[simem:s6], [sflag:s4] =	dma.local [hbm:s3], $0xF7A  }
0x26: {  	[smem:$0x3F9E] =	sst s1;
	(tag) =	ssettag s2;
	_ =	strace s9  }
0x27: {  	s1 =	sld [smem:$0x3FAE]  }
0x28: {  	s2 =	sld [smem:$0x3FAF]  }
0x29: {  	s4 =	sld [smem:$0x3FB1]  }
0x2a: {  	p0 =	seq.s32 s5, $0x0;
	s5 =	sld [smem:$0x3FB2]  }
0x2b: {  	s6 =	sld [smem:$0x3FB3]  }
0x2c: {  	s7 =	sld [smem:$0x3FB4]  }
0x2d: {  	s3 =	simm.s32 $0x108;
	s8 =	sld [smem:$0x3FB5]  }
0x2e: {  	s3 =	simm.s32 @!p0 $0x1082;
	s9 =	sld [smem:$0x3FB6]  }
0x2f: {  	lr =	sadd.s32 s0, s3;
	s0 =	sld [smem:$0x3FAD]  }
0x30: {  	s3 =	sld [smem:$0x3FB0]  }
0x31: {  	[smem:$0x3FB9] =	sst s10  }
0x32: {  	s10 =	sld [smem:$0x3FB7];
	_ =	sdelay $0x3  }
0x33: {  	p0 =	seq.s32 s10, $0x1;
	s10 =	sld [smem:$0x3FB9];
	_ =	sdelay $0x3  }
0x34: {  	[smem:$0x3FB9] =	sst s10  }
0x35: {  	s10 =	sld [smem:$0x3FB8];
	_ =	sdelay $0x3  }
0x36: {  	p1 =	seq.s32 s10, $0x1;
	s10 =	sld [smem:$0x3FB9];
	_ =	sdelay $0x3  }
0x37: {  	[smem:$0x3FB9] =	sst s10  }
0x38: {  	s10 =	sld [smem:$0x3FBA]  }
0x39: {  	_ = 	snop;
	(pc) =	sbr.ind lr, $3  }
0x3a: {  	_ = 	snop  }
0x3b: {  	_ = 	snop  }
0x3c: {  	p2 =	seq.s32 s10, $0x1;
	s10 =	sld [smem:$0x3FB9]  }
0x3d: {  	_ =	shalt  }
0x3e: {  	_ =	shalt  }
0x3f: {  	_ =	shalt  }
0x40: {  	_ =	shalt  }
0x41: {  	_ =	shalt  }
0x42: {  	_ =	shalt  }
0x43: {  	_ =	shalt  }
0x44: {  	_ =	shalt  }
0x45: {  	_ =	shalt  }
0x46: {  	_ =	shalt  }
0x47: {  	_ =	shalt  }
0x48: {  	_ =	shalt  }
0x49: {  	_ =	shalt  }
0x4a: {  	_ =	shalt  }
0x4b: {  	_ =	shalt  }
0x4c: {  	_ =	shalt  }
0x4d: {  	_ =	shalt  }
0x4e: {  	_ =	shalt  }
0x4f: {  	_ =	shalt  }
0x50: {  	_ =	shalt  }
0x51: {  	_ =	shalt  }
0x52: {  	_ =	shalt  }
0x53: {  	_ =	shalt  }
0x54: {  	_ =	shalt  }
0x55: {  	_ =	shalt  }
0x56: {  	_ =	shalt  }
0x57: {  	_ =	shalt  }
0x58: {  	_ =	shalt  }
0x59: {  	_ =	shalt  }
0x5a: {  	_ =	shalt  }
0x5b: {  	_ =	shalt  }
0x5c: {  	_ =	shalt  }
0x5d: {  	_ =	shalt  }
0x5e: {  	_ =	shalt  }
0x5f: {  	_ =	shalt  }
0x60: {  	_ =	shalt  }
0x61: {  	_ =	shalt  }
0x62: {  	_ =	shalt  }
0x63: {  	_ =	shalt  }
0x64: {  	_ =	shalt  }
0x65: {  	_ =	shalt  }
0x66: {  	_ =	shalt  }
0x67: {  	_ =	shalt  }
0x68: {  	_ =	shalt  }
0x69: {  	_ =	shalt  }
0x6a: {  	_ =	shalt  }
0x6b: {  	_ =	shalt  }
0x6c: {  	_ =	shalt  }
0x6d: {  	_ =	shalt  }
0x6e: {  	_ =	shalt  }
0x6f: {  	_ =	shalt  }
0x70: {  	_ =	shalt  }
0x71: {  	_ =	shalt  }
0x72: {  	_ =	shalt  }
0x73: {  	_ =	shalt  }
0x74: {  	_ =	shalt  }
0x75: {  	_ =	shalt  }
0x76: {  	_ =	shalt  }
0x77: {  	_ =	shalt  }
0x78: {  	_ =	shalt  }
0x79: {  	_ =	shalt  }
0x7a: {  	_ =	shalt  }
0x7b: {  	_ =	shalt  }
0x7c: {  	_ =	shalt  }
0x7d: {  	_ =	shalt  }
0x7e: {  	_ =	shalt  }
0x7f: {  	_ =	shalt  }
0x80: {  	_ =	shalt  }
0x81: {  	_ =	shalt  }
0x82: {  	_ =	shalt  }
0x83: {  	_ =	shalt  }
0x84: {  	_ =	shalt  }
0x85: {  	_ =	shalt  }
0x86: {  	_ =	shalt  }
0x87: {  	_ =	shalt  }
.Lfunc_end0:
.L_simem_size_0:
called_computation_lowered:
.L_overlay_start_0:
0x88: {  	s2 =	sld [smem:$0x3FD9]  }
0x89: {  	s3 =	sld [smem:$0x3FFE];
	_ =	sdelay $0x1  }
0x8a: {  	s1 =	srdreg.scid  }
0x8b: {  	s0 =	sand.u32 $0x1, s1  }
0x8c: {  	s14 =	sshll.u32 s0, $0xA;
	s2 =	sadd.s32 s3, s2  }
0x8d: {  	s2 =	sadd.s32 s2, s14  }
0x8e: {  	[smem:$0x3FC5] =	sst s2  }
0x8f: {  	_ = 	snop  }
0x90: {  	s2 =	sld [smem:$0x3FD0];
	_ =	sdelay $0x2  }
0x91: {  	s15 =	simm.s32 $0xA;
	s4 =	simm.s32 $0x10  }
0x92: {  	[smem:s4], [sflag:s15] =	dma.local [hbm:s2], $0x1  }
0x93: {  	_ =	swait.eq [sflag:s15], $0x1  }
0x94: {  	[sflag:s15] =	ssyncset.done $0x0  }
0x95: {  	[sflag:s15] =	ssyncadd.s32 $0xFFFFFFFF  }
0x96: {  	s16 =	sld [smem:$0x10];
	(tm) =	ssettm $0x1  }
0x97: {  	s17 =	sld [smem:$0x3FFB];
	_ =	sdelay $0x3  }
0x98: {  	_ =	strace s17  }
0x99: {  	s3 =	sld [smem:$0x3FFC];
	_ =	sdelay $0x3  }
0x9a: {  	_ =	strace s3  }
0x9b: {  	s3 =	sld [smem:$0x3FFD];
	_ =	sdelay $0x3  }
0x9c: {  	_ =	strace s3  }
0x9d: {  	_ =	strace $0x8FFFFFFF  }
0x9e: {  	s18 =	sld [smem:$0x3FDB];
	_ =	sdelay $0x1  }
0x9f: {  	s19 =	simm.s32 $_scs_section_size  }
0xa0: {  	s5 =	simm.s32 $_size__tile_overlayer_lowered;
	s6 =	simm.s32 $_tile_overlayer_lowered  }
0xa1: {  	s22 =	simm.s32 $0x1BFF;
	s21 =	sshll.u32 s6, $0x1;
	s3 =	sadd.s32 s19, s18  }
0xa2: {  	s7 =	simm.s32 $0x0;
	s20 =	sshll.u32 s5, $0x1;
	s5 =	sadd.s32 s21, s3  }
0xa3: {  	[timem:s7], [sflag:s22] =	dma.local [hbm:s5], s20  }
0xa4: {  	_ =	swait.ge [sflag:s22], s20  }
0xa5: {  	s4 =	ssub.s32 $0x0, s20;
	[sflag:s22] =	ssyncset.done $0x0  }
0xa6: {  	[sflag:s22] =	ssyncadd.s32 s4;
	_ =	sdelay $0x1  }
0xa7: {  	s23 =	simm.s32 $0x1B8B  }
0xa8: {  	_ =	swait.ge [sflag:s23], $0x1  }
0xa9: {  	[sflag:s23] =	ssyncset.done $0x0  }
0xaa: {  	s25 =	simm.s32 $0x1B8E;
	s24 =	sld [smem:$0x3FFE];
	[sflag:s23] =	ssyncadd.s32 $0xFFFFFFFF  }
0xab: {  	s26 =	simm.s32 $execute0_lowered;
	[smem:$0x3FD2] =	sst s25  }
0xac: {  	s5 =	sshll.u32 s26, $0x1;
	_ =	strace $0x80000046;
	[dreg:$0x1] =	wrdreg $0xFFFFFFFF  }
0xad: {  	s28 =	simm.s32 $_size_execute0_lowered;
	s3 =	sadd.s32 s3, s5;
	[dreg:$0x0] =	wrdreg $0x0  }
0xae: {  	s5 =	sshll.u32 s28, $0x1;
	[dreg:$0x2] =	wrdreg s3  }
0xaf: {  	[dreg:$0x3] =	wrdreg s5  }
0xb0: {  	[dreg:$0x4] =	wrdreg $0xC0  }
0xb1: {  	_ =	task [dreg:s7], $0x5FFFF  }
0xb2: {  	[dreg:$0x1] =	wrdreg $0xFFFFFFFF  }
0xb3: {  	[dreg:$0x0] =	wrdreg $0x60  }
0xb4: {  	[dreg:$0x2] =	wrdreg s24  }
0xb5: {  	[dreg:$0x3] =	wrdreg s16  }
0xb6: {  	[dreg:$0x4] =	wrdreg $0x9  }
0xb7: {  	_ =	task.clear_ibuf [dreg:s7], $0x5FFFF;
	_ =	strace $0x90000046  }
0xb8: {  	s29 =	simm.s32 $0x9;
	_ =	strace $0x80000048  }
0xb9: {  	_ =	swait.ge [sflag:s29], $0x1  }
0xba: {  	[sflag:s29] =	ssyncadd.s32 $0xFFFFFFFF  }
0xbb: {  	_ =	strace $0x90000048  }
0xbc: {  	_ =	sfence  }
0xbd: {  	s30 =	sld [smem:$0x0];
	_ =	sdelay $0x2  }
0xbe: {  	s31 =	sshll.u32 s1, $0xD;
	s1 =	sshrl.u32 s1, $0x2  }
0xbf: {  	s3 =	sand.u32 $0x4000, s31;
	s1 =	sadd.s32 s1, s30  }
0xc0: {  	s0 =	sor.u32 s3, s0;
	s1 =	sshll.u32 s1, $0x11  }
0xc1: {  	s0 =	sor.u32 s1, s0  }
0xc2: {  	s0 =	sadd.s32 $0x8F2B, s0  }
0xc3: {  	[sflag:s0] =	ssyncadd.remote.s32 $0x1  }
0xc4: {  	_ =	sfence.sel $0xFFFF  }
0xc5: {  	[dreg:$0x0] =	wrdreg $0xFFFFFFFF;
	(pc) =	sbr.abs _section_cstart, $3  }
0xc6: {  	[dreg:$0x1] =	wrdreg $0xFFFFFFFF  }
0xc7: {  	_ =	task.clear_ibuf [dreg:s7], $0x2FFFF;
	_ =	strace $0x9FFFFFFF  }
0xc8: {  	(tm) =	ssettm $0x7FFFFFFF  }
0xc9: {  	_ =	shalt  }
tec
execute0_lowered:
.L_overlay_start_1:
0x0: {  	(tag) =	ssettag $0x1  }
0x1: {  	s1 =	srdreg.scid;
	s0 =	stileid.u32  }
0x2: {  	s15 =	sand.u32 $0x1, s1;
	s30 =	sshll.u32 s0, $0x1  }
0x3: {  	s14 =	rddreg [dreg:$0x0];
	s8 =	sor.u32 s15, s30  }
0x4: {  	s13 =	rddreg [dreg:$0x1];
	s16 =	smul.u32 $0xA00, s8  }
0x5: {  	s2 =	simm.s32 $0x0;
	s1 =	rddreg [dreg:$0x2]  }
0x6: {  	[smem:$0x7FF] =	sst s2;
	s3 =	sshrl.u32 s16, $0x3  }
0x7: {  	_ =	strace $0x80000047;
	s4 =	sadd.s32 s13, s3;
	s3 =	simm.s32 $0x2  }
0x8: {  	[tilespmem:s2], [sflag:$0x2] =	stream.linear.gather [hbm4b:s4+s2], $0x280, $0x38;
	[tilespmem:$0x14280] =	vst v63  }
0x9: {  	_ =	swait.ge [sflag:s3], $0x280  }
0xa: {  	s6 =	simm.s32 $0x280;
	[sflag:s3] =	ssyncset.done $0x0  }
0xb: {  	s7 =	simm.s32 $0x1;
	s5 =	sadd.s32 $0x3D3A800, s14;
	[sflag:s3] =	ssyncadd.s32 $0xFFFFFD80  }
0xc: {  	[tilespmem:s6], [sflag:$0x1] =	stream.indirect.gather [hbm4b:s5+s6], $0x80, s2, s6, $0xb8;
	[tilespmem:$0x14280] =	vst v63  }
0xd: {  	s8 =	smul.u32 $0xA000, s8;
	_ =	swait.ge [sflag:s7], $0x14000  }
0xe: {  	[sflag:s7] =	ssyncset.done $0x0  }
0xf: {  	s8 =	sadd.s32 s14, s8;
	[sflag:s7] =	ssyncadd.s32 $0xFFFEC000  }
0x10: {  	[hbm4b:s8+s2] =	stream.linear.scatter [tilespmem:s6], [sflag:$0x2], $0x14000, $0x38;
	[tilespmem:$0x14280] =	vst v63  }
0x11: {  	s10 =	sadd.s32 $0x280, s16;
	_ =	swait.ge [sflag:s3], $0x14000  }
0x12: {  	s9 =	sshrl.u32 s10, $0x3;
	[sflag:s3] =	ssyncset.done $0x0  }
0x13: {  	s9 =	sadd.s32 s13, s9;
	[sflag:s3] =	ssyncadd.s32 $0xFFFEC000  }
0x14: {  	[tilespmem:s2], [sflag:$0x2] =	stream.linear.gather [hbm4b:s9+s2], $0x280, $0x38;
	[tilespmem:$0x14280] =	vst v63  }
0x15: {  	_ =	swait.ge [sflag:s3], $0x280  }
0x16: {  	[sflag:s3] =	ssyncset.done $0x0  }
0x17: {  	[sflag:s3] =	ssyncadd.s32 $0xFFFFFD80  }
0x18: {  	[tilespmem:s6], [sflag:$0x1] =	stream.indirect.gather [hbm4b:s5+s6], $0x80, s2, s6, $0xb8;
	[tilespmem:$0x14280] =	vst v63  }
0x19: {  	_ =	swait.ge [sflag:s7], $0x14000  }
0x1a: {  	s10 =	sshll.u32 s10, $0x4;
	[sflag:s7] =	ssyncset.done $0x0  }
0x1b: {  	s10 =	sadd.s32 s14, s10;
	[sflag:s7] =	ssyncadd.s32 $0xFFFEC000  }
0x1c: {  	[hbm4b:s10+s2] =	stream.linear.scatter [tilespmem:s6], [sflag:$0x2], $0x14000, $0x38;
	[tilespmem:$0x14280] =	vst v63  }
0x1d: {  	s12 =	sadd.s32 $0x500, s16;
	_ =	swait.ge [sflag:s3], $0x14000  }
0x1e: {  	s11 =	sshrl.u32 s12, $0x3;
	[sflag:s3] =	ssyncset.done $0x0  }
0x1f: {  	s11 =	sadd.s32 s13, s11;
	[sflag:s3] =	ssyncadd.s32 $0xFFFEC000  }
0x20: {  	[tilespmem:s2], [sflag:$0x2] =	stream.linear.gather [hbm4b:s11+s2], $0x280, $0x38;
	[tilespmem:$0x14280] =	vst v63  }
0x21: {  	_ =	swait.ge [sflag:s3], $0x280  }
0x22: {  	[sflag:s3] =	ssyncset.done $0x0  }
0x23: {  	[sflag:s3] =	ssyncadd.s32 $0xFFFFFD80  }
0x24: {  	[tilespmem:s6], [sflag:$0x1] =	stream.indirect.gather [hbm4b:s5+s6], $0x80, s2, s6, $0xb8;
	[tilespmem:$0x14280] =	vst v63  }
0x25: {  	_ =	swait.ge [sflag:s7], $0x14000  }
0x26: {  	s12 =	sshll.u32 s12, $0x4;
	[sflag:s7] =	ssyncset.done $0x0  }
0x27: {  	s12 =	sadd.s32 s14, s12;
	[sflag:s7] =	ssyncadd.s32 $0xFFFEC000  }
0x28: {  	[hbm4b:s12+s2] =	stream.linear.scatter [tilespmem:s6], [sflag:$0x2], $0x14000, $0x38;
	[tilespmem:$0x14280] =	vst v63  }
0x29: {  	s16 =	sadd.s32 $0x780, s16;
	_ =	swait.ge [sflag:s3], $0x14000  }
0x2a: {  	s17 =	sshrl.u32 s16, $0x3;
	[sflag:s3] =	ssyncset.done $0x0  }
0x2b: {  	s15 =	ssub.s32 $0x2, s15;
	s13 =	sadd.s32 s13, s17;
	[sflag:s3] =	ssyncadd.s32 $0xFFFEC000  }
0x2c: {  	[tilespmem:s2], [sflag:$0x2] =	stream.linear.gather [hbm4b:s13+s2], $0x280, $0x38;
	[tilespmem:$0x14280] =	vst v63  }
0x2d: {  	s31 =	sshrl.u32 s15, $0x1;
	_ =	swait.ge [sflag:s3], $0x280  }
0x2e: {  	s15 =	ssub.s32 s15, s31;
	[sflag:s3] =	ssyncset.done $0x0  }
0x2f: {  	s15 =	smax.u32 s15, $0x1;
	[sflag:s3] =	ssyncadd.s32 $0xFFFFFD80  }
0x30: {  	[tilespmem:s6], [sflag:$0x1] =	stream.indirect.gather [hbm4b:s5+s6], $0x80, s2, s6, $0xb8;
	[tilespmem:$0x14280] =	vst v63  }
0x31: {  	p0 =	sne.s32 s15, $0x1;
	_ =	swait.ge [sflag:s7], $0x14000  }
.Ltmp0:
0x32: {  	s16 =	sshll.u32 s16, $0x4;
	[sflag:s7] =	ssyncset.done $0x0;
	(pc) =	sbr.rel @!p0 .LBB2_2-.Ltmp0, $4  }
0x33: {  	s14 =	sadd.s32 s14, s16;
	[sflag:s7] =	ssyncadd.s32 $0xFFFEC000  }
0x34: {  	[hbm4b:s14+s2] =	stream.linear.scatter [tilespmem:s6], [sflag:$0x2], $0x14000, $0x38;
	[tilespmem:$0x14280] =	vst v63  }
0x35: {  	_ =	swait.ge [sflag:s3], $0x14000  }
0x36: {  	s15 =	sadd.s32 $0xFFFFFFFF, s15;
	[sflag:s3] =	ssyncset.done $0x0  }
.LBB2_1:
0x37: {  	p0 =	sne.s32 s15, $0x1;
	s15 =	sadd.s32 $0xFFFFFFFF, s15;
	[sflag:s3] =	ssyncadd.s32 $0xFFFEC000  }
0x38: {  	[tilespmem:s2], [sflag:$0x2] =	stream.linear.gather [hbm4b:s4+s2], $0x280, $0x38;
	[tilespmem:$0x14280] =	vst v63  }
0x39: {  	_ =	swait.ge [sflag:s3], $0x280  }
0x3a: {  	[sflag:s3] =	ssyncset.done $0x0  }
0x3b: {  	[sflag:s3] =	ssyncadd.s32 $0xFFFFFD80  }
0x3c: {  	[tilespmem:s6], [sflag:$0x1] =	stream.indirect.gather [hbm4b:s5+s6], $0x80, s2, s6, $0xb8;
	[tilespmem:$0x14280] =	vst v63  }
0x3d: {  	_ =	swait.ge [sflag:s7], $0x14000  }
0x3e: {  	[sflag:s7] =	ssyncset.done $0x0  }
0x3f: {  	[sflag:s7] =	ssyncadd.s32 $0xFFFEC000  }
0x40: {  	[hbm4b:s8+s2] =	stream.linear.scatter [tilespmem:s6], [sflag:$0x2], $0x14000, $0x38;
	[tilespmem:$0x14280] =	vst v63  }
0x41: {  	_ =	swait.ge [sflag:s3], $0x14000  }
0x42: {  	[sflag:s3] =	ssyncset.done $0x0  }
0x43: {  	[sflag:s3] =	ssyncadd.s32 $0xFFFEC000  }
0x44: {  	[tilespmem:s2], [sflag:$0x2] =	stream.linear.gather [hbm4b:s9+s2], $0x280, $0x38;
	[tilespmem:$0x14280] =	vst v63  }
0x45: {  	_ =	swait.ge [sflag:s3], $0x280  }
0x46: {  	[sflag:s3] =	ssyncset.done $0x0  }
0x47: {  	[sflag:s3] =	ssyncadd.s32 $0xFFFFFD80  }
0x48: {  	[tilespmem:s6], [sflag:$0x1] =	stream.indirect.gather [hbm4b:s5+s6], $0x80, s2, s6, $0xb8;
	[tilespmem:$0x14280] =	vst v63  }
0x49: {  	_ =	swait.ge [sflag:s7], $0x14000  }
0x4a: {  	[sflag:s7] =	ssyncset.done $0x0  }
0x4b: {  	[sflag:s7] =	ssyncadd.s32 $0xFFFEC000  }
0x4c: {  	[hbm4b:s10+s2] =	stream.linear.scatter [tilespmem:s6], [sflag:$0x2], $0x14000, $0x38;
	[tilespmem:$0x14280] =	vst v63  }
0x4d: {  	_ =	swait.ge [sflag:s3], $0x14000  }
0x4e: {  	[sflag:s3] =	ssyncset.done $0x0  }
0x4f: {  	[sflag:s3] =	ssyncadd.s32 $0xFFFEC000  }
0x50: {  	[tilespmem:s2], [sflag:$0x2] =	stream.linear.gather [hbm4b:s11+s2], $0x280, $0x38;
	[tilespmem:$0x14280] =	vst v63  }
0x51: {  	_ =	swait.ge [sflag:s3], $0x280  }
0x52: {  	[sflag:s3] =	ssyncset.done $0x0  }
0x53: {  	[sflag:s3] =	ssyncadd.s32 $0xFFFFFD80  }
0x54: {  	[tilespmem:s6], [sflag:$0x1] =	stream.indirect.gather [hbm4b:s5+s6], $0x80, s2, s6, $0xb8;
	[tilespmem:$0x14280] =	vst v63  }
0x55: {  	_ =	swait.ge [sflag:s7], $0x14000  }
0x56: {  	[sflag:s7] =	ssyncset.done $0x0  }
0x57: {  	[sflag:s7] =	ssyncadd.s32 $0xFFFEC000  }
0x58: {  	[hbm4b:s12+s2] =	stream.linear.scatter [tilespmem:s6], [sflag:$0x2], $0x14000, $0x38;
	[tilespmem:$0x14280] =	vst v63  }
0x59: {  	_ =	swait.ge [sflag:s3], $0x14000  }
0x5a: {  	[sflag:s3] =	ssyncset.done $0x0  }
0x5b: {  	[sflag:s3] =	ssyncadd.s32 $0xFFFEC000  }
0x5c: {  	[tilespmem:s2], [sflag:$0x2] =	stream.linear.gather [hbm4b:s13+s2], $0x280, $0x38;
	[tilespmem:$0x14280] =	vst v63  }
0x5d: {  	_ =	swait.ge [sflag:s3], $0x280  }
0x5e: {  	[sflag:s3] =	ssyncset.done $0x0  }
0x5f: {  	[sflag:s3] =	ssyncadd.s32 $0xFFFFFD80  }
0x60: {  	[tilespmem:s6], [sflag:$0x1] =	stream.indirect.gather [hbm4b:s5+s6], $0x80, s2, s6, $0xb8;
	[tilespmem:$0x14280] =	vst v63  }
0x61: {  	_ =	swait.ge [sflag:s7], $0x14000  }
.Ltmp1:
0x62: {  	[sflag:s7] =	ssyncset.done $0x0;
	(pc) =	sbr.rel @p0 .LBB2_1-.Ltmp1, $4  }
0x63: {  	[sflag:s7] =	ssyncadd.s32 $0xFFFEC000  }
0x64: {  	[hbm4b:s14+s2] =	stream.linear.scatter [tilespmem:s6], [sflag:$0x2], $0x14000, $0x38;
	[tilespmem:$0x14280] =	vst v63  }
0x65: {  	_ =	swait.ge [sflag:s3], $0x14000  }
0x66: {  	[sflag:s3] =	ssyncset.done $0x0  }
.LBB2_2:
0x67: {  	[sflag:s3] =	ssyncadd.s32 $0xFFFEC000  }
0x68: {  	_ =	sfence.sel $0x180000  }
0x69: {  	[bflag:$0x0] =	sbarrier.arrive $0xFFFF  }
0x6a: {  	p0 =	sne.s32 s0, $0x0;
	_ =	strace $0x90000047  }
0x6b: {  	s0 =	sadd.s32 @!p0 $0x100000, s1;
	[bflag:$0x2] =	sbarrier.arrive $0xFFFF  }
0x6c: {  	[sflag:s0] =	ssyncadd.tile.s32 @!p0 $0x1;
	_ =	shalt  }
.Lfunc_end2:
_tile_overlayer_lowered:
.L_overlay_start_2:
0x6d: {  	(tag) =	ssettag $0x2  }
0x6e: {  	s0 =	rddreg [dreg:$0x0];
	s2 =	stileid.u32  }
0x6f: {  	s1 =	rddreg [dreg:$0x1];
	p0 =	sne.s32 s2, $0x0  }
0x70: {  	s3 =	rddreg [dreg:$0x2];
	[bflag:$0x3] =	sbarrier.arrive $0xFFFF;
	s2 =	simm.s32 @!p0 $0x1C02  }
0x71: {  	[timem:s3], [sflag:s2] =	dma.local @!p0 [hbm:s0], s1  }
0x72: {  	s0 =	simm.s32 @!p0 $0x2  }
0x73: {  	_ =	swait.ge @!p0 [sflag:s0], s1  }
0x74: {  	s1 =	ssub.s32 @!p0 $0x0, s1;
	[sflag:s0] =	ssyncset.done @!p0 $0x0  }
0x75: {  	[sflag:s0] =	ssyncadd.s32 @!p0 s1  }
0x76: {  	[bflag:$0x3] =	sbarrier.arrive $0xFFFF  }
0x77: {  	_ =	shalt  }

</sc_bundles>
